<compile_context>
chip_gen: v7x
topology: tpu7x:2x2x1
jax: 0.10.2.dev20260603
libtpu: 0.0.44.dev20260713+nightly
codegen_flags: <defaults>
</compile_context>

<pallas_src>
import functools

import jax
import jax.numpy as jnp
from jax import lax
from jax.experimental import pallas as pl
from jax.experimental.pallas import tpu as pltpu
from jax.experimental.pallas import tpu_sc as plsc

NC, NS = 2, 16
NW = NC * NS

D = 300
DP = 320
BCH = 10
LSEG = 50
QSEG = 4
QIDX = QSEG * LSEG
NBUF = 2
FLUSH = 8


def _sc_pool(idx_flat, emb16):
    nseg = idx_flat.shape[0] // LSEG
    seg_w = nseg // NW
    q_w = seg_w // QSEG
    nblk = q_w // NBUF

    mesh = plsc.VectorSubcoreMesh(core_axis_name="c", subcore_axis_name="s")

    @functools.partial(
        pl.kernel,
        mesh=mesh,
        compiler_params=pltpu.CompilerParams(use_tc_tiling_on_sc=False),
        out_type=jax.ShapeDtypeStruct((nseg, DP), jnp.bfloat16),
        scratch_types=[
            pltpu.VMEM((seg_w * LSEG,), jnp.int32),
            pltpu.VMEM((QIDX, DP), jnp.bfloat16),
            pltpu.VMEM((QIDX, DP), jnp.bfloat16),
            pltpu.VMEM((FLUSH, DP), jnp.bfloat16),
            pltpu.SemaphoreType.DMA,
            pltpu.SemaphoreType.DMA,
        ],
    )
    def pool(idx_hbm, emb_hbm, out_hbm, idx_v, g0, g1, res_v, s0, s1):
        gbufs = (g0, g1)
        sems = (s0, s1)
        wid = lax.axis_index("s") * NC + lax.axis_index("c")
        seg_base = wid * seg_w
        pltpu.sync_copy(idx_hbm.at[pl.ds(seg_base * LSEG, seg_w * LSEG)],
                        idx_v)

        def fire(lq, j):
            pltpu.async_copy(
                emb_hbm.at[idx_v.at[pl.ds(lq * QIDX, QIDX)]], gbufs[j],
                sems[j])

        for j in range(NBUF):
            fire(j, j)

        def reduce_seg(gk, row0, resrow):
            def body(r, accs):
                return tuple(
                    jnp.maximum(accs[c], gk[row0 + r, pl.ds(c * 32, 32)])
                    for c in range(BCH))

            init = tuple(gk[row0, pl.ds(c * 32, 32)] for c in range(BCH))
            accs = lax.fori_loop(1, LSEG, body, init)
            for c in range(BCH):
                res_v[resrow, pl.ds(c * 32, 32)] = accs[c]

        def block(i, carry):
            for j in range(NBUF):
                lq = i * NBUF + j
                pltpu.make_async_copy(
                    emb_hbm.at[idx_v.at[pl.ds(lq * QIDX, QIDX)]], gbufs[j],
                    sems[j]).wait()
                for j4 in range(QSEG):
                    reduce_seg(gbufs[j], j4 * LSEG, j * QSEG + j4)
                nxt = lq + NBUF

                @pl.when(nxt < q_w)
                def _():
                    fire(nxt, j)

            pltpu.sync_copy(
                res_v, out_hbm.at[pl.ds(seg_base + i * FLUSH, FLUSH)])
            return carry

        lax.fori_loop(0, nblk, block, 0)

    return pool(idx_flat, emb16)


def _tc_tail(rm, cm, w0m, w1m, wa, wb, bias, labels):
    bsz = rm.shape[0]

    def body(rm_ref, cm_ref, w0_ref, w1_ref, wa_ref, wb_ref, b_ref, lab_ref,
             loss_ref, logits_ref):
        def r16(x):
            return x.astype(jnp.bfloat16).astype(jnp.float32)

        args = r16(jnp.maximum(rm_ref[...].astype(jnp.float32),
                               cm_ref[...].astype(jnp.float32)))
        wav = r16(wa_ref[...])
        wbv = r16(wb_ref[...])
        aw = jnp.sum(args * wav, axis=1, keepdims=True)
        d0 = jnp.sum(r16(w0_ref[...].astype(jnp.float32)) * wbv, axis=1,
                     keepdims=True)
        d1 = jnp.sum(r16(w1_ref[...].astype(jnp.float32)) * wbv, axis=1,
                     keepdims=True)
        bb = b_ref[0, 0]
        l0 = aw + d0 + bb
        l1 = aw + d1 + bb
        m = jnp.maximum(l0, l1)
        lse = m + jnp.log(jnp.exp(l0 - m) + jnp.exp(l1 - m))
        logits_ref[...] = jnp.concatenate([l0, l1], axis=1)
        chosen = jnp.where(lab_ref[...] == 0, l0, l1)
        loss_ref[...] = jnp.mean(lse - chosen).reshape(1, 1)

    return pl.pallas_call(
        body,
        out_shape=(jax.ShapeDtypeStruct((1, 1), jnp.float32),
                   jax.ShapeDtypeStruct((bsz, 2), jnp.float32)),
    )(rm, cm, w0m, w1m, wa, wb, bias, labels)


def kernel(reasons, claims, warrant0s, warrant1s, label_ids, embeddings, W, b):
    bsz, lseq = reasons.shape
    idx_flat = jnp.concatenate(
        [reasons, claims, warrant0s, warrant1s], axis=0).reshape(-1)
    emb16 = jnp.pad(embeddings, ((0, 0), (0, DP - D))).astype(jnp.bfloat16)
    pooled = _sc_pool(idx_flat, emb16)

    rm = pooled[0 * bsz:1 * bsz, :D]
    cm = pooled[1 * bsz:2 * bsz, :D]
    w0m = pooled[2 * bsz:3 * bsz, :D]
    w1m = pooled[3 * bsz:4 * bsz, :D]
    wa = W[:D, 0].reshape(1, D)
    wb = W[D:, 0].reshape(1, D)
    bias = b.reshape(1, 1).astype(jnp.float32)
    labels = label_ids.reshape(bsz, 1)

    loss2d, logits = _tc_tail(rm, cm, w0m, w1m, wa, wb, bias, labels)
    return (loss2d[0, 0], logits)

# --- scband reference (transcript-rebuilt; emitter-appended) ---
"""Pipeline reference for scband-bov-53206054863510 (READ-ONLY COPY).

The authoritative reference and input builder live on the scoring server;
editing this copy changes nothing except your own understanding.
"""

import jax, jax.numpy as jnp
import numpy as np

VOCAB = 400000
EMBED = 300
B = 4096
L = 50

def setup_inputs(seed: int = 0) -> dict:
    key = jax.random.key(seed)
    ks = jax.random.split(key, 8)
    reasons = jax.random.randint(ks[0], (B, L), 0, VOCAB, dtype=jnp.int64 if jax.config.jax_enable_x64 else jnp.int32).astype(jnp.int32)
    claims = jax.random.randint(ks[1], (B, L), 0, VOCAB).astype(jnp.int32)
    warrant0s = jax.random.randint(ks[2], (B, L), 0, VOCAB).astype(jnp.int32)
    warrant1s = jax.random.randint(ks[3], (B, L), 0, VOCAB).astype(jnp.int32)
    label_ids = jax.random.randint(ks[4], (B,), 0, 2).astype(jnp.int32)
    embeddings = jax.random.normal(ks[5], (VOCAB, EMBED), dtype=jnp.float32)
    W = jax.random.normal(ks[6], (2 * EMBED, 1), dtype=jnp.float32) * (1.0 / np.sqrt(2 * EMBED))
    b = jnp.zeros((1,), dtype=jnp.float32)
    return {"reasons": reasons, "claims": claims, "warrant0s": warrant0s, "warrant1s": warrant1s, "label_ids": label_ids, "embeddings": embeddings, "W": W, "b": b}


def reference(reasons, claims, warrant0s, warrant1s, label_ids, embeddings, W, b):
    # Embedding lookups (SparseCore gather)
    r = jnp.take(embeddings, reasons, axis=0)      # [B, L, 300]
    c = jnp.take(embeddings, claims, axis=0)       # [B, L, 300]
    w0 = jnp.take(embeddings, warrant0s, axis=0)   # [B, L, 300]
    w1 = jnp.take(embeddings, warrant1s, axis=0)   # [B, L, 300]
    args = jnp.concatenate([r, c], axis=1)         # [B, 2L, 300]
    args = jnp.max(args, axis=1)                   # [B, 300]
    w0m = jnp.max(w0, axis=1)                      # [B, 300]
    w1m = jnp.max(w1, axis=1)                      # [B, 300]
    input0 = jnp.concatenate([args, w0m], axis=1)  # [B, 600]
    input1 = jnp.concatenate([args, w1m], axis=1)  # [B, 600]
    # dropout in eval mode = identity
    logits0 = input0 @ W + b                       # [B, 1]
    logits1 = input1 @ W + b                       # [B, 1]
    logits = jnp.concatenate([logits0, logits1], axis=1)  # [B, 2]
    logp = jax.nn.log_softmax(logits, axis=1)
    nll = -jnp.take_along_axis(logp, label_ids[:, None].astype(jnp.int32), axis=1)[:, 0]
    loss = jnp.mean(nll)
    return (loss, logits)

if __name__ == "__main__":
    import jax
    _d = setup_inputs()
    print(jax.jit(kernel)(*tuple(_d.values())))

</pallas_src>

<mosaic_0001>
#map = affine_map<(d0, d1) -> (0)>
#map1 = affine_map<(d0, d1) -> (0, 0)>
module attributes {stable_mosaic.version = 14 : i64} {
  func.func @pool(%arg0: i32, %arg1: i32, %arg2: memref<819200xi32, #tpu.memory_space<hbm>>, %arg3: memref<400000x320xbf16, #tpu.memory_space<hbm>>, %arg4: memref<16384x320xbf16, #tpu.memory_space<hbm>>, %arg5: memref<25600xi32, #tpu.memory_space<vmem>>, %arg6: memref<200x320xbf16, #tpu.memory_space<vmem>>, %arg7: memref<200x320xbf16, #tpu.memory_space<vmem>>, %arg8: memref<8x320xbf16, #tpu.memory_space<vmem>>, %arg9: memref<!tpu.dma_semaphore, #tpu.memory_space<semaphore_mem>>, %arg10: memref<!tpu.dma_semaphore, #tpu.memory_space<semaphore_mem>>) attributes {dimension_semantics = [#tpu.dimension_semantics<core_parallel>, #tpu.dimension_semantics<subcore_parallel>], iteration_bounds = array<i64: 2, 16>, scalar_prefetch = 0 : i64, scratch_operands = 6 : i64, tpu.core_type = #tpu.core_type<sc_vector_subcore>, window_params = [{transform_indices = #map}, {transform_indices = #map1}, {transform_indices = #map1}]} {
    %mul3A = arith.constant 2 : i32
    %mul3A_0 = arith.muli %arg1, %mul3A : i32
    %add3A = arith.addi %mul3A_0, %arg0 : i32
    %mul3A_1 = arith.constant 512 : i32
    %mul3A_2 = arith.muli %add3A, %mul3A_1 : i32
    %mul3A_3 = arith.constant 50 : i32
    %mul3A_4 = arith.muli %mul3A_2, %mul3A_3 : i32
    "tpu.region"() ({
      %run_scoped3A = tpu.sem_alloc : memref<!tpu.dma_semaphore, #tpu.memory_space<semaphore_mem>>
      %dma_start3A_19 = tpu.memref_slice %arg2[%mul3A_4] : memref<819200xi32, #tpu.memory_space<hbm>> -> memref<25600xi32, #tpu.memory_space<hbm>>
      %dma_start3A_20 = tpu.memref_slice %arg2[%mul3A_4] : memref<819200xi32, #tpu.memory_space<hbm>> -> memref<25600xi32, #tpu.memory_space<hbm>>
      tpu.enqueue_dma source(%dma_start3A_20 : memref<25600xi32, #tpu.memory_space<hbm>>) target(%arg5 : memref<25600xi32, #tpu.memory_space<vmem>>) target_semaphore(%run_scoped3A : memref<!tpu.dma_semaphore, #tpu.memory_space<semaphore_mem>>)
      %dma_wait3A = tpu.memref_slice %arg2[%mul3A_4] : memref<819200xi32, #tpu.memory_space<hbm>> -> memref<25600xi32, #tpu.memory_space<hbm>>
      %dma_wait3A_21 = tpu.memref_slice %arg2[%mul3A_4] : memref<819200xi32, #tpu.memory_space<hbm>> -> memref<25600xi32, #tpu.memory_space<hbm>>
      tpu.wait_dma2 semaphore(%run_scoped3A : memref<!tpu.dma_semaphore, #tpu.memory_space<semaphore_mem>>) src(%dma_wait3A_21 : memref<25600xi32, #tpu.memory_space<hbm>>) dst(%arg5 : memref<25600xi32, #tpu.memory_space<vmem>>)
      tpu.yield
    }) : () -> ()
    %dma_start3A = arith.constant 0 : i32
    %dma_start3A_5 = tpu.memref_slice %arg5[%dma_start3A] : memref<25600xi32, #tpu.memory_space<vmem>> -> memref<200xi32, #tpu.memory_space<vmem>>
    %dma_start3A_6 = arith.constant 0 : i32
    %dma_start3A_7 = arith.constant 0 : i32
    %dma_start3A_8 = tpu.memref_slice %arg3[%dma_start3A_6, %dma_start3A_7] : memref<400000x320xbf16, #tpu.memory_space<hbm>> -> memref<400000x320xbf16, #tpu.memory_space<hbm>>
    tpu.enqueue_indirect_dma source(%dma_start3A_8 : memref<400000x320xbf16, #tpu.memory_space<hbm>>) target(%arg6 : memref<200x320xbf16, #tpu.memory_space<vmem>>) offsets(%dma_start3A_5 : memref<200xi32, #tpu.memory_space<vmem>>) semaphore(%arg9 : memref<!tpu.dma_semaphore, #tpu.memory_space<semaphore_mem>>)
    %dma_start3A_9 = arith.constant 200 : i32
    %dma_start3A_10 = tpu.memref_slice %arg5[%dma_start3A_9] : memref<25600xi32, #tpu.memory_space<vmem>> -> memref<200xi32, #tpu.memory_space<vmem>>
    %dma_start3A_11 = arith.constant 0 : i32
    %dma_start3A_12 = arith.constant 0 : i32
    %dma_start3A_13 = tpu.memref_slice %arg3[%dma_start3A_11, %dma_start3A_12] : memref<400000x320xbf16, #tpu.memory_space<hbm>> -> memref<400000x320xbf16, #tpu.memory_space<hbm>>
    tpu.enqueue_indirect_dma source(%dma_start3A_13 : memref<400000x320xbf16, #tpu.memory_space<hbm>>) target(%arg7 : memref<200x320xbf16, #tpu.memory_space<vmem>>) offsets(%dma_start3A_10 : memref<200xi32, #tpu.memory_space<vmem>>) semaphore(%arg10 : memref<!tpu.dma_semaphore, #tpu.memory_space<semaphore_mem>>)
    %scan3A = arith.constant 0 : i32
    %scan3A_14 = arith.constant 0 : i32
    %scan3A_15 = arith.constant 64 : i32
    %scan3A_16 = arith.addi %scan3A_14, %scan3A_15 : i32
    %scan3A_17 = arith.constant 1 : i32
    scf.for %scan3A_19 = %scan3A_14 to %scan3A_16 step %scan3A_17  : i32 {
      %mul3A_20 = arith.constant 2 : i32
      %mul3A_21 = arith.muli %scan3A_19, %mul3A_20 : i32
      %add3A_22 = arith.constant 0 : i32
      %add3A_23 = arith.addi %mul3A_21, %add3A_22 : i32
      %mul3A_24 = arith.constant 200 : i32
      %mul3A_25 = arith.muli %add3A_23, %mul3A_24 : i32
      %dma_wait3A = tpu.memref_slice %arg5[%mul3A_25] : memref<25600xi32, #tpu.memory_space<vmem>> -> memref<200xi32, #tpu.memory_space<vmem>>
      %dma_wait3A_26 = arith.constant 0 : i32
      %dma_wait3A_27 = arith.constant 0 : i32
      %dma_wait3A_28 = tpu.memref_slice %arg3[%dma_wait3A_26, %dma_wait3A_27] : memref<400000x320xbf16, #tpu.memory_space<hbm>> -> memref<400000x320xbf16, #tpu.memory_space<hbm>>
      tpu.wait_indirect_dma semaphore(%arg9 : memref<!tpu.dma_semaphore, #tpu.memory_space<semaphore_mem>>) src(%dma_wait3A_28 : memref<400000x320xbf16, #tpu.memory_space<hbm>>) dst(%arg6 : memref<200x320xbf16, #tpu.memory_space<vmem>>)
      %get3A = arith.constant 0 : i32
      %get3A_29 = arith.index_cast %get3A : i32 to index
      %get3A_30 = arith.constant 0 : index
      %get3A_31 = tpu.vector_load %arg6[%get3A_29, %get3A_30] {strides = array<i32>} : memref<200x320xbf16, #tpu.memory_space<vmem>>, vector<1x32xbf16>,
      %get3A_32 = vector.shape_cast %get3A_31 : vector<1x32xbf16> to vector<32xbf16>
      %get3A_33 = arith.constant 0 : i32
      %get3A_34 = arith.index_cast %get3A_33 : i32 to index
      %get3A_35 = arith.constant 32 : index
      %get3A_36 = tpu.vector_load %arg6[%get3A_34, %get3A_35] {strides = array<i32>} : memref<200x320xbf16, #tpu.memory_space<vmem>>, vector<1x32xbf16>,
      %get3A_37 = vector.shape_cast %get3A_36 : vector<1x32xbf16> to vector<32xbf16>
      %get3A_38 = arith.constant 0 : i32
      %get3A_39 = arith.index_cast %get3A_38 : i32 to index
      %get3A_40 = arith.constant 64 : index
      %get3A_41 = tpu.vector_load %arg6[%get3A_39, %get3A_40] {strides = array<i32>} : memref<200x320xbf16, #tpu.memory_space<vmem>>, vector<1x32xbf16>,
      %get3A_42 = vector.shape_cast %get3A_41 : vector<1x32xbf16> to vector<32xbf16>
      %get3A_43 = arith.constant 0 : i32
      %get3A_44 = arith.index_cast %get3A_43 : i32 to index
      %get3A_45 = arith.constant 96 : index
      %get3A_46 = tpu.vector_load %arg6[%get3A_44, %get3A_45] {strides = array<i32>} : memref<200x320xbf16, #tpu.memory_space<vmem>>, vector<1x32xbf16>,
      %get3A_47 = vector.shape_cast %get3A_46 : vector<1x32xbf16> to vector<32xbf16>
      %get3A_48 = arith.constant 0 : i32
      %get3A_49 = arith.index_cast %get3A_48 : i32 to index
      %get3A_50 = arith.constant 128 : index
      %get3A_51 = tpu.vector_load %arg6[%get3A_49, %get3A_50] {strides = array<i32>} : memref<200x320xbf16, #tpu.memory_space<vmem>>, vector<1x32xbf16>,
      %get3A_52 = vector.shape_cast %get3A_51 : vector<1x32xbf16> to vector<32xbf16>
      %get3A_53 = arith.constant 0 : i32
      %get3A_54 = arith.index_cast %get3A_53 : i32 to index
      %get3A_55 = arith.constant 160 : index
      %get3A_56 = tpu.vector_load %arg6[%get3A_54, %get3A_55] {strides = array<i32>} : memref<200x320xbf16, #tpu.memory_space<vmem>>, vector<1x32xbf16>,
      %get3A_57 = vector.shape_cast %get3A_56 : vector<1x32xbf16> to vector<32xbf16>
      %get3A_58 = arith.constant 0 : i32
      %get3A_59 = arith.index_cast %get3A_58 : i32 to index
      %get3A_60 = arith.constant 192 : index
      %get3A_61 = tpu.vector_load %arg6[%get3A_59, %get3A_60] {strides = array<i32>} : memref<200x320xbf16, #tpu.memory_space<vmem>>, vector<1x32xbf16>,
      %get3A_62 = vector.shape_cast %get3A_61 : vector<1x32xbf16> to vector<32xbf16>
      %get3A_63 = arith.constant 0 : i32
      %get3A_64 = arith.index_cast %get3A_63 : i32 to index
      %get3A_65 = arith.constant 224 : index
      %get3A_66 = tpu.vector_load %arg6[%get3A_64, %get3A_65] {strides = array<i32>} : memref<200x320xbf16, #tpu.memory_space<vmem>>, vector<1x32xbf16>,
      %get3A_67 = vector.shape_cast %get3A_66 : vector<1x32xbf16> to vector<32xbf16>
      %get3A_68 = arith.constant 0 : i32
      %get3A_69 = arith.index_cast %get3A_68 : i32 to index
      %get3A_70 = arith.constant 256 : index
      %get3A_71 = tpu.vector_load %arg6[%get3A_69, %get3A_70] {strides = array<i32>} : memref<200x320xbf16, #tpu.memory_space<vmem>>, vector<1x32xbf16>,
      %get3A_72 = vector.shape_cast %get3A_71 : vector<1x32xbf16> to vector<32xbf16>
      %get3A_73 = arith.constant 0 : i32
      %get3A_74 = arith.index_cast %get3A_73 : i32 to index
      %get3A_75 = arith.constant 288 : index
      %get3A_76 = tpu.vector_load %arg6[%get3A_74, %get3A_75] {strides = array<i32>} : memref<200x320xbf16, #tpu.memory_space<vmem>>, vector<1x32xbf16>,
      %get3A_77 = vector.shape_cast %get3A_76 : vector<1x32xbf16> to vector<32xbf16>
      %scan3A_78 = arith.constant 1 : i32
      %scan3A_79 = arith.constant 49 : i32
      %scan3A_80 = arith.addi %scan3A_78, %scan3A_79 : i32
      %scan3A_81 = arith.constant 1 : i32
      %scan3A_82:10 = scf.for %scan3A_979 = %scan3A_78 to %scan3A_80 step %scan3A_81 iter_args(%scan3A_980 = %get3A_32, %scan3A_981 = %get3A_37, %scan3A_982 = %get3A_42, %scan3A_983 = %get3A_47, %scan3A_984 = %get3A_52, %scan3A_985 = %get3A_57, %scan3A_986 = %get3A_62, %scan3A_987 = %get3A_67, %scan3A_988 = %get3A_72, %scan3A_989 = %get3A_77) -> (vector<32xbf16>, vector<32xbf16>, vector<32xbf16>, vector<32xbf16>, vector<32xbf16>, vector<32xbf16>, vector<32xbf16>, vector<32xbf16>, vector<32xbf16>, vector<32xbf16>)  : i32 {
        %add3A_990 = arith.constant 0 : i32
        %add3A_991 = arith.addi %add3A_990, %scan3A_979 : i32
        %get3A_992 = arith.index_cast %add3A_991 : i32 to index
        %get3A_993 = arith.constant 0 : index
        %get3A_994 = tpu.vector_load %arg6[%get3A_992, %get3A_993] {strides = array<i32>} : memref<200x320xbf16, #tpu.memory_space<vmem>>, vector<1x32xbf16>,
        %get3A_995 = vector.shape_cast %get3A_994 : vector<1x32xbf16> to vector<32xbf16>
        %max3A = arith.maximumf %scan3A_980, %get3A_995 : vector<32xbf16>
        %add3A_996 = arith.constant 0 : i32
        %add3A_997 = arith.addi %add3A_996, %scan3A_979 : i32
        %get3A_998 = arith.index_cast %add3A_997 : i32 to index
        %get3A_999 = arith.constant 32 : index
        %get3A_1000 = tpu.vector_load %arg6[%get3A_998, %get3A_999] {strides = array<i32>} : memref<200x320xbf16, #tpu.memory_space<vmem>>, vector<1x32xbf16>,
        %get3A_1001 = vector.shape_cast %get3A_1000 : vector<1x32xbf16> to vector<32xbf16>
        %max3A_1002 = arith.maximumf %scan3A_981, %get3A_1001 : vector<32xbf16>
        %add3A_1003 = arith.constant 0 : i32
        %add3A_1004 = arith.addi %add3A_1003, %scan3A_979 : i32
        %get3A_1005 = arith.index_cast %add3A_1004 : i32 to index
        %get3A_1006 = arith.constant 64 : index
        %get3A_1007 = tpu.vector_load %arg6[%get3A_1005, %get3A_1006] {strides = array<i32>} : memref<200x320xbf16, #tpu.memory_space<vmem>>, vector<1x32xbf16>,
        %get3A_1008 = vector.shape_cast %get3A_1007 : vector<1x32xbf16> to vector<32xbf16>
        %max3A_1009 = arith.maximumf %scan3A_982, %get3A_1008 : vector<32xbf16>
        %add3A_1010 = arith.constant 0 : i32
        %add3A_1011 = arith.addi %add3A_1010, %scan3A_979 : i32
        %get3A_1012 = arith.index_cast %add3A_1011 : i32 to index
        %get3A_1013 = arith.constant 96 : index
        %get3A_1014 = tpu.vector_load %arg6[%get3A_1012, %get3A_1013] {strides = array<i32>} : memref<200x320xbf16, #tpu.memory_space<vmem>>, vector<1x32xbf16>,
        %get3A_1015 = vector.shape_cast %get3A_1014 : vector<1x32xbf16> to vector<32xbf16>
        %max3A_1016 = arith.maximumf %scan3A_983, %get3A_1015 : vector<32xbf16>
        %add3A_1017 = arith.constant 0 : i32
        %add3A_1018 = arith.addi %add3A_1017, %scan3A_979 : i32
        %get3A_1019 = arith.index_cast %add3A_1018 : i32 to index
        %get3A_1020 = arith.constant 128 : index
        %get3A_1021 = tpu.vector_load %arg6[%get3A_1019, %get3A_1020] {strides = array<i32>} : memref<200x320xbf16, #tpu.memory_space<vmem>>, vector<1x32xbf16>,
        %get3A_1022 = vector.shape_cast %get3A_1021 : vector<1x32xbf16> to vector<32xbf16>
        %max3A_1023 = arith.maximumf %scan3A_984, %get3A_1022 : vector<32xbf16>
        %add3A_1024 = arith.constant 0 : i32
        %add3A_1025 = arith.addi %add3A_1024, %scan3A_979 : i32
        %get3A_1026 = arith.index_cast %add3A_1025 : i32 to index
        %get3A_1027 = arith.constant 160 : index
        %get3A_1028 = tpu.vector_load %arg6[%get3A_1026, %get3A_1027] {strides = array<i32>} : memref<200x320xbf16, #tpu.memory_space<vmem>>, vector<1x32xbf16>,
        %get3A_1029 = vector.shape_cast %get3A_1028 : vector<1x32xbf16> to vector<32xbf16>
        %max3A_1030 = arith.maximumf %scan3A_985, %get3A_1029 : vector<32xbf16>
        %add3A_1031 = arith.constant 0 : i32
        %add3A_1032 = arith.addi %add3A_1031, %scan3A_979 : i32
        %get3A_1033 = arith.index_cast %add3A_1032 : i32 to index
        %get3A_1034 = arith.constant 192 : index
        %get3A_1035 = tpu.vector_load %arg6[%get3A_1033, %get3A_1034] {strides = array<i32>} : memref<200x320xbf16, #tpu.memory_space<vmem>>, vector<1x32xbf16>,
        %get3A_1036 = vector.shape_cast %get3A_1035 : vector<1x32xbf16> to vector<32xbf16>
        %max3A_1037 = arith.maximumf %scan3A_986, %get3A_1036 : vector<32xbf16>
        %add3A_1038 = arith.constant 0 : i32
        %add3A_1039 = arith.addi %add3A_1038, %scan3A_979 : i32
        %get3A_1040 = arith.index_cast %add3A_1039 : i32 to index
        %get3A_1041 = arith.constant 224 : index
        %get3A_1042 = tpu.vector_load %arg6[%get3A_1040, %get3A_1041] {strides = array<i32>} : memref<200x320xbf16, #tpu.memory_space<vmem>>, vector<1x32xbf16>,
        %get3A_1043 = vector.shape_cast %get3A_1042 : vector<1x32xbf16> to vector<32xbf16>
        %max3A_1044 = arith.maximumf %scan3A_987, %get3A_1043 : vector<32xbf16>
        %add3A_1045 = arith.constant 0 : i32
        %add3A_1046 = arith.addi %add3A_1045, %scan3A_979 : i32
        %get3A_1047 = arith.index_cast %add3A_1046 : i32 to index
        %get3A_1048 = arith.constant 256 : index
        %get3A_1049 = tpu.vector_load %arg6[%get3A_1047, %get3A_1048] {strides = array<i32>} : memref<200x320xbf16, #tpu.memory_space<vmem>>, vector<1x32xbf16>,
        %get3A_1050 = vector.shape_cast %get3A_1049 : vector<1x32xbf16> to vector<32xbf16>
        %max3A_1051 = arith.maximumf %scan3A_988, %get3A_1050 : vector<32xbf16>
        %add3A_1052 = arith.constant 0 : i32
        %add3A_1053 = arith.addi %add3A_1052, %scan3A_979 : i32
        %get3A_1054 = arith.index_cast %add3A_1053 : i32 to index
        %get3A_1055 = arith.constant 288 : index
        %get3A_1056 = tpu.vector_load %arg6[%get3A_1054, %get3A_1055] {strides = array<i32>} : memref<200x320xbf16, #tpu.memory_space<vmem>>, vector<1x32xbf16>,
        %get3A_1057 = vector.shape_cast %get3A_1056 : vector<1x32xbf16> to vector<32xbf16>
        %max3A_1058 = arith.maximumf %scan3A_989, %get3A_1057 : vector<32xbf16>
        scf.yield %max3A, %max3A_1002, %max3A_1009, %max3A_1016, %max3A_1023, %max3A_1030, %max3A_1037, %max3A_1044, %max3A_1051, %max3A_1058 : vector<32xbf16>, vector<32xbf16>, vector<32xbf16>, vector<32xbf16>, vector<32xbf16>, vector<32xbf16>, vector<32xbf16>, vector<32xbf16>, vector<32xbf16>, vector<32xbf16>
      }
      %scan3A_83 = arith.constant 49 : i32
      %swap3A = arith.constant 0 : i32
      %swap3A_84 = arith.index_cast %swap3A : i32 to index
      %swap3A_85 = arith.constant 0 : index
      %swap3A_86 = tpu.vector_load %arg8[%swap3A_84, %swap3A_85] {strides = array<i32>} : memref<8x320xbf16, #tpu.memory_space<vmem>>, vector<1x32xbf16>,
      %swap3A_87 = vector.shape_cast %swap3A_86 : vector<1x32xbf16> to vector<32xbf16>
      %swap3A_88 = vector.shape_cast %scan3A_82#0 : vector<32xbf16> to vector<1x32xbf16>
      tpu.vector_store %arg8[%swap3A_84, %swap3A_85], %swap3A_88 {strides = array<i32>} : memref<8x320xbf16, #tpu.memory_space<vmem>>, vector<1x32xbf16>,
      %swap3A_89 = arith.constant 0 : i32
      %swap3A_90 = arith.index_cast %swap3A_89 : i32 to index
      %swap3A_91 = arith.constant 32 : index
      %swap3A_92 = tpu.vector_load %arg8[%swap3A_90, %swap3A_91] {strides = array<i32>} : memref<8x320xbf16, #tpu.memory_space<vmem>>, vector<1x32xbf16>,
      %swap3A_93 = vector.shape_cast %swap3A_92 : vector<1x32xbf16> to vector<32xbf16>
      %swap3A_94 = vector.shape_cast %scan3A_82#1 : vector<32xbf16> to vector<1x32xbf16>
      tpu.vector_store %arg8[%swap3A_90, %swap3A_91], %swap3A_94 {strides = array<i32>} : memref<8x320xbf16, #tpu.memory_space<vmem>>, vector<1x32xbf16>,
      %swap3A_95 = arith.constant 0 : i32
      %swap3A_96 = arith.index_cast %swap3A_95 : i32 to index
      %swap3A_97 = arith.constant 64 : index
      %swap3A_98 = tpu.vector_load %arg8[%swap3A_96, %swap3A_97] {strides = array<i32>} : memref<8x320xbf16, #tpu.memory_space<vmem>>, vector<1x32xbf16>,
      %swap3A_99 = vector.shape_cast %swap3A_98 : vector<1x32xbf16> to vector<32xbf16>
      %swap3A_100 = vector.shape_cast %scan3A_82#2 : vector<32xbf16> to vector<1x32xbf16>
      tpu.vector_store %arg8[%swap3A_96, %swap3A_97], %swap3A_100 {strides = array<i32>} : memref<8x320xbf16, #tpu.memory_space<vmem>>, vector<1x32xbf16>,
      %swap3A_101 = arith.constant 0 : i32
      %swap3A_102 = arith.index_cast %swap3A_101 : i32 to index
      %swap3A_103 = arith.constant 96 : index
      %swap3A_104 = tpu.vector_load %arg8[%swap3A_102, %swap3A_103] {strides = array<i32>} : memref<8x320xbf16, #tpu.memory_space<vmem>>, vector<1x32xbf16>,
      %swap3A_105 = vector.shape_cast %swap3A_104 : vector<1x32xbf16> to vector<32xbf16>
      %swap3A_106 = vector.shape_cast %scan3A_82#3 : vector<32xbf16> to vector<1x32xbf16>
      tpu.vector_store %arg8[%swap3A_102, %swap3A_103], %swap3A_106 {strides = array<i32>} : memref<8x320xbf16, #tpu.memory_space<vmem>>, vector<1x32xbf16>,
      %swap3A_107 = arith.constant 0 : i32
      %swap3A_108 = arith.index_cast %swap3A_107 : i32 to index
      %swap3A_109 = arith.constant 128 : index
      %swap3A_110 = tpu.vector_load %arg8[%swap3A_108, %swap3A_109] {strides = array<i32>} : memref<8x320xbf16, #tpu.memory_space<vmem>>, vector<1x32xbf16>,
      %swap3A_111 = vector.shape_cast %swap3A_110 : vector<1x32xbf16> to vector<32xbf16>
      %swap3A_112 = vector.shape_cast %scan3A_82#4 : vector<32xbf16> to vector<1x32xbf16>
      tpu.vector_store %arg8[%swap3A_108, %swap3A_109], %swap3A_112 {strides = array<i32>} : memref<8x320xbf16, #tpu.memory_space<vmem>>, vector<1x32xbf16>,
      %swap3A_113 = arith.constant 0 : i32
      %swap3A_114 = arith.index_cast %swap3A_113 : i32 to index
      %swap3A_115 = arith.constant 160 : index
      %swap3A_116 = tpu.vector_load %arg8[%swap3A_114, %swap3A_115] {strides = array<i32>} : memref<8x320xbf16, #tpu.memory_space<vmem>>, vector<1x32xbf16>,
      %swap3A_117 = vector.shape_cast %swap3A_116 : vector<1x32xbf16> to vector<32xbf16>
      %swap3A_118 = vector.shape_cast %scan3A_82#5 : vector<32xbf16> to vector<1x32xbf16>
      tpu.vector_store %arg8[%swap3A_114, %swap3A_115], %swap3A_118 {strides = array<i32>} : memref<8x320xbf16, #tpu.memory_space<vmem>>, vector<1x32xbf16>,
      %swap3A_119 = arith.constant 0 : i32
      %swap3A_120 = arith.index_cast %swap3A_119 : i32 to index
      %swap3A_121 = arith.constant 192 : index
      %swap3A_122 = tpu.vector_load %arg8[%swap3A_120, %swap3A_121] {strides = array<i32>} : memref<8x320xbf16, #tpu.memory_space<vmem>>, vector<1x32xbf16>,
      %swap3A_123 = vector.shape_cast %swap3A_122 : vector<1x32xbf16> to vector<32xbf16>
      %swap3A_124 = vector.shape_cast %scan3A_82#6 : vector<32xbf16> to vector<1x32xbf16>
      tpu.vector_store %arg8[%swap3A_120, %swap3A_121], %swap3A_124 {strides = array<i32>} : memref<8x320xbf16, #tpu.memory_space<vmem>>, vector<1x32xbf16>,
      %swap3A_125 = arith.constant 0 : i32
      %swap3A_126 = arith.index_cast %swap3A_125 : i32 to index
      %swap3A_127 = arith.constant 224 : index
      %swap3A_128 = tpu.vector_load %arg8[%swap3A_126, %swap3A_127] {strides = array<i32>} : memref<8x320xbf16, #tpu.memory_space<vmem>>, vector<1x32xbf16>,
      %swap3A_129 = vector.shape_cast %swap3A_128 : vector<1x32xbf16> to vector<32xbf16>
      %swap3A_130 = vector.shape_cast %scan3A_82#7 : vector<32xbf16> to vector<1x32xbf16>
      tpu.vector_store %arg8[%swap3A_126, %swap3A_127], %swap3A_130 {strides = array<i32>} : memref<8x320xbf16, #tpu.memory_space<vmem>>, vector<1x32xbf16>,
      %swap3A_131 = arith.constant 0 : i32
      %swap3A_132 = arith.index_cast %swap3A_131 : i32 to index
      %swap3A_133 = arith.constant 256 : index
      %swap3A_134 = tpu.vector_load %arg8[%swap3A_132, %swap3A_133] {strides = array<i32>} : memref<8x320xbf16, #tpu.memory_space<vmem>>, vector<1x32xbf16>,
      %swap3A_135 = vector.shape_cast %swap3A_134 : vector<1x32xbf16> to vector<32xbf16>
      %swap3A_136 = vector.shape_cast %scan3A_82#8 : vector<32xbf16> to vector<1x32xbf16>
      tpu.vector_store %arg8[%swap3A_132, %swap3A_133], %swap3A_136 {strides = array<i32>} : memref<8x320xbf16, #tpu.memory_space<vmem>>, vector<1x32xbf16>,
      %swap3A_137 = arith.constant 0 : i32
      %swap3A_138 = arith.index_cast %swap3A_137 : i32 to index
      %swap3A_139 = arith.constant 288 : index
      %swap3A_140 = tpu.vector_load %arg8[%swap3A_138, %swap3A_139] {strides = array<i32>} : memref<8x320xbf16, #tpu.memory_space<vmem>>, vector<1x32xbf16>,
      %swap3A_141 = vector.shape_cast %swap3A_140 : vector<1x32xbf16> to vector<32xbf16>
      %swap3A_142 = vector.shape_cast %scan3A_82#9 : vector<32xbf16> to vector<1x32xbf16>
      tpu.vector_store %arg8[%swap3A_138, %swap3A_139], %swap3A_142 {strides = array<i32>} : memref<8x320xbf16, #tpu.memory_space<vmem>>, vector<1x32xbf16>,
      %get3A_143 = arith.constant 50 : i32
      %get3A_144 = arith.index_cast %get3A_143 : i32 to index
      %get3A_145 = arith.constant 0 : index
      %get3A_146 = tpu.vector_load %arg6[%get3A_144, %get3A_145] {strides = array<i32>} : memref<200x320xbf16, #tpu.memory_space<vmem>>, vector<1x32xbf16>,
      %get3A_147 = vector.shape_cast %get3A_146 : vector<1x32xbf16> to vector<32xbf16>
      %get3A_148 = arith.constant 50 : i32
      %get3A_149 = arith.index_cast %get3A_148 : i32 to index
      %get3A_150 = arith.constant 32 : index
      %get3A_151 = tpu.vector_load %arg6[%get3A_149, %get3A_150] {strides = array<i32>} : memref<200x320xbf16, #tpu.memory_space<vmem>>, vector<1x32xbf16>,
      %get3A_152 = vector.shape_cast %get3A_151 : vector<1x32xbf16> to vector<32xbf16>
      %get3A_153 = arith.constant 50 : i32
      %get3A_154 = arith.index_cast %get3A_153 : i32 to index
      %get3A_155 = arith.constant 64 : index
      %get3A_156 = tpu.vector_load %arg6[%get3A_154, %get3A_155] {strides = array<i32>} : memref<200x320xbf16, #tpu.memory_space<vmem>>, vector<1x32xbf16>,
      %get3A_157 = vector.shape_cast %get3A_156 : vector<1x32xbf16> to vector<32xbf16>
      %get3A_158 = arith.constant 50 : i32
      %get3A_159 = arith.index_cast %get3A_158 : i32 to index
      %get3A_160 = arith.constant 96 : index
      %get3A_161 = tpu.vector_load %arg6[%get3A_159, %get3A_160] {strides = array<i32>} : memref<200x320xbf16, #tpu.memory_space<vmem>>, vector<1x32xbf16>,
      %get3A_162 = vector.shape_cast %get3A_161 : vector<1x32xbf16> to vector<32xbf16>
      %get3A_163 = arith.constant 50 : i32
      %get3A_164 = arith.index_cast %get3A_163 : i32 to index
      %get3A_165 = arith.constant 128 : index
      %get3A_166 = tpu.vector_load %arg6[%get3A_164, %get3A_165] {strides = array<i32>} : memref<200x320xbf16, #tpu.memory_space<vmem>>, vector<1x32xbf16>,
      %get3A_167 = vector.shape_cast %get3A_166 : vector<1x32xbf16> to vector<32xbf16>
      %get3A_168 = arith.constant 50 : i32
      %get3A_169 = arith.index_cast %get3A_168 : i32 to index
      %get3A_170 = arith.constant 160 : index
      %get3A_171 = tpu.vector_load %arg6[%get3A_169, %get3A_170] {strides = array<i32>} : memref<200x320xbf16, #tpu.memory_space<vmem>>, vector<1x32xbf16>,
      %get3A_172 = vector.shape_cast %get3A_171 : vector<1x32xbf16> to vector<32xbf16>
      %get3A_173 = arith.constant 50 : i32
      %get3A_174 = arith.index_cast %get3A_173 : i32 to index
      %get3A_175 = arith.constant 192 : index
      %get3A_176 = tpu.vector_load %arg6[%get3A_174, %get3A_175] {strides = array<i32>} : memref<200x320xbf16, #tpu.memory_space<vmem>>, vector<1x32xbf16>,
      %get3A_177 = vector.shape_cast %get3A_176 : vector<1x32xbf16> to vector<32xbf16>
      %get3A_178 = arith.constant 50 : i32
      %get3A_179 = arith.index_cast %get3A_178 : i32 to index
      %get3A_180 = arith.constant 224 : index
      %get3A_181 = tpu.vector_load %arg6[%get3A_179, %get3A_180] {strides = array<i32>} : memref<200x320xbf16, #tpu.memory_space<vmem>>, vector<1x32xbf16>,
      %get3A_182 = vector.shape_cast %get3A_181 : vector<1x32xbf16> to vector<32xbf16>
      %get3A_183 = arith.constant 50 : i32
      %get3A_184 = arith.index_cast %get3A_183 : i32 to index
      %get3A_185 = arith.constant 256 : index
      %get3A_186 = tpu.vector_load %arg6[%get3A_184, %get3A_185] {strides = array<i32>} : memref<200x320xbf16, #tpu.memory_space<vmem>>, vector<1x32xbf16>,
      %get3A_187 = vector.shape_cast %get3A_186 : vector<1x32xbf16> to vector<32xbf16>
      %get3A_188 = arith.constant 50 : i32
      %get3A_189 = arith.index_cast %get3A_188 : i32 to index
      %get3A_190 = arith.constant 288 : index
      %get3A_191 = tpu.vector_load %arg6[%get3A_189, %get3A_190] {strides = array<i32>} : memref<200x320xbf16, #tpu.memory_space<vmem>>, vector<1x32xbf16>,
      %get3A_192 = vector.shape_cast %get3A_191 : vector<1x32xbf16> to vector<32xbf16>
      %scan3A_193 = arith.constant 1 : i32
      %scan3A_194 = arith.constant 49 : i32
      %scan3A_195 = arith.addi %scan3A_193, %scan3A_194 : i32
      %scan3A_196 = arith.constant 1 : i32
      %scan3A_197:10 = scf.for %scan3A_979 = %scan3A_193 to %scan3A_195 step %scan3A_196 iter_args(%scan3A_980 = %get3A_147, %scan3A_981 = %get3A_152, %scan3A_982 = %get3A_157, %scan3A_983 = %get3A_162, %scan3A_984 = %get3A_167, %scan3A_985 = %get3A_172, %scan3A_986 = %get3A_177, %scan3A_987 = %get3A_182, %scan3A_988 = %get3A_187, %scan3A_989 = %get3A_192) -> (vector<32xbf16>, vector<32xbf16>, vector<32xbf16>, vector<32xbf16>, vector<32xbf16>, vector<32xbf16>, vector<32xbf16>, vector<32xbf16>, vector<32xbf16>, vector<32xbf16>)  : i32 {
        %add3A_990 = arith.constant 50 : i32
        %add3A_991 = arith.addi %add3A_990, %scan3A_979 : i32
        %get3A_992 = arith.index_cast %add3A_991 : i32 to index
        %get3A_993 = arith.constant 0 : index
        %get3A_994 = tpu.vector_load %arg6[%get3A_992, %get3A_993] {strides = array<i32>} : memref<200x320xbf16, #tpu.memory_space<vmem>>, vector<1x32xbf16>,
        %get3A_995 = vector.shape_cast %get3A_994 : vector<1x32xbf16> to vector<32xbf16>
        %max3A = arith.maximumf %scan3A_980, %get3A_995 : vector<32xbf16>
        %add3A_996 = arith.constant 50 : i32
        %add3A_997 = arith.addi %add3A_996, %scan3A_979 : i32
        %get3A_998 = arith.index_cast %add3A_997 : i32 to index
        %get3A_999 = arith.constant 32 : index
        %get3A_1000 = tpu.vector_load %arg6[%get3A_998, %get3A_999] {strides = array<i32>} : memref<200x320xbf16, #tpu.memory_space<vmem>>, vector<1x32xbf16>,
        %get3A_1001 = vector.shape_cast %get3A_1000 : vector<1x32xbf16> to vector<32xbf16>
        %max3A_1002 = arith.maximumf %scan3A_981, %get3A_1001 : vector<32xbf16>
        %add3A_1003 = arith.constant 50 : i32
        %add3A_1004 = arith.addi %add3A_1003, %scan3A_979 : i32
        %get3A_1005 = arith.index_cast %add3A_1004 : i32 to index
        %get3A_1006 = arith.constant 64 : index
        %get3A_1007 = tpu.vector_load %arg6[%get3A_1005, %get3A_1006] {strides = array<i32>} : memref<200x320xbf16, #tpu.memory_space<vmem>>, vector<1x32xbf16>,
        %get3A_1008 = vector.shape_cast %get3A_1007 : vector<1x32xbf16> to vector<32xbf16>
        %max3A_1009 = arith.maximumf %scan3A_982, %get3A_1008 : vector<32xbf16>
        %add3A_1010 = arith.constant 50 : i32
        %add3A_1011 = arith.addi %add3A_1010, %scan3A_979 : i32
        %get3A_1012 = arith.index_cast %add3A_1011 : i32 to index
        %get3A_1013 = arith.constant 96 : index
        %get3A_1014 = tpu.vector_load %arg6[%get3A_1012, %get3A_1013] {strides = array<i32>} : memref<200x320xbf16, #tpu.memory_space<vmem>>, vector<1x32xbf16>,
        %get3A_1015 = vector.shape_cast %get3A_1014 : vector<1x32xbf16> to vector<32xbf16>
        %max3A_1016 = arith.maximumf %scan3A_983, %get3A_1015 : vector<32xbf16>
        %add3A_1017 = arith.constant 50 : i32
        %add3A_1018 = arith.addi %add3A_1017, %scan3A_979 : i32
        %get3A_1019 = arith.index_cast %add3A_1018 : i32 to index
        %get3A_1020 = arith.constant 128 : index
        %get3A_1021 = tpu.vector_load %arg6[%get3A_1019, %get3A_1020] {strides = array<i32>} : memref<200x320xbf16, #tpu.memory_space<vmem>>, vector<1x32xbf16>,
        %get3A_1022 = vector.shape_cast %get3A_1021 : vector<1x32xbf16> to vector<32xbf16>
        %max3A_1023 = arith.maximumf %scan3A_984, %get3A_1022 : vector<32xbf16>
        %add3A_1024 = arith.constant 50 : i32
        %add3A_1025 = arith.addi %add3A_1024, %scan3A_979 : i32
        %get3A_1026 = arith.index_cast %add3A_1025 : i32 to index
        %get3A_1027 = arith.constant 160 : index
        %get3A_1028 = tpu.vector_load %arg6[%get3A_1026, %get3A_1027] {strides = array<i32>} : memref<200x320xbf16, #tpu.memory_space<vmem>>, vector<1x32xbf16>,
        %get3A_1029 = vector.shape_cast %get3A_1028 : vector<1x32xbf16> to vector<32xbf16>
        %max3A_1030 = arith.maximumf %scan3A_985, %get3A_1029 : vector<32xbf16>
        %add3A_1031 = arith.constant 50 : i32
        %add3A_1032 = arith.addi %add3A_1031, %scan3A_979 : i32
        %get3A_1033 = arith.index_cast %add3A_1032 : i32 to index
        %get3A_1034 = arith.constant 192 : index
        %get3A_1035 = tpu.vector_load %arg6[%get3A_1033, %get3A_1034] {strides = array<i32>} : memref<200x320xbf16, #tpu.memory_space<vmem>>, vector<1x32xbf16>,
        %get3A_1036 = vector.shape_cast %get3A_1035 : vector<1x32xbf16> to vector<32xbf16>
        %max3A_1037 = arith.maximumf %scan3A_986, %get3A_1036 : vector<32xbf16>
        %add3A_1038 = arith.constant 50 : i32
        %add3A_1039 = arith.addi %add3A_1038, %scan3A_979 : i32
        %get3A_1040 = arith.index_cast %add3A_1039 : i32 to index
        %get3A_1041 = arith.constant 224 : index
        %get3A_1042 = tpu.vector_load %arg6[%get3A_1040, %get3A_1041] {strides = array<i32>} : memref<200x320xbf16, #tpu.memory_space<vmem>>, vector<1x32xbf16>,
        %get3A_1043 = vector.shape_cast %get3A_1042 : vector<1x32xbf16> to vector<32xbf16>
        %max3A_1044 = arith.maximumf %scan3A_987, %get3A_1043 : vector<32xbf16>
        %add3A_1045 = arith.constant 50 : i32
        %add3A_1046 = arith.addi %add3A_1045, %scan3A_979 : i32
        %get3A_1047 = arith.index_cast %add3A_1046 : i32 to index
        %get3A_1048 = arith.constant 256 : index
        %get3A_1049 = tpu.vector_load %arg6[%get3A_1047, %get3A_1048] {strides = array<i32>} : memref<200x320xbf16, #tpu.memory_space<vmem>>, vector<1x32xbf16>,
        %get3A_1050 = vector.shape_cast %get3A_1049 : vector<1x32xbf16> to vector<32xbf16>
        %max3A_1051 = arith.maximumf %scan3A_988, %get3A_1050 : vector<32xbf16>
        %add3A_1052 = arith.constant 50 : i32
        %add3A_1053 = arith.addi %add3A_1052, %scan3A_979 : i32
        %get3A_1054 = arith.index_cast %add3A_1053 : i32 to index
        %get3A_1055 = arith.constant 288 : index
        %get3A_1056 = tpu.vector_load %arg6[%get3A_1054, %get3A_1055] {strides = array<i32>} : memref<200x320xbf16, #tpu.memory_space<vmem>>, vector<1x32xbf16>,
        %get3A_1057 = vector.shape_cast %get3A_1056 : vector<1x32xbf16> to vector<32xbf16>
        %max3A_1058 = arith.maximumf %scan3A_989, %get3A_1057 : vector<32xbf16>
        scf.yield %max3A, %max3A_1002, %max3A_1009, %max3A_1016, %max3A_1023, %max3A_1030, %max3A_1037, %max3A_1044, %max3A_1051, %max3A_1058 : vector<32xbf16>, vector<32xbf16>, vector<32xbf16>, vector<32xbf16>, vector<32xbf16>, vector<32xbf16>, vector<32xbf16>, vector<32xbf16>, vector<32xbf16>, vector<32xbf16>
      }
      %scan3A_198 = arith.constant 49 : i32
      %swap3A_199 = arith.constant 1 : i32
      %swap3A_200 = arith.index_cast %swap3A_199 : i32 to index
      %swap3A_201 = arith.constant 0 : index
      %swap3A_202 = tpu.vector_load %arg8[%swap3A_200, %swap3A_201] {strides = array<i32>} : memref<8x320xbf16, #tpu.memory_space<vmem>>, vector<1x32xbf16>,
      %swap3A_203 = vector.shape_cast %swap3A_202 : vector<1x32xbf16> to vector<32xbf16>
      %swap3A_204 = vector.shape_cast %scan3A_197#0 : vector<32xbf16> to vector<1x32xbf16>
      tpu.vector_store %arg8[%swap3A_200, %swap3A_201], %swap3A_204 {strides = array<i32>} : memref<8x320xbf16, #tpu.memory_space<vmem>>, vector<1x32xbf16>,
      %swap3A_205 = arith.constant 1 : i32
      %swap3A_206 = arith.index_cast %swap3A_205 : i32 to index
      %swap3A_207 = arith.constant 32 : index
      %swap3A_208 = tpu.vector_load %arg8[%swap3A_206, %swap3A_207] {strides = array<i32>} : memref<8x320xbf16, #tpu.memory_space<vmem>>, vector<1x32xbf16>,
      %swap3A_209 = vector.shape_cast %swap3A_208 : vector<1x32xbf16> to vector<32xbf16>
      %swap3A_210 = vector.shape_cast %scan3A_197#1 : vector<32xbf16> to vector<1x32xbf16>
      tpu.vector_store %arg8[%swap3A_206, %swap3A_207], %swap3A_210 {strides = array<i32>} : memref<8x320xbf16, #tpu.memory_space<vmem>>, vector<1x32xbf16>,
      %swap3A_211 = arith.constant 1 : i32
      %swap3A_212 = arith.index_cast %swap3A_211 : i32 to index
      %swap3A_213 = arith.constant 64 : index
      %swap3A_214 = tpu.vector_load %arg8[%swap3A_212, %swap3A_213] {strides = array<i32>} : memref<8x320xbf16, #tpu.memory_space<vmem>>, vector<1x32xbf16>,
      %swap3A_215 = vector.shape_cast %swap3A_214 : vector<1x32xbf16> to vector<32xbf16>
      %swap3A_216 = vector.shape_cast %scan3A_197#2 : vector<32xbf16> to vector<1x32xbf16>
      tpu.vector_store %arg8[%swap3A_212, %swap3A_213], %swap3A_216 {strides = array<i32>} : memref<8x320xbf16, #tpu.memory_space<vmem>>, vector<1x32xbf16>,
      %swap3A_217 = arith.constant 1 : i32
      %swap3A_218 = arith.index_cast %swap3A_217 : i32 to index
      %swap3A_219 = arith.constant 96 : index
      %swap3A_220 = tpu.vector_load %arg8[%swap3A_218, %swap3A_219] {strides = array<i32>} : memref<8x320xbf16, #tpu.memory_space<vmem>>, vector<1x32xbf16>,
      %swap3A_221 = vector.shape_cast %swap3A_220 : vector<1x32xbf16> to vector<32xbf16>
      %swap3A_222 = vector.shape_cast %scan3A_197#3 : vector<32xbf16> to vector<1x32xbf16>
      tpu.vector_store %arg8[%swap3A_218, %swap3A_219], %swap3A_222 {strides = array<i32>} : memref<8x320xbf16, #tpu.memory_space<vmem>>, vector<1x32xbf16>,
      %swap3A_223 = arith.constant 1 : i32
      %swap3A_224 = arith.index_cast %swap3A_223 : i32 to index
      %swap3A_225 = arith.constant 128 : index
      %swap3A_226 = tpu.vector_load %arg8[%swap3A_224, %swap3A_225] {strides = array<i32>} : memref<8x320xbf16, #tpu.memory_space<vmem>>, vector<1x32xbf16>,
      %swap3A_227 = vector.shape_cast %swap3A_226 : vector<1x32xbf16> to vector<32xbf16>
      %swap3A_228 = vector.shape_cast %scan3A_197#4 : vector<32xbf16> to vector<1x32xbf16>
      tpu.vector_store %arg8[%swap3A_224, %swap3A_225], %swap3A_228 {strides = array<i32>} : memref<8x320xbf16, #tpu.memory_space<vmem>>, vector<1x32xbf16>,
      %swap3A_229 = arith.constant 1 : i32
      %swap3A_230 = arith.index_cast %swap3A_229 : i32 to index
      %swap3A_231 = arith.constant 160 : index
      %swap3A_232 = tpu.vector_load %arg8[%swap3A_230, %swap3A_231] {strides = array<i32>} : memref<8x320xbf16, #tpu.memory_space<vmem>>, vector<1x32xbf16>,
      %swap3A_233 = vector.shape_cast %swap3A_232 : vector<1x32xbf16> to vector<32xbf16>
      %swap3A_234 = vector.shape_cast %scan3A_197#5 : vector<32xbf16> to vector<1x32xbf16>
      tpu.vector_store %arg8[%swap3A_230, %swap3A_231], %swap3A_234 {strides = array<i32>} : memref<8x320xbf16, #tpu.memory_space<vmem>>, vector<1x32xbf16>,
      %swap3A_235 = arith.constant 1 : i32
      %swap3A_236 = arith.index_cast %swap3A_235 : i32 to index
      %swap3A_237 = arith.constant 192 : index
      %swap3A_238 = tpu.vector_load %arg8[%swap3A_236, %swap3A_237] {strides = array<i32>} : memref<8x320xbf16, #tpu.memory_space<vmem>>, vector<1x32xbf16>,
      %swap3A_239 = vector.shape_cast %swap3A_238 : vector<1x32xbf16> to vector<32xbf16>
      %swap3A_240 = vector.shape_cast %scan3A_197#6 : vector<32xbf16> to vector<1x32xbf16>
      tpu.vector_store %arg8[%swap3A_236, %swap3A_237], %swap3A_240 {strides = array<i32>} : memref<8x320xbf16, #tpu.memory_space<vmem>>, vector<1x32xbf16>,
      %swap3A_241 = arith.constant 1 : i32
      %swap3A_242 = arith.index_cast %swap3A_241 : i32 to index
      %swap3A_243 = arith.constant 224 : index
      %swap3A_244 = tpu.vector_load %arg8[%swap3A_242, %swap3A_243] {strides = array<i32>} : memref<8x320xbf16, #tpu.memory_space<vmem>>, vector<1x32xbf16>,
      %swap3A_245 = vector.shape_cast %swap3A_244 : vector<1x32xbf16> to vector<32xbf16>
      %swap3A_246 = vector.shape_cast %scan3A_197#7 : vector<32xbf16> to vector<1x32xbf16>
      tpu.vector_store %arg8[%swap3A_242, %swap3A_243], %swap3A_246 {strides = array<i32>} : memref<8x320xbf16, #tpu.memory_space<vmem>>, vector<1x32xbf16>,
      %swap3A_247 = arith.constant 1 : i32
      %swap3A_248 = arith.index_cast %swap3A_247 : i32 to index
      %swap3A_249 = arith.constant 256 : index
      %swap3A_250 = tpu.vector_load %arg8[%swap3A_248, %swap3A_249] {strides = array<i32>} : memref<8x320xbf16, #tpu.memory_space<vmem>>, vector<1x32xbf16>,
      %swap3A_251 = vector.shape_cast %swap3A_250 : vector<1x32xbf16> to vector<32xbf16>
      %swap3A_252 = vector.shape_cast %scan3A_197#8 : vector<32xbf16> to vector<1x32xbf16>
      tpu.vector_store %arg8[%swap3A_248, %swap3A_249], %swap3A_252 {strides = array<i32>} : memref<8x320xbf16, #tpu.memory_space<vmem>>, vector<1x32xbf16>,
      %swap3A_253 = arith.constant 1 : i32
      %swap3A_254 = arith.index_cast %swap3A_253 : i32 to index
      %swap3A_255 = arith.constant 288 : index
      %swap3A_256 = tpu.vector_load %arg8[%swap3A_254, %swap3A_255] {strides = array<i32>} : memref<8x320xbf16, #tpu.memory_space<vmem>>, vector<1x32xbf16>,
      %swap3A_257 = vector.shape_cast %swap3A_256 : vector<1x32xbf16> to vector<32xbf16>
      %swap3A_258 = vector.shape_cast %scan3A_197#9 : vector<32xbf16> to vector<1x32xbf16>
      tpu.vector_store %arg8[%swap3A_254, %swap3A_255], %swap3A_258 {strides = array<i32>} : memref<8x320xbf16, #tpu.memory_space<vmem>>, vector<1x32xbf16>,
      %get3A_259 = arith.constant 100 : i32
      %get3A_260 = arith.index_cast %get3A_259 : i32 to index
      %get3A_261 = arith.constant 0 : index
      %get3A_262 = tpu.vector_load %arg6[%get3A_260, %get3A_261] {strides = array<i32>} : memref<200x320xbf16, #tpu.memory_space<vmem>>, vector<1x32xbf16>,
      %get3A_263 = vector.shape_cast %get3A_262 : vector<1x32xbf16> to vector<32xbf16>
      %get3A_264 = arith.constant 100 : i32
      %get3A_265 = arith.index_cast %get3A_264 : i32 to index
      %get3A_266 = arith.constant 32 : index
      %get3A_267 = tpu.vector_load %arg6[%get3A_265, %get3A_266] {strides = array<i32>} : memref<200x320xbf16, #tpu.memory_space<vmem>>, vector<1x32xbf16>,
      %get3A_268 = vector.shape_cast %get3A_267 : vector<1x32xbf16> to vector<32xbf16>
      %get3A_269 = arith.constant 100 : i32
      %get3A_270 = arith.index_cast %get3A_269 : i32 to index
      %get3A_271 = arith.constant 64 : index
      %get3A_272 = tpu.vector_load %arg6[%get3A_270, %get3A_271] {strides = array<i32>} : memref<200x320xbf16, #tpu.memory_space<vmem>>, vector<1x32xbf16>,
      %get3A_273 = vector.shape_cast %get3A_272 : vector<1x32xbf16> to vector<32xbf16>
      %get3A_274 = arith.constant 100 : i32
      %get3A_275 = arith.index_cast %get3A_274 : i32 to index
      %get3A_276 = arith.constant 96 : index
      %get3A_277 = tpu.vector_load %arg6[%get3A_275, %get3A_276] {strides = array<i32>} : memref<200x320xbf16, #tpu.memory_space<vmem>>, vector<1x32xbf16>,
      %get3A_278 = vector.shape_cast %get3A_277 : vector<1x32xbf16> to vector<32xbf16>
      %get3A_279 = arith.constant 100 : i32
      %get3A_280 = arith.index_cast %get3A_279 : i32 to index
      %get3A_281 = arith.constant 128 : index
      %get3A_282 = tpu.vector_load %arg6[%get3A_280, %get3A_281] {strides = array<i32>} : memref<200x320xbf16, #tpu.memory_space<vmem>>, vector<1x32xbf16>,
      %get3A_283 = vector.shape_cast %get3A_282 : vector<1x32xbf16> to vector<32xbf16>
      %get3A_284 = arith.constant 100 : i32
      %get3A_285 = arith.index_cast %get3A_284 : i32 to index
      %get3A_286 = arith.constant 160 : index
      %get3A_287 = tpu.vector_load %arg6[%get3A_285, %get3A_286] {strides = array<i32>} : memref<200x320xbf16, #tpu.memory_space<vmem>>, vector<1x32xbf16>,
      %get3A_288 = vector.shape_cast %get3A_287 : vector<1x32xbf16> to vector<32xbf16>
      %get3A_289 = arith.constant 100 : i32
      %get3A_290 = arith.index_cast %get3A_289 : i32 to index
      %get3A_291 = arith.constant 192 : index
      %get3A_292 = tpu.vector_load %arg6[%get3A_290, %get3A_291] {strides = array<i32>} : memref<200x320xbf16, #tpu.memory_space<vmem>>, vector<1x32xbf16>,
      %get3A_293 = vector.shape_cast %get3A_292 : vector<1x32xbf16> to vector<32xbf16>
      %get3A_294 = arith.constant 100 : i32
      %get3A_295 = arith.index_cast %get3A_294 : i32 to index
      %get3A_296 = arith.constant 224 : index
      %get3A_297 = tpu.vector_load %arg6[%get3A_295, %get3A_296] {strides = array<i32>} : memref<200x320xbf16, #tpu.memory_space<vmem>>, vector<1x32xbf16>,
      %get3A_298 = vector.shape_cast %get3A_297 : vector<1x32xbf16> to vector<32xbf16>
      %get3A_299 = arith.constant 100 : i32
      %get3A_300 = arith.index_cast %get3A_299 : i32 to index
      %get3A_301 = arith.constant 256 : index
      %get3A_302 = tpu.vector_load %arg6[%get3A_300, %get3A_301] {strides = array<i32>} : memref<200x320xbf16, #tpu.memory_space<vmem>>, vector<1x32xbf16>,
      %get3A_303 = vector.shape_cast %get3A_302 : vector<1x32xbf16> to vector<32xbf16>
      %get3A_304 = arith.constant 100 : i32
      %get3A_305 = arith.index_cast %get3A_304 : i32 to index
      %get3A_306 = arith.constant 288 : index
      %get3A_307 = tpu.vector_load %arg6[%get3A_305, %get3A_306] {strides = array<i32>} : memref<200x320xbf16, #tpu.memory_space<vmem>>, vector<1x32xbf16>,
      %get3A_308 = vector.shape_cast %get3A_307 : vector<1x32xbf16> to vector<32xbf16>
      %scan3A_309 = arith.constant 1 : i32
      %scan3A_310 = arith.constant 49 : i32
      %scan3A_311 = arith.addi %scan3A_309, %scan3A_310 : i32
      %scan3A_312 = arith.constant 1 : i32
      %scan3A_313:10 = scf.for %scan3A_979 = %scan3A_309 to %scan3A_311 step %scan3A_312 iter_args(%scan3A_980 = %get3A_263, %scan3A_981 = %get3A_268, %scan3A_982 = %get3A_273, %scan3A_983 = %get3A_278, %scan3A_984 = %get3A_283, %scan3A_985 = %get3A_288, %scan3A_986 = %get3A_293, %scan3A_987 = %get3A_298, %scan3A_988 = %get3A_303, %scan3A_989 = %get3A_308) -> (vector<32xbf16>, vector<32xbf16>, vector<32xbf16>, vector<32xbf16>, vector<32xbf16>, vector<32xbf16>, vector<32xbf16>, vector<32xbf16>, vector<32xbf16>, vector<32xbf16>)  : i32 {
        %add3A_990 = arith.constant 100 : i32
        %add3A_991 = arith.addi %add3A_990, %scan3A_979 : i32
        %get3A_992 = arith.index_cast %add3A_991 : i32 to index
        %get3A_993 = arith.constant 0 : index
        %get3A_994 = tpu.vector_load %arg6[%get3A_992, %get3A_993] {strides = array<i32>} : memref<200x320xbf16, #tpu.memory_space<vmem>>, vector<1x32xbf16>,
        %get3A_995 = vector.shape_cast %get3A_994 : vector<1x32xbf16> to vector<32xbf16>
        %max3A = arith.maximumf %scan3A_980, %get3A_995 : vector<32xbf16>
        %add3A_996 = arith.constant 100 : i32
        %add3A_997 = arith.addi %add3A_996, %scan3A_979 : i32
        %get3A_998 = arith.index_cast %add3A_997 : i32 to index
        %get3A_999 = arith.constant 32 : index
        %get3A_1000 = tpu.vector_load %arg6[%get3A_998, %get3A_999] {strides = array<i32>} : memref<200x320xbf16, #tpu.memory_space<vmem>>, vector<1x32xbf16>,
        %get3A_1001 = vector.shape_cast %get3A_1000 : vector<1x32xbf16> to vector<32xbf16>
        %max3A_1002 = arith.maximumf %scan3A_981, %get3A_1001 : vector<32xbf16>
        %add3A_1003 = arith.constant 100 : i32
        %add3A_1004 = arith.addi %add3A_1003, %scan3A_979 : i32
        %get3A_1005 = arith.index_cast %add3A_1004 : i32 to index
        %get3A_1006 = arith.constant 64 : index
        %get3A_1007 = tpu.vector_load %arg6[%get3A_1005, %get3A_1006] {strides = array<i32>} : memref<200x320xbf16, #tpu.memory_space<vmem>>, vector<1x32xbf16>,
        %get3A_1008 = vector.shape_cast %get3A_1007 : vector<1x32xbf16> to vector<32xbf16>
        %max3A_1009 = arith.maximumf %scan3A_982, %get3A_1008 : vector<32xbf16>
        %add3A_1010 = arith.constant 100 : i32
        %add3A_1011 = arith.addi %add3A_1010, %scan3A_979 : i32
        %get3A_1012 = arith.index_cast %add3A_1011 : i32 to index
        %get3A_1013 = arith.constant 96 : index
        %get3A_1014 = tpu.vector_load %arg6[%get3A_1012, %get3A_1013] {strides = array<i32>} : memref<200x320xbf16, #tpu.memory_space<vmem>>, vector<1x32xbf16>,
        %get3A_1015 = vector.shape_cast %get3A_1014 : vector<1x32xbf16> to vector<32xbf16>
        %max3A_1016 = arith.maximumf %scan3A_983, %get3A_1015 : vector<32xbf16>
        %add3A_1017 = arith.constant 100 : i32
        %add3A_1018 = arith.addi %add3A_1017, %scan3A_979 : i32
        %get3A_1019 = arith.index_cast %add3A_1018 : i32 to index
        %get3A_1020 = arith.constant 128 : index
        %get3A_1021 = tpu.vector_load %arg6[%get3A_1019, %get3A_1020] {strides = array<i32>} : memref<200x320xbf16, #tpu.memory_space<vmem>>, vector<1x32xbf16>,
        %get3A_1022 = vector.shape_cast %get3A_1021 : vector<1x32xbf16> to vector<32xbf16>
        %max3A_1023 = arith.maximumf %scan3A_984, %get3A_1022 : vector<32xbf16>
        %add3A_1024 = arith.constant 100 : i32
        %add3A_1025 = arith.addi %add3A_1024, %scan3A_979 : i32
        %get3A_1026 = arith.index_cast %add3A_1025 : i32 to index
        %get3A_1027 = arith.constant 160 : index
        %get3A_1028 = tpu.vector_load %arg6[%get3A_1026, %get3A_1027] {strides = array<i32>} : memref<200x320xbf16, #tpu.memory_space<vmem>>, vector<1x32xbf16>,
        %get3A_1029 = vector.shape_cast %get3A_1028 : vector<1x32xbf16> to vector<32xbf16>
        %max3A_1030 = arith.maximumf %scan3A_985, %get3A_1029 : vector<32xbf16>
        %add3A_1031 = arith.constant 100 : i32
        %add3A_1032 = arith.addi %add3A_1031, %scan3A_979 : i32
        %get3A_1033 = arith.index_cast %add3A_1032 : i32 to index
        %get3A_1034 = arith.constant 192 : index
        %get3A_1035 = tpu.vector_load %arg6[%get3A_1033, %get3A_1034] {strides = array<i32>} : memref<200x320xbf16, #tpu.memory_space<vmem>>, vector<1x32xbf16>,
        %get3A_1036 = vector.shape_cast %get3A_1035 : vector<1x32xbf16> to vector<32xbf16>
        %max3A_1037 = arith.maximumf %scan3A_986, %get3A_1036 : vector<32xbf16>
        %add3A_1038 = arith.constant 100 : i32
        %add3A_1039 = arith.addi %add3A_1038, %scan3A_979 : i32
        %get3A_1040 = arith.index_cast %add3A_1039 : i32 to index
        %get3A_1041 = arith.constant 224 : index
        %get3A_1042 = tpu.vector_load %arg6[%get3A_1040, %get3A_1041] {strides = array<i32>} : memref<200x320xbf16, #tpu.memory_space<vmem>>, vector<1x32xbf16>,
        %get3A_1043 = vector.shape_cast %get3A_1042 : vector<1x32xbf16> to vector<32xbf16>
        %max3A_1044 = arith.maximumf %scan3A_987, %get3A_1043 : vector<32xbf16>
        %add3A_1045 = arith.constant 100 : i32
        %add3A_1046 = arith.addi %add3A_1045, %scan3A_979 : i32
        %get3A_1047 = arith.index_cast %add3A_1046 : i32 to index
        %get3A_1048 = arith.constant 256 : index
        %get3A_1049 = tpu.vector_load %arg6[%get3A_1047, %get3A_1048] {strides = array<i32>} : memref<200x320xbf16, #tpu.memory_space<vmem>>, vector<1x32xbf16>,
        %get3A_1050 = vector.shape_cast %get3A_1049 : vector<1x32xbf16> to vector<32xbf16>
        %max3A_1051 = arith.maximumf %scan3A_988, %get3A_1050 : vector<32xbf16>
        %add3A_1052 = arith.constant 100 : i32
        %add3A_1053 = arith.addi %add3A_1052, %scan3A_979 : i32
        %get3A_1054 = arith.index_cast %add3A_1053 : i32 to index
        %get3A_1055 = arith.constant 288 : index
        %get3A_1056 = tpu.vector_load %arg6[%get3A_1054, %get3A_1055] {strides = array<i32>} : memref<200x320xbf16, #tpu.memory_space<vmem>>, vector<1x32xbf16>,
        %get3A_1057 = vector.shape_cast %get3A_1056 : vector<1x32xbf16> to vector<32xbf16>
        %max3A_1058 = arith.maximumf %scan3A_989, %get3A_1057 : vector<32xbf16>
        scf.yield %max3A, %max3A_1002, %max3A_1009, %max3A_1016, %max3A_1023, %max3A_1030, %max3A_1037, %max3A_1044, %max3A_1051, %max3A_1058 : vector<32xbf16>, vector<32xbf16>, vector<32xbf16>, vector<32xbf16>, vector<32xbf16>, vector<32xbf16>, vector<32xbf16>, vector<32xbf16>, vector<32xbf16>, vector<32xbf16>
      }
      %scan3A_314 = arith.constant 49 : i32
      %swap3A_315 = arith.constant 2 : i32
      %swap3A_316 = arith.index_cast %swap3A_315 : i32 to index
      %swap3A_317 = arith.constant 0 : index
      %swap3A_318 = tpu.vector_load %arg8[%swap3A_316, %swap3A_317] {strides = array<i32>} : memref<8x320xbf16, #tpu.memory_space<vmem>>, vector<1x32xbf16>,
      %swap3A_319 = vector.shape_cast %swap3A_318 : vector<1x32xbf16> to vector<32xbf16>
      %swap3A_320 = vector.shape_cast %scan3A_313#0 : vector<32xbf16> to vector<1x32xbf16>
      tpu.vector_store %arg8[%swap3A_316, %swap3A_317], %swap3A_320 {strides = array<i32>} : memref<8x320xbf16, #tpu.memory_space<vmem>>, vector<1x32xbf16>,
      %swap3A_321 = arith.constant 2 : i32
      %swap3A_322 = arith.index_cast %swap3A_321 : i32 to index
      %swap3A_323 = arith.constant 32 : index
      %swap3A_324 = tpu.vector_load %arg8[%swap3A_322, %swap3A_323] {strides = array<i32>} : memref<8x320xbf16, #tpu.memory_space<vmem>>, vector<1x32xbf16>,
      %swap3A_325 = vector.shape_cast %swap3A_324 : vector<1x32xbf16> to vector<32xbf16>
      %swap3A_326 = vector.shape_cast %scan3A_313#1 : vector<32xbf16> to vector<1x32xbf16>
      tpu.vector_store %arg8[%swap3A_322, %swap3A_323], %swap3A_326 {strides = array<i32>} : memref<8x320xbf16, #tpu.memory_space<vmem>>, vector<1x32xbf16>,
      %swap3A_327 = arith.constant 2 : i32
      %swap3A_328 = arith.index_cast %swap3A_327 : i32 to index
      %swap3A_329 = arith.constant 64 : index
      %swap3A_330 = tpu.vector_load %arg8[%swap3A_328, %swap3A_329] {strides = array<i32>} : memref<8x320xbf16, #tpu.memory_space<vmem>>, vector<1x32xbf16>,
      %swap3A_331 = vector.shape_cast %swap3A_330 : vector<1x32xbf16> to vector<32xbf16>
      %swap3A_332 = vector.shape_cast %scan3A_313#2 : vector<32xbf16> to vector<1x32xbf16>
      tpu.vector_store %arg8[%swap3A_328, %swap3A_329], %swap3A_332 {strides = array<i32>} : memref<8x320xbf16, #tpu.memory_space<vmem>>, vector<1x32xbf16>,
      %swap3A_333 = arith.constant 2 : i32
      %swap3A_334 = arith.index_cast %swap3A_333 : i32 to index
      %swap3A_335 = arith.constant 96 : index
      %swap3A_336 = tpu.vector_load %arg8[%swap3A_334, %swap3A_335] {strides = array<i32>} : memref<8x320xbf16, #tpu.memory_space<vmem>>, vector<1x32xbf16>,
      %swap3A_337 = vector.shape_cast %swap3A_336 : vector<1x32xbf16> to vector<32xbf16>
      %swap3A_338 = vector.shape_cast %scan3A_313#3 : vector<32xbf16> to vector<1x32xbf16>
      tpu.vector_store %arg8[%swap3A_334, %swap3A_335], %swap3A_338 {strides = array<i32>} : memref<8x320xbf16, #tpu.memory_space<vmem>>, vector<1x32xbf16>,
      %swap3A_339 = arith.constant 2 : i32
      %swap3A_340 = arith.index_cast %swap3A_339 : i32 to index
      %swap3A_341 = arith.constant 128 : index
      %swap3A_342 = tpu.vector_load %arg8[%swap3A_340, %swap3A_341] {strides = array<i32>} : memref<8x320xbf16, #tpu.memory_space<vmem>>, vector<1x32xbf16>,
      %swap3A_343 = vector.shape_cast %swap3A_342 : vector<1x32xbf16> to vector<32xbf16>
      %swap3A_344 = vector.shape_cast %scan3A_313#4 : vector<32xbf16> to vector<1x32xbf16>
      tpu.vector_store %arg8[%swap3A_340, %swap3A_341], %swap3A_344 {strides = array<i32>} : memref<8x320xbf16, #tpu.memory_space<vmem>>, vector<1x32xbf16>,
      %swap3A_345 = arith.constant 2 : i32
      %swap3A_346 = arith.index_cast %swap3A_345 : i32 to index
      %swap3A_347 = arith.constant 160 : index
      %swap3A_348 = tpu.vector_load %arg8[%swap3A_346, %swap3A_347] {strides = array<i32>} : memref<8x320xbf16, #tpu.memory_space<vmem>>, vector<1x32xbf16>,
      %swap3A_349 = vector.shape_cast %swap3A_348 : vector<1x32xbf16> to vector<32xbf16>
      %swap3A_350 = vector.shape_cast %scan3A_313#5 : vector<32xbf16> to vector<1x32xbf16>
      tpu.vector_store %arg8[%swap3A_346, %swap3A_347], %swap3A_350 {strides = array<i32>} : memref<8x320xbf16, #tpu.memory_space<vmem>>, vector<1x32xbf16>,
      %swap3A_351 = arith.constant 2 : i32
      %swap3A_352 = arith.index_cast %swap3A_351 : i32 to index
      %swap3A_353 = arith.constant 192 : index
      %swap3A_354 = tpu.vector_load %arg8[%swap3A_352, %swap3A_353] {strides = array<i32>} : memref<8x320xbf16, #tpu.memory_space<vmem>>, vector<1x32xbf16>,
      %swap3A_355 = vector.shape_cast %swap3A_354 : vector<1x32xbf16> to vector<32xbf16>
      %swap3A_356 = vector.shape_cast %scan3A_313#6 : vector<32xbf16> to vector<1x32xbf16>
      tpu.vector_store %arg8[%swap3A_352, %swap3A_353], %swap3A_356 {strides = array<i32>} : memref<8x320xbf16, #tpu.memory_space<vmem>>, vector<1x32xbf16>,
      %swap3A_357 = arith.constant 2 : i32
      %swap3A_358 = arith.index_cast %swap3A_357 : i32 to index
      %swap3A_359 = arith.constant 224 : index
      %swap3A_360 = tpu.vector_load %arg8[%swap3A_358, %swap3A_359] {strides = array<i32>} : memref<8x320xbf16, #tpu.memory_space<vmem>>, vector<1x32xbf16>,
      %swap3A_361 = vector.shape_cast %swap3A_360 : vector<1x32xbf16> to vector<32xbf16>
      %swap3A_362 = vector.shape_cast %scan3A_313#7 : vector<32xbf16> to vector<1x32xbf16>
      tpu.vector_store %arg8[%swap3A_358, %swap3A_359], %swap3A_362 {strides = array<i32>} : memref<8x320xbf16, #tpu.memory_space<vmem>>, vector<1x32xbf16>,
      %swap3A_363 = arith.constant 2 : i32
      %swap3A_364 = arith.index_cast %swap3A_363 : i32 to index
      %swap3A_365 = arith.constant 256 : index
      %swap3A_366 = tpu.vector_load %arg8[%swap3A_364, %swap3A_365] {strides = array<i32>} : memref<8x320xbf16, #tpu.memory_space<vmem>>, vector<1x32xbf16>,
      %swap3A_367 = vector.shape_cast %swap3A_366 : vector<1x32xbf16> to vector<32xbf16>
      %swap3A_368 = vector.shape_cast %scan3A_313#8 : vector<32xbf16> to vector<1x32xbf16>
      tpu.vector_store %arg8[%swap3A_364, %swap3A_365], %swap3A_368 {strides = array<i32>} : memref<8x320xbf16, #tpu.memory_space<vmem>>, vector<1x32xbf16>,
      %swap3A_369 = arith.constant 2 : i32
      %swap3A_370 = arith.index_cast %swap3A_369 : i32 to index
      %swap3A_371 = arith.constant 288 : index
      %swap3A_372 = tpu.vector_load %arg8[%swap3A_370, %swap3A_371] {strides = array<i32>} : memref<8x320xbf16, #tpu.memory_space<vmem>>, vector<1x32xbf16>,
      %swap3A_373 = vector.shape_cast %swap3A_372 : vector<1x32xbf16> to vector<32xbf16>
      %swap3A_374 = vector.shape_cast %scan3A_313#9 : vector<32xbf16> to vector<1x32xbf16>
      tpu.vector_store %arg8[%swap3A_370, %swap3A_371], %swap3A_374 {strides = array<i32>} : memref<8x320xbf16, #tpu.memory_space<vmem>>, vector<1x32xbf16>,
      %get3A_375 = arith.constant 150 : i32
      %get3A_376 = arith.index_cast %get3A_375 : i32 to index
      %get3A_377 = arith.constant 0 : index
      %get3A_378 = tpu.vector_load %arg6[%get3A_376, %get3A_377] {strides = array<i32>} : memref<200x320xbf16, #tpu.memory_space<vmem>>, vector<1x32xbf16>,
      %get3A_379 = vector.shape_cast %get3A_378 : vector<1x32xbf16> to vector<32xbf16>
      %get3A_380 = arith.constant 150 : i32
      %get3A_381 = arith.index_cast %get3A_380 : i32 to index
      %get3A_382 = arith.constant 32 : index
      %get3A_383 = tpu.vector_load %arg6[%get3A_381, %get3A_382] {strides = array<i32>} : memref<200x320xbf16, #tpu.memory_space<vmem>>, vector<1x32xbf16>,
      %get3A_384 = vector.shape_cast %get3A_383 : vector<1x32xbf16> to vector<32xbf16>
      %get3A_385 = arith.constant 150 : i32
      %get3A_386 = arith.index_cast %get3A_385 : i32 to index
      %get3A_387 = arith.constant 64 : index
      %get3A_388 = tpu.vector_load %arg6[%get3A_386, %get3A_387] {strides = array<i32>} : memref<200x320xbf16, #tpu.memory_space<vmem>>, vector<1x32xbf16>,
      %get3A_389 = vector.shape_cast %get3A_388 : vector<1x32xbf16> to vector<32xbf16>
      %get3A_390 = arith.constant 150 : i32
      %get3A_391 = arith.index_cast %get3A_390 : i32 to index
      %get3A_392 = arith.constant 96 : index
      %get3A_393 = tpu.vector_load %arg6[%get3A_391, %get3A_392] {strides = array<i32>} : memref<200x320xbf16, #tpu.memory_space<vmem>>, vector<1x32xbf16>,
      %get3A_394 = vector.shape_cast %get3A_393 : vector<1x32xbf16> to vector<32xbf16>
      %get3A_395 = arith.constant 150 : i32
      %get3A_396 = arith.index_cast %get3A_395 : i32 to index
      %get3A_397 = arith.constant 128 : index
      %get3A_398 = tpu.vector_load %arg6[%get3A_396, %get3A_397] {strides = array<i32>} : memref<200x320xbf16, #tpu.memory_space<vmem>>, vector<1x32xbf16>,
      %get3A_399 = vector.shape_cast %get3A_398 : vector<1x32xbf16> to vector<32xbf16>
      %get3A_400 = arith.constant 150 : i32
      %get3A_401 = arith.index_cast %get3A_400 : i32 to index
      %get3A_402 = arith.constant 160 : index
      %get3A_403 = tpu.vector_load %arg6[%get3A_401, %get3A_402] {strides = array<i32>} : memref<200x320xbf16, #tpu.memory_space<vmem>>, vector<1x32xbf16>,
      %get3A_404 = vector.shape_cast %get3A_403 : vector<1x32xbf16> to vector<32xbf16>
      %get3A_405 = arith.constant 150 : i32
      %get3A_406 = arith.index_cast %get3A_405 : i32 to index
      %get3A_407 = arith.constant 192 : index
      %get3A_408 = tpu.vector_load %arg6[%get3A_406, %get3A_407] {strides = array<i32>} : memref<200x320xbf16, #tpu.memory_space<vmem>>, vector<1x32xbf16>,
      %get3A_409 = vector.shape_cast %get3A_408 : vector<1x32xbf16> to vector<32xbf16>
      %get3A_410 = arith.constant 150 : i32
      %get3A_411 = arith.index_cast %get3A_410 : i32 to index
      %get3A_412 = arith.constant 224 : index
      %get3A_413 = tpu.vector_load %arg6[%get3A_411, %get3A_412] {strides = array<i32>} : memref<200x320xbf16, #tpu.memory_space<vmem>>, vector<1x32xbf16>,
      %get3A_414 = vector.shape_cast %get3A_413 : vector<1x32xbf16> to vector<32xbf16>
      %get3A_415 = arith.constant 150 : i32
      %get3A_416 = arith.index_cast %get3A_415 : i32 to index
      %get3A_417 = arith.constant 256 : index
      %get3A_418 = tpu.vector_load %arg6[%get3A_416, %get3A_417] {strides = array<i32>} : memref<200x320xbf16, #tpu.memory_space<vmem>>, vector<1x32xbf16>,
      %get3A_419 = vector.shape_cast %get3A_418 : vector<1x32xbf16> to vector<32xbf16>
      %get3A_420 = arith.constant 150 : i32
      %get3A_421 = arith.index_cast %get3A_420 : i32 to index
      %get3A_422 = arith.constant 288 : index
      %get3A_423 = tpu.vector_load %arg6[%get3A_421, %get3A_422] {strides = array<i32>} : memref<200x320xbf16, #tpu.memory_space<vmem>>, vector<1x32xbf16>,
      %get3A_424 = vector.shape_cast %get3A_423 : vector<1x32xbf16> to vector<32xbf16>
      %scan3A_425 = arith.constant 1 : i32
      %scan3A_426 = arith.constant 49 : i32
      %scan3A_427 = arith.addi %scan3A_425, %scan3A_426 : i32
      %scan3A_428 = arith.constant 1 : i32
      %scan3A_429:10 = scf.for %scan3A_979 = %scan3A_425 to %scan3A_427 step %scan3A_428 iter_args(%scan3A_980 = %get3A_379, %scan3A_981 = %get3A_384, %scan3A_982 = %get3A_389, %scan3A_983 = %get3A_394, %scan3A_984 = %get3A_399, %scan3A_985 = %get3A_404, %scan3A_986 = %get3A_409, %scan3A_987 = %get3A_414, %scan3A_988 = %get3A_419, %scan3A_989 = %get3A_424) -> (vector<32xbf16>, vector<32xbf16>, vector<32xbf16>, vector<32xbf16>, vector<32xbf16>, vector<32xbf16>, vector<32xbf16>, vector<32xbf16>, vector<32xbf16>, vector<32xbf16>)  : i32 {
        %add3A_990 = arith.constant 150 : i32
        %add3A_991 = arith.addi %add3A_990, %scan3A_979 : i32
        %get3A_992 = arith.index_cast %add3A_991 : i32 to index
        %get3A_993 = arith.constant 0 : index
        %get3A_994 = tpu.vector_load %arg6[%get3A_992, %get3A_993] {strides = array<i32>} : memref<200x320xbf16, #tpu.memory_space<vmem>>, vector<1x32xbf16>,
        %get3A_995 = vector.shape_cast %get3A_994 : vector<1x32xbf16> to vector<32xbf16>
        %max3A = arith.maximumf %scan3A_980, %get3A_995 : vector<32xbf16>
        %add3A_996 = arith.constant 150 : i32
        %add3A_997 = arith.addi %add3A_996, %scan3A_979 : i32
        %get3A_998 = arith.index_cast %add3A_997 : i32 to index
        %get3A_999 = arith.constant 32 : index
        %get3A_1000 = tpu.vector_load %arg6[%get3A_998, %get3A_999] {strides = array<i32>} : memref<200x320xbf16, #tpu.memory_space<vmem>>, vector<1x32xbf16>,
        %get3A_1001 = vector.shape_cast %get3A_1000 : vector<1x32xbf16> to vector<32xbf16>
        %max3A_1002 = arith.maximumf %scan3A_981, %get3A_1001 : vector<32xbf16>
        %add3A_1003 = arith.constant 150 : i32
        %add3A_1004 = arith.addi %add3A_1003, %scan3A_979 : i32
        %get3A_1005 = arith.index_cast %add3A_1004 : i32 to index
        %get3A_1006 = arith.constant 64 : index
        %get3A_1007 = tpu.vector_load %arg6[%get3A_1005, %get3A_1006] {strides = array<i32>} : memref<200x320xbf16, #tpu.memory_space<vmem>>, vector<1x32xbf16>,
        %get3A_1008 = vector.shape_cast %get3A_1007 : vector<1x32xbf16> to vector<32xbf16>
        %max3A_1009 = arith.maximumf %scan3A_982, %get3A_1008 : vector<32xbf16>
        %add3A_1010 = arith.constant 150 : i32
        %add3A_1011 = arith.addi %add3A_1010, %scan3A_979 : i32
        %get3A_1012 = arith.index_cast %add3A_1011 : i32 to index
        %get3A_1013 = arith.constant 96 : index
        %get3A_1014 = tpu.vector_load %arg6[%get3A_1012, %get3A_1013] {strides = array<i32>} : memref<200x320xbf16, #tpu.memory_space<vmem>>, vector<1x32xbf16>,
        %get3A_1015 = vector.shape_cast %get3A_1014 : vector<1x32xbf16> to vector<32xbf16>
        %max3A_1016 = arith.maximumf %scan3A_983, %get3A_1015 : vector<32xbf16>
        %add3A_1017 = arith.constant 150 : i32
        %add3A_1018 = arith.addi %add3A_1017, %scan3A_979 : i32
        %get3A_1019 = arith.index_cast %add3A_1018 : i32 to index
        %get3A_1020 = arith.constant 128 : index
        %get3A_1021 = tpu.vector_load %arg6[%get3A_1019, %get3A_1020] {strides = array<i32>} : memref<200x320xbf16, #tpu.memory_space<vmem>>, vector<1x32xbf16>,
        %get3A_1022 = vector.shape_cast %get3A_1021 : vector<1x32xbf16> to vector<32xbf16>
        %max3A_1023 = arith.maximumf %scan3A_984, %get3A_1022 : vector<32xbf16>
        %add3A_1024 = arith.constant 150 : i32
        %add3A_1025 = arith.addi %add3A_1024, %scan3A_979 : i32
        %get3A_1026 = arith.index_cast %add3A_1025 : i32 to index
        %get3A_1027 = arith.constant 160 : index
        %get3A_1028 = tpu.vector_load %arg6[%get3A_1026, %get3A_1027] {strides = array<i32>} : memref<200x320xbf16, #tpu.memory_space<vmem>>, vector<1x32xbf16>,
        %get3A_1029 = vector.shape_cast %get3A_1028 : vector<1x32xbf16> to vector<32xbf16>
        %max3A_1030 = arith.maximumf %scan3A_985, %get3A_1029 : vector<32xbf16>
        %add3A_1031 = arith.constant 150 : i32
        %add3A_1032 = arith.addi %add3A_1031, %scan3A_979 : i32
        %get3A_1033 = arith.index_cast %add3A_1032 : i32 to index
        %get3A_1034 = arith.constant 192 : index
        %get3A_1035 = tpu.vector_load %arg6[%get3A_1033, %get3A_1034] {strides = array<i32>} : memref<200x320xbf16, #tpu.memory_space<vmem>>, vector<1x32xbf16>,
        %get3A_1036 = vector.shape_cast %get3A_1035 : vector<1x32xbf16> to vector<32xbf16>
        %max3A_1037 = arith.maximumf %scan3A_986, %get3A_1036 : vector<32xbf16>
        %add3A_1038 = arith.constant 150 : i32
        %add3A_1039 = arith.addi %add3A_1038, %scan3A_979 : i32
        %get3A_1040 = arith.index_cast %add3A_1039 : i32 to index
        %get3A_1041 = arith.constant 224 : index
        %get3A_1042 = tpu.vector_load %arg6[%get3A_1040, %get3A_1041] {strides = array<i32>} : memref<200x320xbf16, #tpu.memory_space<vmem>>, vector<1x32xbf16>,
        %get3A_1043 = vector.shape_cast %get3A_1042 : vector<1x32xbf16> to vector<32xbf16>
        %max3A_1044 = arith.maximumf %scan3A_987, %get3A_1043 : vector<32xbf16>
        %add3A_1045 = arith.constant 150 : i32
        %add3A_1046 = arith.addi %add3A_1045, %scan3A_979 : i32
        %get3A_1047 = arith.index_cast %add3A_1046 : i32 to index
        %get3A_1048 = arith.constant 256 : index
        %get3A_1049 = tpu.vector_load %arg6[%get3A_1047, %get3A_1048] {strides = array<i32>} : memref<200x320xbf16, #tpu.memory_space<vmem>>, vector<1x32xbf16>,
        %get3A_1050 = vector.shape_cast %get3A_1049 : vector<1x32xbf16> to vector<32xbf16>
        %max3A_1051 = arith.maximumf %scan3A_988, %get3A_1050 : vector<32xbf16>
        %add3A_1052 = arith.constant 150 : i32
        %add3A_1053 = arith.addi %add3A_1052, %scan3A_979 : i32
        %get3A_1054 = arith.index_cast %add3A_1053 : i32 to index
        %get3A_1055 = arith.constant 288 : index
        %get3A_1056 = tpu.vector_load %arg6[%get3A_1054, %get3A_1055] {strides = array<i32>} : memref<200x320xbf16, #tpu.memory_space<vmem>>, vector<1x32xbf16>,
        %get3A_1057 = vector.shape_cast %get3A_1056 : vector<1x32xbf16> to vector<32xbf16>
        %max3A_1058 = arith.maximumf %scan3A_989, %get3A_1057 : vector<32xbf16>
        scf.yield %max3A, %max3A_1002, %max3A_1009, %max3A_1016, %max3A_1023, %max3A_1030, %max3A_1037, %max3A_1044, %max3A_1051, %max3A_1058 : vector<32xbf16>, vector<32xbf16>, vector<32xbf16>, vector<32xbf16>, vector<32xbf16>, vector<32xbf16>, vector<32xbf16>, vector<32xbf16>, vector<32xbf16>, vector<32xbf16>
      }
      %scan3A_430 = arith.constant 49 : i32
      %swap3A_431 = arith.constant 3 : i32
      %swap3A_432 = arith.index_cast %swap3A_431 : i32 to index
      %swap3A_433 = arith.constant 0 : index
      %swap3A_434 = tpu.vector_load %arg8[%swap3A_432, %swap3A_433] {strides = array<i32>} : memref<8x320xbf16, #tpu.memory_space<vmem>>, vector<1x32xbf16>,
      %swap3A_435 = vector.shape_cast %swap3A_434 : vector<1x32xbf16> to vector<32xbf16>
      %swap3A_436 = vector.shape_cast %scan3A_429#0 : vector<32xbf16> to vector<1x32xbf16>
      tpu.vector_store %arg8[%swap3A_432, %swap3A_433], %swap3A_436 {strides = array<i32>} : memref<8x320xbf16, #tpu.memory_space<vmem>>, vector<1x32xbf16>,
      %swap3A_437 = arith.constant 3 : i32
      %swap3A_438 = arith.index_cast %swap3A_437 : i32 to index
      %swap3A_439 = arith.constant 32 : index
      %swap3A_440 = tpu.vector_load %arg8[%swap3A_438, %swap3A_439] {strides = array<i32>} : memref<8x320xbf16, #tpu.memory_space<vmem>>, vector<1x32xbf16>,
      %swap3A_441 = vector.shape_cast %swap3A_440 : vector<1x32xbf16> to vector<32xbf16>
      %swap3A_442 = vector.shape_cast %scan3A_429#1 : vector<32xbf16> to vector<1x32xbf16>
      tpu.vector_store %arg8[%swap3A_438, %swap3A_439], %swap3A_442 {strides = array<i32>} : memref<8x320xbf16, #tpu.memory_space<vmem>>, vector<1x32xbf16>,
      %swap3A_443 = arith.constant 3 : i32
      %swap3A_444 = arith.index_cast %swap3A_443 : i32 to index
      %swap3A_445 = arith.constant 64 : index
      %swap3A_446 = tpu.vector_load %arg8[%swap3A_444, %swap3A_445] {strides = array<i32>} : memref<8x320xbf16, #tpu.memory_space<vmem>>, vector<1x32xbf16>,
      %swap3A_447 = vector.shape_cast %swap3A_446 : vector<1x32xbf16> to vector<32xbf16>
      %swap3A_448 = vector.shape_cast %scan3A_429#2 : vector<32xbf16> to vector<1x32xbf16>
      tpu.vector_store %arg8[%swap3A_444, %swap3A_445], %swap3A_448 {strides = array<i32>} : memref<8x320xbf16, #tpu.memory_space<vmem>>, vector<1x32xbf16>,
      %swap3A_449 = arith.constant 3 : i32
      %swap3A_450 = arith.index_cast %swap3A_449 : i32 to index
      %swap3A_451 = arith.constant 96 : index
      %swap3A_452 = tpu.vector_load %arg8[%swap3A_450, %swap3A_451] {strides = array<i32>} : memref<8x320xbf16, #tpu.memory_space<vmem>>, vector<1x32xbf16>,
      %swap3A_453 = vector.shape_cast %swap3A_452 : vector<1x32xbf16> to vector<32xbf16>
      %swap3A_454 = vector.shape_cast %scan3A_429#3 : vector<32xbf16> to vector<1x32xbf16>
      tpu.vector_store %arg8[%swap3A_450, %swap3A_451], %swap3A_454 {strides = array<i32>} : memref<8x320xbf16, #tpu.memory_space<vmem>>, vector<1x32xbf16>,
      %swap3A_455 = arith.constant 3 : i32
      %swap3A_456 = arith.index_cast %swap3A_455 : i32 to index
      %swap3A_457 = arith.constant 128 : index
      %swap3A_458 = tpu.vector_load %arg8[%swap3A_456, %swap3A_457] {strides = array<i32>} : memref<8x320xbf16, #tpu.memory_space<vmem>>, vector<1x32xbf16>,
      %swap3A_459 = vector.shape_cast %swap3A_458 : vector<1x32xbf16> to vector<32xbf16>
      %swap3A_460 = vector.shape_cast %scan3A_429#4 : vector<32xbf16> to vector<1x32xbf16>
      tpu.vector_store %arg8[%swap3A_456, %swap3A_457], %swap3A_460 {strides = array<i32>} : memref<8x320xbf16, #tpu.memory_space<vmem>>, vector<1x32xbf16>,
      %swap3A_461 = arith.constant 3 : i32
      %swap3A_462 = arith.index_cast %swap3A_461 : i32 to index
      %swap3A_463 = arith.constant 160 : index
      %swap3A_464 = tpu.vector_load %arg8[%swap3A_462, %swap3A_463] {strides = array<i32>} : memref<8x320xbf16, #tpu.memory_space<vmem>>, vector<1x32xbf16>,
      %swap3A_465 = vector.shape_cast %swap3A_464 : vector<1x32xbf16> to vector<32xbf16>
      %swap3A_466 = vector.shape_cast %scan3A_429#5 : vector<32xbf16> to vector<1x32xbf16>
      tpu.vector_store %arg8[%swap3A_462, %swap3A_463], %swap3A_466 {strides = array<i32>} : memref<8x320xbf16, #tpu.memory_space<vmem>>, vector<1x32xbf16>,
      %swap3A_467 = arith.constant 3 : i32
      %swap3A_468 = arith.index_cast %swap3A_467 : i32 to index
      %swap3A_469 = arith.constant 192 : index
      %swap3A_470 = tpu.vector_load %arg8[%swap3A_468, %swap3A_469] {strides = array<i32>} : memref<8x320xbf16, #tpu.memory_space<vmem>>, vector<1x32xbf16>,
      %swap3A_471 = vector.shape_cast %swap3A_470 : vector<1x32xbf16> to vector<32xbf16>
      %swap3A_472 = vector.shape_cast %scan3A_429#6 : vector<32xbf16> to vector<1x32xbf16>
      tpu.vector_store %arg8[%swap3A_468, %swap3A_469], %swap3A_472 {strides = array<i32>} : memref<8x320xbf16, #tpu.memory_space<vmem>>, vector<1x32xbf16>,
      %swap3A_473 = arith.constant 3 : i32
      %swap3A_474 = arith.index_cast %swap3A_473 : i32 to index
      %swap3A_475 = arith.constant 224 : index
      %swap3A_476 = tpu.vector_load %arg8[%swap3A_474, %swap3A_475] {strides = array<i32>} : memref<8x320xbf16, #tpu.memory_space<vmem>>, vector<1x32xbf16>,
      %swap3A_477 = vector.shape_cast %swap3A_476 : vector<1x32xbf16> to vector<32xbf16>
      %swap3A_478 = vector.shape_cast %scan3A_429#7 : vector<32xbf16> to vector<1x32xbf16>
      tpu.vector_store %arg8[%swap3A_474, %swap3A_475], %swap3A_478 {strides = array<i32>} : memref<8x320xbf16, #tpu.memory_space<vmem>>, vector<1x32xbf16>,
      %swap3A_479 = arith.constant 3 : i32
      %swap3A_480 = arith.index_cast %swap3A_479 : i32 to index
      %swap3A_481 = arith.constant 256 : index
      %swap3A_482 = tpu.vector_load %arg8[%swap3A_480, %swap3A_481] {strides = array<i32>} : memref<8x320xbf16, #tpu.memory_space<vmem>>, vector<1x32xbf16>,
      %swap3A_483 = vector.shape_cast %swap3A_482 : vector<1x32xbf16> to vector<32xbf16>
      %swap3A_484 = vector.shape_cast %scan3A_429#8 : vector<32xbf16> to vector<1x32xbf16>
      tpu.vector_store %arg8[%swap3A_480, %swap3A_481], %swap3A_484 {strides = array<i32>} : memref<8x320xbf16, #tpu.memory_space<vmem>>, vector<1x32xbf16>,
      %swap3A_485 = arith.constant 3 : i32
      %swap3A_486 = arith.index_cast %swap3A_485 : i32 to index
      %swap3A_487 = arith.constant 288 : index
      %swap3A_488 = tpu.vector_load %arg8[%swap3A_486, %swap3A_487] {strides = array<i32>} : memref<8x320xbf16, #tpu.memory_space<vmem>>, vector<1x32xbf16>,
      %swap3A_489 = vector.shape_cast %swap3A_488 : vector<1x32xbf16> to vector<32xbf16>
      %swap3A_490 = vector.shape_cast %scan3A_429#9 : vector<32xbf16> to vector<1x32xbf16>
      tpu.vector_store %arg8[%swap3A_486, %swap3A_487], %swap3A_490 {strides = array<i32>} : memref<8x320xbf16, #tpu.memory_space<vmem>>, vector<1x32xbf16>,
      %add3A_491 = arith.constant 2 : i32
      %add3A_492 = arith.addi %add3A_23, %add3A_491 : i32
      %lt3A = arith.constant 128 : i32
      %lt3A_493 = arith.cmpi slt, %add3A_492, %lt3A : i32
      %convert_element_type3A = arith.extui %lt3A_493 : i1 to i32
      %cond3A = arith.constant 0 : i32
      %cond3A_494 = arith.cmpi ne, %convert_element_type3A, %cond3A : i32
      scf.if %cond3A_494 {
        %mul3A_979 = arith.constant 200 : i32
        %mul3A_980 = arith.muli %add3A_492, %mul3A_979 : i32
        %dma_start3A_981 = tpu.memref_slice %arg5[%mul3A_980] : memref<25600xi32, #tpu.memory_space<vmem>> -> memref<200xi32, #tpu.memory_space<vmem>>
        %dma_start3A_982 = arith.constant 0 : i32
        %dma_start3A_983 = arith.constant 0 : i32
        %dma_start3A_984 = tpu.memref_slice %arg3[%dma_start3A_982, %dma_start3A_983] : memref<400000x320xbf16, #tpu.memory_space<hbm>> -> memref<400000x320xbf16, #tpu.memory_space<hbm>>
        tpu.enqueue_indirect_dma source(%dma_start3A_984 : memref<400000x320xbf16, #tpu.memory_space<hbm>>) target(%arg6 : memref<200x320xbf16, #tpu.memory_space<vmem>>) offsets(%dma_start3A_981 : memref<200xi32, #tpu.memory_space<vmem>>) semaphore(%arg9 : memref<!tpu.dma_semaphore, #tpu.memory_space<semaphore_mem>>)
      } else {
      }
      %mul3A_495 = arith.constant 2 : i32
      %mul3A_496 = arith.muli %scan3A_19, %mul3A_495 : i32
      %add3A_497 = arith.constant 1 : i32
      %add3A_498 = arith.addi %mul3A_496, %add3A_497 : i32
      %mul3A_499 = arith.constant 200 : i32
      %mul3A_500 = arith.muli %add3A_498, %mul3A_499 : i32
      %dma_wait3A_501 = tpu.memref_slice %arg5[%mul3A_500] : memref<25600xi32, #tpu.memory_space<vmem>> -> memref<200xi32, #tpu.memory_space<vmem>>
      %dma_wait3A_502 = arith.constant 0 : i32
      %dma_wait3A_503 = arith.constant 0 : i32
      %dma_wait3A_504 = tpu.memref_slice %arg3[%dma_wait3A_502, %dma_wait3A_503] : memref<400000x320xbf16, #tpu.memory_space<hbm>> -> memref<400000x320xbf16, #tpu.memory_space<hbm>>
      tpu.wait_indirect_dma semaphore(%arg10 : memref<!tpu.dma_semaphore, #tpu.memory_space<semaphore_mem>>) src(%dma_wait3A_504 : memref<400000x320xbf16, #tpu.memory_space<hbm>>) dst(%arg7 : memref<200x320xbf16, #tpu.memory_space<vmem>>)
      %get3A_505 = arith.constant 0 : i32
      %get3A_506 = arith.index_cast %get3A_505 : i32 to index
      %get3A_507 = arith.constant 0 : index
      %get3A_508 = tpu.vector_load %arg7[%get3A_506, %get3A_507] {strides = array<i32>} : memref<200x320xbf16, #tpu.memory_space<vmem>>, vector<1x32xbf16>,
      %get3A_509 = vector.shape_cast %get3A_508 : vector<1x32xbf16> to vector<32xbf16>
      %get3A_510 = arith.constant 0 : i32
      %get3A_511 = arith.index_cast %get3A_510 : i32 to index
      %get3A_512 = arith.constant 32 : index
      %get3A_513 = tpu.vector_load %arg7[%get3A_511, %get3A_512] {strides = array<i32>} : memref<200x320xbf16, #tpu.memory_space<vmem>>, vector<1x32xbf16>,
      %get3A_514 = vector.shape_cast %get3A_513 : vector<1x32xbf16> to vector<32xbf16>
      %get3A_515 = arith.constant 0 : i32
      %get3A_516 = arith.index_cast %get3A_515 : i32 to index
      %get3A_517 = arith.constant 64 : index
      %get3A_518 = tpu.vector_load %arg7[%get3A_516, %get3A_517] {strides = array<i32>} : memref<200x320xbf16, #tpu.memory_space<vmem>>, vector<1x32xbf16>,
      %get3A_519 = vector.shape_cast %get3A_518 : vector<1x32xbf16> to vector<32xbf16>
      %get3A_520 = arith.constant 0 : i32
      %get3A_521 = arith.index_cast %get3A_520 : i32 to index
      %get3A_522 = arith.constant 96 : index
      %get3A_523 = tpu.vector_load %arg7[%get3A_521, %get3A_522] {strides = array<i32>} : memref<200x320xbf16, #tpu.memory_space<vmem>>, vector<1x32xbf16>,
      %get3A_524 = vector.shape_cast %get3A_523 : vector<1x32xbf16> to vector<32xbf16>
      %get3A_525 = arith.constant 0 : i32
      %get3A_526 = arith.index_cast %get3A_525 : i32 to index
      %get3A_527 = arith.constant 128 : index
      %get3A_528 = tpu.vector_load %arg7[%get3A_526, %get3A_527] {strides = array<i32>} : memref<200x320xbf16, #tpu.memory_space<vmem>>, vector<1x32xbf16>,
      %get3A_529 = vector.shape_cast %get3A_528 : vector<1x32xbf16> to vector<32xbf16>
      %get3A_530 = arith.constant 0 : i32
      %get3A_531 = arith.index_cast %get3A_530 : i32 to index
      %get3A_532 = arith.constant 160 : index
      %get3A_533 = tpu.vector_load %arg7[%get3A_531, %get3A_532] {strides = array<i32>} : memref<200x320xbf16, #tpu.memory_space<vmem>>, vector<1x32xbf16>,
      %get3A_534 = vector.shape_cast %get3A_533 : vector<1x32xbf16> to vector<32xbf16>
      %get3A_535 = arith.constant 0 : i32
      %get3A_536 = arith.index_cast %get3A_535 : i32 to index
      %get3A_537 = arith.constant 192 : index
      %get3A_538 = tpu.vector_load %arg7[%get3A_536, %get3A_537] {strides = array<i32>} : memref<200x320xbf16, #tpu.memory_space<vmem>>, vector<1x32xbf16>,
      %get3A_539 = vector.shape_cast %get3A_538 : vector<1x32xbf16> to vector<32xbf16>
      %get3A_540 = arith.constant 0 : i32
      %get3A_541 = arith.index_cast %get3A_540 : i32 to index
      %get3A_542 = arith.constant 224 : index
      %get3A_543 = tpu.vector_load %arg7[%get3A_541, %get3A_542] {strides = array<i32>} : memref<200x320xbf16, #tpu.memory_space<vmem>>, vector<1x32xbf16>,
      %get3A_544 = vector.shape_cast %get3A_543 : vector<1x32xbf16> to vector<32xbf16>
      %get3A_545 = arith.constant 0 : i32
      %get3A_546 = arith.index_cast %get3A_545 : i32 to index
      %get3A_547 = arith.constant 256 : index
      %get3A_548 = tpu.vector_load %arg7[%get3A_546, %get3A_547] {strides = array<i32>} : memref<200x320xbf16, #tpu.memory_space<vmem>>, vector<1x32xbf16>,
      %get3A_549 = vector.shape_cast %get3A_548 : vector<1x32xbf16> to vector<32xbf16>
      %get3A_550 = arith.constant 0 : i32
      %get3A_551 = arith.index_cast %get3A_550 : i32 to index
      %get3A_552 = arith.constant 288 : index
      %get3A_553 = tpu.vector_load %arg7[%get3A_551, %get3A_552] {strides = array<i32>} : memref<200x320xbf16, #tpu.memory_space<vmem>>, vector<1x32xbf16>,
      %get3A_554 = vector.shape_cast %get3A_553 : vector<1x32xbf16> to vector<32xbf16>
      %scan3A_555 = arith.constant 1 : i32
      %scan3A_556 = arith.constant 49 : i32
      %scan3A_557 = arith.addi %scan3A_555, %scan3A_556 : i32
      %scan3A_558 = arith.constant 1 : i32
      %scan3A_559:10 = scf.for %scan3A_979 = %scan3A_555 to %scan3A_557 step %scan3A_558 iter_args(%scan3A_980 = %get3A_509, %scan3A_981 = %get3A_514, %scan3A_982 = %get3A_519, %scan3A_983 = %get3A_524, %scan3A_984 = %get3A_529, %scan3A_985 = %get3A_534, %scan3A_986 = %get3A_539, %scan3A_987 = %get3A_544, %scan3A_988 = %get3A_549, %scan3A_989 = %get3A_554) -> (vector<32xbf16>, vector<32xbf16>, vector<32xbf16>, vector<32xbf16>, vector<32xbf16>, vector<32xbf16>, vector<32xbf16>, vector<32xbf16>, vector<32xbf16>, vector<32xbf16>)  : i32 {
        %add3A_990 = arith.constant 0 : i32
        %add3A_991 = arith.addi %add3A_990, %scan3A_979 : i32
        %get3A_992 = arith.index_cast %add3A_991 : i32 to index
        %get3A_993 = arith.constant 0 : index
        %get3A_994 = tpu.vector_load %arg7[%get3A_992, %get3A_993] {strides = array<i32>} : memref<200x320xbf16, #tpu.memory_space<vmem>>, vector<1x32xbf16>,
        %get3A_995 = vector.shape_cast %get3A_994 : vector<1x32xbf16> to vector<32xbf16>
        %max3A = arith.maximumf %scan3A_980, %get3A_995 : vector<32xbf16>
        %add3A_996 = arith.constant 0 : i32
        %add3A_997 = arith.addi %add3A_996, %scan3A_979 : i32
        %get3A_998 = arith.index_cast %add3A_997 : i32 to index
        %get3A_999 = arith.constant 32 : index
        %get3A_1000 = tpu.vector_load %arg7[%get3A_998, %get3A_999] {strides = array<i32>} : memref<200x320xbf16, #tpu.memory_space<vmem>>, vector<1x32xbf16>,
        %get3A_1001 = vector.shape_cast %get3A_1000 : vector<1x32xbf16> to vector<32xbf16>
        %max3A_1002 = arith.maximumf %scan3A_981, %get3A_1001 : vector<32xbf16>
        %add3A_1003 = arith.constant 0 : i32
        %add3A_1004 = arith.addi %add3A_1003, %scan3A_979 : i32
        %get3A_1005 = arith.index_cast %add3A_1004 : i32 to index
        %get3A_1006 = arith.constant 64 : index
        %get3A_1007 = tpu.vector_load %arg7[%get3A_1005, %get3A_1006] {strides = array<i32>} : memref<200x320xbf16, #tpu.memory_space<vmem>>, vector<1x32xbf16>,
        %get3A_1008 = vector.shape_cast %get3A_1007 : vector<1x32xbf16> to vector<32xbf16>
        %max3A_1009 = arith.maximumf %scan3A_982, %get3A_1008 : vector<32xbf16>
        %add3A_1010 = arith.constant 0 : i32
        %add3A_1011 = arith.addi %add3A_1010, %scan3A_979 : i32
        %get3A_1012 = arith.index_cast %add3A_1011 : i32 to index
        %get3A_1013 = arith.constant 96 : index
        %get3A_1014 = tpu.vector_load %arg7[%get3A_1012, %get3A_1013] {strides = array<i32>} : memref<200x320xbf16, #tpu.memory_space<vmem>>, vector<1x32xbf16>,
        %get3A_1015 = vector.shape_cast %get3A_1014 : vector<1x32xbf16> to vector<32xbf16>
        %max3A_1016 = arith.maximumf %scan3A_983, %get3A_1015 : vector<32xbf16>
        %add3A_1017 = arith.constant 0 : i32
        %add3A_1018 = arith.addi %add3A_1017, %scan3A_979 : i32
        %get3A_1019 = arith.index_cast %add3A_1018 : i32 to index
        %get3A_1020 = arith.constant 128 : index
        %get3A_1021 = tpu.vector_load %arg7[%get3A_1019, %get3A_1020] {strides = array<i32>} : memref<200x320xbf16, #tpu.memory_space<vmem>>, vector<1x32xbf16>,
        %get3A_1022 = vector.shape_cast %get3A_1021 : vector<1x32xbf16> to vector<32xbf16>
        %max3A_1023 = arith.maximumf %scan3A_984, %get3A_1022 : vector<32xbf16>
        %add3A_1024 = arith.constant 0 : i32
        %add3A_1025 = arith.addi %add3A_1024, %scan3A_979 : i32
        %get3A_1026 = arith.index_cast %add3A_1025 : i32 to index
        %get3A_1027 = arith.constant 160 : index
        %get3A_1028 = tpu.vector_load %arg7[%get3A_1026, %get3A_1027] {strides = array<i32>} : memref<200x320xbf16, #tpu.memory_space<vmem>>, vector<1x32xbf16>,
        %get3A_1029 = vector.shape_cast %get3A_1028 : vector<1x32xbf16> to vector<32xbf16>
        %max3A_1030 = arith.maximumf %scan3A_985, %get3A_1029 : vector<32xbf16>
        %add3A_1031 = arith.constant 0 : i32
        %add3A_1032 = arith.addi %add3A_1031, %scan3A_979 : i32
        %get3A_1033 = arith.index_cast %add3A_1032 : i32 to index
        %get3A_1034 = arith.constant 192 : index
        %get3A_1035 = tpu.vector_load %arg7[%get3A_1033, %get3A_1034] {strides = array<i32>} : memref<200x320xbf16, #tpu.memory_space<vmem>>, vector<1x32xbf16>,
        %get3A_1036 = vector.shape_cast %get3A_1035 : vector<1x32xbf16> to vector<32xbf16>
        %max3A_1037 = arith.maximumf %scan3A_986, %get3A_1036 : vector<32xbf16>
        %add3A_1038 = arith.constant 0 : i32
        %add3A_1039 = arith.addi %add3A_1038, %scan3A_979 : i32
        %get3A_1040 = arith.index_cast %add3A_1039 : i32 to index
        %get3A_1041 = arith.constant 224 : index
        %get3A_1042 = tpu.vector_load %arg7[%get3A_1040, %get3A_1041] {strides = array<i32>} : memref<200x320xbf16, #tpu.memory_space<vmem>>, vector<1x32xbf16>,
        %get3A_1043 = vector.shape_cast %get3A_1042 : vector<1x32xbf16> to vector<32xbf16>
        %max3A_1044 = arith.maximumf %scan3A_987, %get3A_1043 : vector<32xbf16>
        %add3A_1045 = arith.constant 0 : i32
        %add3A_1046 = arith.addi %add3A_1045, %scan3A_979 : i32
        %get3A_1047 = arith.index_cast %add3A_1046 : i32 to index
        %get3A_1048 = arith.constant 256 : index
        %get3A_1049 = tpu.vector_load %arg7[%get3A_1047, %get3A_1048] {strides = array<i32>} : memref<200x320xbf16, #tpu.memory_space<vmem>>, vector<1x32xbf16>,
        %get3A_1050 = vector.shape_cast %get3A_1049 : vector<1x32xbf16> to vector<32xbf16>
        %max3A_1051 = arith.maximumf %scan3A_988, %get3A_1050 : vector<32xbf16>
        %add3A_1052 = arith.constant 0 : i32
        %add3A_1053 = arith.addi %add3A_1052, %scan3A_979 : i32
        %get3A_1054 = arith.index_cast %add3A_1053 : i32 to index
        %get3A_1055 = arith.constant 288 : index
        %get3A_1056 = tpu.vector_load %arg7[%get3A_1054, %get3A_1055] {strides = array<i32>} : memref<200x320xbf16, #tpu.memory_space<vmem>>, vector<1x32xbf16>,
        %get3A_1057 = vector.shape_cast %get3A_1056 : vector<1x32xbf16> to vector<32xbf16>
        %max3A_1058 = arith.maximumf %scan3A_989, %get3A_1057 : vector<32xbf16>
        scf.yield %max3A, %max3A_1002, %max3A_1009, %max3A_1016, %max3A_1023, %max3A_1030, %max3A_1037, %max3A_1044, %max3A_1051, %max3A_1058 : vector<32xbf16>, vector<32xbf16>, vector<32xbf16>, vector<32xbf16>, vector<32xbf16>, vector<32xbf16>, vector<32xbf16>, vector<32xbf16>, vector<32xbf16>, vector<32xbf16>
      }
      %scan3A_560 = arith.constant 49 : i32
      %swap3A_561 = arith.constant 4 : i32
      %swap3A_562 = arith.index_cast %swap3A_561 : i32 to index
      %swap3A_563 = arith.constant 0 : index
      %swap3A_564 = tpu.vector_load %arg8[%swap3A_562, %swap3A_563] {strides = array<i32>} : memref<8x320xbf16, #tpu.memory_space<vmem>>, vector<1x32xbf16>,
      %swap3A_565 = vector.shape_cast %swap3A_564 : vector<1x32xbf16> to vector<32xbf16>
      %swap3A_566 = vector.shape_cast %scan3A_559#0 : vector<32xbf16> to vector<1x32xbf16>
      tpu.vector_store %arg8[%swap3A_562, %swap3A_563], %swap3A_566 {strides = array<i32>} : memref<8x320xbf16, #tpu.memory_space<vmem>>, vector<1x32xbf16>,
      %swap3A_567 = arith.constant 4 : i32
      %swap3A_568 = arith.index_cast %swap3A_567 : i32 to index
      %swap3A_569 = arith.constant 32 : index
      %swap3A_570 = tpu.vector_load %arg8[%swap3A_568, %swap3A_569] {strides = array<i32>} : memref<8x320xbf16, #tpu.memory_space<vmem>>, vector<1x32xbf16>,
      %swap3A_571 = vector.shape_cast %swap3A_570 : vector<1x32xbf16> to vector<32xbf16>
      %swap3A_572 = vector.shape_cast %scan3A_559#1 : vector<32xbf16> to vector<1x32xbf16>
      tpu.vector_store %arg8[%swap3A_568, %swap3A_569], %swap3A_572 {strides = array<i32>} : memref<8x320xbf16, #tpu.memory_space<vmem>>, vector<1x32xbf16>,
      %swap3A_573 = arith.constant 4 : i32
      %swap3A_574 = arith.index_cast %swap3A_573 : i32 to index
      %swap3A_575 = arith.constant 64 : index
      %swap3A_576 = tpu.vector_load %arg8[%swap3A_574, %swap3A_575] {strides = array<i32>} : memref<8x320xbf16, #tpu.memory_space<vmem>>, vector<1x32xbf16>,
      %swap3A_577 = vector.shape_cast %swap3A_576 : vector<1x32xbf16> to vector<32xbf16>
      %swap3A_578 = vector.shape_cast %scan3A_559#2 : vector<32xbf16> to vector<1x32xbf16>
      tpu.vector_store %arg8[%swap3A_574, %swap3A_575], %swap3A_578 {strides = array<i32>} : memref<8x320xbf16, #tpu.memory_space<vmem>>, vector<1x32xbf16>,
      %swap3A_579 = arith.constant 4 : i32
      %swap3A_580 = arith.index_cast %swap3A_579 : i32 to index
      %swap3A_581 = arith.constant 96 : index
      %swap3A_582 = tpu.vector_load %arg8[%swap3A_580, %swap3A_581] {strides = array<i32>} : memref<8x320xbf16, #tpu.memory_space<vmem>>, vector<1x32xbf16>,
      %swap3A_583 = vector.shape_cast %swap3A_582 : vector<1x32xbf16> to vector<32xbf16>
      %swap3A_584 = vector.shape_cast %scan3A_559#3 : vector<32xbf16> to vector<1x32xbf16>
      tpu.vector_store %arg8[%swap3A_580, %swap3A_581], %swap3A_584 {strides = array<i32>} : memref<8x320xbf16, #tpu.memory_space<vmem>>, vector<1x32xbf16>,
      %swap3A_585 = arith.constant 4 : i32
      %swap3A_586 = arith.index_cast %swap3A_585 : i32 to index
      %swap3A_587 = arith.constant 128 : index
      %swap3A_588 = tpu.vector_load %arg8[%swap3A_586, %swap3A_587] {strides = array<i32>} : memref<8x320xbf16, #tpu.memory_space<vmem>>, vector<1x32xbf16>,
      %swap3A_589 = vector.shape_cast %swap3A_588 : vector<1x32xbf16> to vector<32xbf16>
      %swap3A_590 = vector.shape_cast %scan3A_559#4 : vector<32xbf16> to vector<1x32xbf16>
      tpu.vector_store %arg8[%swap3A_586, %swap3A_587], %swap3A_590 {strides = array<i32>} : memref<8x320xbf16, #tpu.memory_space<vmem>>, vector<1x32xbf16>,
      %swap3A_591 = arith.constant 4 : i32
      %swap3A_592 = arith.index_cast %swap3A_591 : i32 to index
      %swap3A_593 = arith.constant 160 : index
      %swap3A_594 = tpu.vector_load %arg8[%swap3A_592, %swap3A_593] {strides = array<i32>} : memref<8x320xbf16, #tpu.memory_space<vmem>>, vector<1x32xbf16>,
      %swap3A_595 = vector.shape_cast %swap3A_594 : vector<1x32xbf16> to vector<32xbf16>
      %swap3A_596 = vector.shape_cast %scan3A_559#5 : vector<32xbf16> to vector<1x32xbf16>
      tpu.vector_store %arg8[%swap3A_592, %swap3A_593], %swap3A_596 {strides = array<i32>} : memref<8x320xbf16, #tpu.memory_space<vmem>>, vector<1x32xbf16>,
      %swap3A_597 = arith.constant 4 : i32
      %swap3A_598 = arith.index_cast %swap3A_597 : i32 to index
      %swap3A_599 = arith.constant 192 : index
      %swap3A_600 = tpu.vector_load %arg8[%swap3A_598, %swap3A_599] {strides = array<i32>} : memref<8x320xbf16, #tpu.memory_space<vmem>>, vector<1x32xbf16>,
      %swap3A_601 = vector.shape_cast %swap3A_600 : vector<1x32xbf16> to vector<32xbf16>
      %swap3A_602 = vector.shape_cast %scan3A_559#6 : vector<32xbf16> to vector<1x32xbf16>
      tpu.vector_store %arg8[%swap3A_598, %swap3A_599], %swap3A_602 {strides = array<i32>} : memref<8x320xbf16, #tpu.memory_space<vmem>>, vector<1x32xbf16>,
      %swap3A_603 = arith.constant 4 : i32
      %swap3A_604 = arith.index_cast %swap3A_603 : i32 to index
      %swap3A_605 = arith.constant 224 : index
      %swap3A_606 = tpu.vector_load %arg8[%swap3A_604, %swap3A_605] {strides = array<i32>} : memref<8x320xbf16, #tpu.memory_space<vmem>>, vector<1x32xbf16>,
      %swap3A_607 = vector.shape_cast %swap3A_606 : vector<1x32xbf16> to vector<32xbf16>
      %swap3A_608 = vector.shape_cast %scan3A_559#7 : vector<32xbf16> to vector<1x32xbf16>
      tpu.vector_store %arg8[%swap3A_604, %swap3A_605], %swap3A_608 {strides = array<i32>} : memref<8x320xbf16, #tpu.memory_space<vmem>>, vector<1x32xbf16>,
      %swap3A_609 = arith.constant 4 : i32
      %swap3A_610 = arith.index_cast %swap3A_609 : i32 to index
      %swap3A_611 = arith.constant 256 : index
      %swap3A_612 = tpu.vector_load %arg8[%swap3A_610, %swap3A_611] {strides = array<i32>} : memref<8x320xbf16, #tpu.memory_space<vmem>>, vector<1x32xbf16>,
      %swap3A_613 = vector.shape_cast %swap3A_612 : vector<1x32xbf16> to vector<32xbf16>
      %swap3A_614 = vector.shape_cast %scan3A_559#8 : vector<32xbf16> to vector<1x32xbf16>
      tpu.vector_store %arg8[%swap3A_610, %swap3A_611], %swap3A_614 {strides = array<i32>} : memref<8x320xbf16, #tpu.memory_space<vmem>>, vector<1x32xbf16>,
      %swap3A_615 = arith.constant 4 : i32
      %swap3A_616 = arith.index_cast %swap3A_615 : i32 to index
      %swap3A_617 = arith.constant 288 : index
      %swap3A_618 = tpu.vector_load %arg8[%swap3A_616, %swap3A_617] {strides = array<i32>} : memref<8x320xbf16, #tpu.memory_space<vmem>>, vector<1x32xbf16>,
      %swap3A_619 = vector.shape_cast %swap3A_618 : vector<1x32xbf16> to vector<32xbf16>
      %swap3A_620 = vector.shape_cast %scan3A_559#9 : vector<32xbf16> to vector<1x32xbf16>
      tpu.vector_store %arg8[%swap3A_616, %swap3A_617], %swap3A_620 {strides = array<i32>} : memref<8x320xbf16, #tpu.memory_space<vmem>>, vector<1x32xbf16>,
      %get3A_621 = arith.constant 50 : i32
      %get3A_622 = arith.index_cast %get3A_621 : i32 to index
      %get3A_623 = arith.constant 0 : index
      %get3A_624 = tpu.vector_load %arg7[%get3A_622, %get3A_623] {strides = array<i32>} : memref<200x320xbf16, #tpu.memory_space<vmem>>, vector<1x32xbf16>,
      %get3A_625 = vector.shape_cast %get3A_624 : vector<1x32xbf16> to vector<32xbf16>
      %get3A_626 = arith.constant 50 : i32
      %get3A_627 = arith.index_cast %get3A_626 : i32 to index
      %get3A_628 = arith.constant 32 : index
      %get3A_629 = tpu.vector_load %arg7[%get3A_627, %get3A_628] {strides = array<i32>} : memref<200x320xbf16, #tpu.memory_space<vmem>>, vector<1x32xbf16>,
      %get3A_630 = vector.shape_cast %get3A_629 : vector<1x32xbf16> to vector<32xbf16>
      %get3A_631 = arith.constant 50 : i32
      %get3A_632 = arith.index_cast %get3A_631 : i32 to index
      %get3A_633 = arith.constant 64 : index
      %get3A_634 = tpu.vector_load %arg7[%get3A_632, %get3A_633] {strides = array<i32>} : memref<200x320xbf16, #tpu.memory_space<vmem>>, vector<1x32xbf16>,
      %get3A_635 = vector.shape_cast %get3A_634 : vector<1x32xbf16> to vector<32xbf16>
      %get3A_636 = arith.constant 50 : i32
      %get3A_637 = arith.index_cast %get3A_636 : i32 to index
      %get3A_638 = arith.constant 96 : index
      %get3A_639 = tpu.vector_load %arg7[%get3A_637, %get3A_638] {strides = array<i32>} : memref<200x320xbf16, #tpu.memory_space<vmem>>, vector<1x32xbf16>,
      %get3A_640 = vector.shape_cast %get3A_639 : vector<1x32xbf16> to vector<32xbf16>
      %get3A_641 = arith.constant 50 : i32
      %get3A_642 = arith.index_cast %get3A_641 : i32 to index
      %get3A_643 = arith.constant 128 : index
      %get3A_644 = tpu.vector_load %arg7[%get3A_642, %get3A_643] {strides = array<i32>} : memref<200x320xbf16, #tpu.memory_space<vmem>>, vector<1x32xbf16>,
      %get3A_645 = vector.shape_cast %get3A_644 : vector<1x32xbf16> to vector<32xbf16>
      %get3A_646 = arith.constant 50 : i32
      %get3A_647 = arith.index_cast %get3A_646 : i32 to index
      %get3A_648 = arith.constant 160 : index
      %get3A_649 = tpu.vector_load %arg7[%get3A_647, %get3A_648] {strides = array<i32>} : memref<200x320xbf16, #tpu.memory_space<vmem>>, vector<1x32xbf16>,
      %get3A_650 = vector.shape_cast %get3A_649 : vector<1x32xbf16> to vector<32xbf16>
      %get3A_651 = arith.constant 50 : i32
      %get3A_652 = arith.index_cast %get3A_651 : i32 to index
      %get3A_653 = arith.constant 192 : index
      %get3A_654 = tpu.vector_load %arg7[%get3A_652, %get3A_653] {strides = array<i32>} : memref<200x320xbf16, #tpu.memory_space<vmem>>, vector<1x32xbf16>,
      %get3A_655 = vector.shape_cast %get3A_654 : vector<1x32xbf16> to vector<32xbf16>
      %get3A_656 = arith.constant 50 : i32
      %get3A_657 = arith.index_cast %get3A_656 : i32 to index
      %get3A_658 = arith.constant 224 : index
      %get3A_659 = tpu.vector_load %arg7[%get3A_657, %get3A_658] {strides = array<i32>} : memref<200x320xbf16, #tpu.memory_space<vmem>>, vector<1x32xbf16>,
      %get3A_660 = vector.shape_cast %get3A_659 : vector<1x32xbf16> to vector<32xbf16>
      %get3A_661 = arith.constant 50 : i32
      %get3A_662 = arith.index_cast %get3A_661 : i32 to index
      %get3A_663 = arith.constant 256 : index
      %get3A_664 = tpu.vector_load %arg7[%get3A_662, %get3A_663] {strides = array<i32>} : memref<200x320xbf16, #tpu.memory_space<vmem>>, vector<1x32xbf16>,
      %get3A_665 = vector.shape_cast %get3A_664 : vector<1x32xbf16> to vector<32xbf16>
      %get3A_666 = arith.constant 50 : i32
      %get3A_667 = arith.index_cast %get3A_666 : i32 to index
      %get3A_668 = arith.constant 288 : index
      %get3A_669 = tpu.vector_load %arg7[%get3A_667, %get3A_668] {strides = array<i32>} : memref<200x320xbf16, #tpu.memory_space<vmem>>, vector<1x32xbf16>,
      %get3A_670 = vector.shape_cast %get3A_669 : vector<1x32xbf16> to vector<32xbf16>
      %scan3A_671 = arith.constant 1 : i32
      %scan3A_672 = arith.constant 49 : i32
      %scan3A_673 = arith.addi %scan3A_671, %scan3A_672 : i32
      %scan3A_674 = arith.constant 1 : i32
      %scan3A_675:10 = scf.for %scan3A_979 = %scan3A_671 to %scan3A_673 step %scan3A_674 iter_args(%scan3A_980 = %get3A_625, %scan3A_981 = %get3A_630, %scan3A_982 = %get3A_635, %scan3A_983 = %get3A_640, %scan3A_984 = %get3A_645, %scan3A_985 = %get3A_650, %scan3A_986 = %get3A_655, %scan3A_987 = %get3A_660, %scan3A_988 = %get3A_665, %scan3A_989 = %get3A_670) -> (vector<32xbf16>, vector<32xbf16>, vector<32xbf16>, vector<32xbf16>, vector<32xbf16>, vector<32xbf16>, vector<32xbf16>, vector<32xbf16>, vector<32xbf16>, vector<32xbf16>)  : i32 {
        %add3A_990 = arith.constant 50 : i32
        %add3A_991 = arith.addi %add3A_990, %scan3A_979 : i32
        %get3A_992 = arith.index_cast %add3A_991 : i32 to index
        %get3A_993 = arith.constant 0 : index
        %get3A_994 = tpu.vector_load %arg7[%get3A_992, %get3A_993] {strides = array<i32>} : memref<200x320xbf16, #tpu.memory_space<vmem>>, vector<1x32xbf16>,
        %get3A_995 = vector.shape_cast %get3A_994 : vector<1x32xbf16> to vector<32xbf16>
        %max3A = arith.maximumf %scan3A_980, %get3A_995 : vector<32xbf16>
        %add3A_996 = arith.constant 50 : i32
        %add3A_997 = arith.addi %add3A_996, %scan3A_979 : i32
        %get3A_998 = arith.index_cast %add3A_997 : i32 to index
        %get3A_999 = arith.constant 32 : index
        %get3A_1000 = tpu.vector_load %arg7[%get3A_998, %get3A_999] {strides = array<i32>} : memref<200x320xbf16, #tpu.memory_space<vmem>>, vector<1x32xbf16>,
        %get3A_1001 = vector.shape_cast %get3A_1000 : vector<1x32xbf16> to vector<32xbf16>
        %max3A_1002 = arith.maximumf %scan3A_981, %get3A_1001 : vector<32xbf16>
        %add3A_1003 = arith.constant 50 : i32
        %add3A_1004 = arith.addi %add3A_1003, %scan3A_979 : i32
        %get3A_1005 = arith.index_cast %add3A_1004 : i32 to index
        %get3A_1006 = arith.constant 64 : index
        %get3A_1007 = tpu.vector_load %arg7[%get3A_1005, %get3A_1006] {strides = array<i32>} : memref<200x320xbf16, #tpu.memory_space<vmem>>, vector<1x32xbf16>,
        %get3A_1008 = vector.shape_cast %get3A_1007 : vector<1x32xbf16> to vector<32xbf16>
        %max3A_1009 = arith.maximumf %scan3A_982, %get3A_1008 : vector<32xbf16>
        %add3A_1010 = arith.constant 50 : i32
        %add3A_1011 = arith.addi %add3A_1010, %scan3A_979 : i32
        %get3A_1012 = arith.index_cast %add3A_1011 : i32 to index
        %get3A_1013 = arith.constant 96 : index
        %get3A_1014 = tpu.vector_load %arg7[%get3A_1012, %get3A_1013] {strides = array<i32>} : memref<200x320xbf16, #tpu.memory_space<vmem>>, vector<1x32xbf16>,
        %get3A_1015 = vector.shape_cast %get3A_1014 : vector<1x32xbf16> to vector<32xbf16>
        %max3A_1016 = arith.maximumf %scan3A_983, %get3A_1015 : vector<32xbf16>
        %add3A_1017 = arith.constant 50 : i32
        %add3A_1018 = arith.addi %add3A_1017, %scan3A_979 : i32
        %get3A_1019 = arith.index_cast %add3A_1018 : i32 to index
        %get3A_1020 = arith.constant 128 : index
        %get3A_1021 = tpu.vector_load %arg7[%get3A_1019, %get3A_1020] {strides = array<i32>} : memref<200x320xbf16, #tpu.memory_space<vmem>>, vector<1x32xbf16>,
        %get3A_1022 = vector.shape_cast %get3A_1021 : vector<1x32xbf16> to vector<32xbf16>
        %max3A_1023 = arith.maximumf %scan3A_984, %get3A_1022 : vector<32xbf16>
        %add3A_1024 = arith.constant 50 : i32
        %add3A_1025 = arith.addi %add3A_1024, %scan3A_979 : i32
        %get3A_1026 = arith.index_cast %add3A_1025 : i32 to index
        %get3A_1027 = arith.constant 160 : index
        %get3A_1028 = tpu.vector_load %arg7[%get3A_1026, %get3A_1027] {strides = array<i32>} : memref<200x320xbf16, #tpu.memory_space<vmem>>, vector<1x32xbf16>,
        %get3A_1029 = vector.shape_cast %get3A_1028 : vector<1x32xbf16> to vector<32xbf16>
        %max3A_1030 = arith.maximumf %scan3A_985, %get3A_1029 : vector<32xbf16>
        %add3A_1031 = arith.constant 50 : i32
        %add3A_1032 = arith.addi %add3A_1031, %scan3A_979 : i32
        %get3A_1033 = arith.index_cast %add3A_1032 : i32 to index
        %get3A_1034 = arith.constant 192 : index
        %get3A_1035 = tpu.vector_load %arg7[%get3A_1033, %get3A_1034] {strides = array<i32>} : memref<200x320xbf16, #tpu.memory_space<vmem>>, vector<1x32xbf16>,
        %get3A_1036 = vector.shape_cast %get3A_1035 : vector<1x32xbf16> to vector<32xbf16>
        %max3A_1037 = arith.maximumf %scan3A_986, %get3A_1036 : vector<32xbf16>
        %add3A_1038 = arith.constant 50 : i32
        %add3A_1039 = arith.addi %add3A_1038, %scan3A_979 : i32
        %get3A_1040 = arith.index_cast %add3A_1039 : i32 to index
        %get3A_1041 = arith.constant 224 : index
        %get3A_1042 = tpu.vector_load %arg7[%get3A_1040, %get3A_1041] {strides = array<i32>} : memref<200x320xbf16, #tpu.memory_space<vmem>>, vector<1x32xbf16>,
        %get3A_1043 = vector.shape_cast %get3A_1042 : vector<1x32xbf16> to vector<32xbf16>
        %max3A_1044 = arith.maximumf %scan3A_987, %get3A_1043 : vector<32xbf16>
        %add3A_1045 = arith.constant 50 : i32
        %add3A_1046 = arith.addi %add3A_1045, %scan3A_979 : i32
        %get3A_1047 = arith.index_cast %add3A_1046 : i32 to index
        %get3A_1048 = arith.constant 256 : index
        %get3A_1049 = tpu.vector_load %arg7[%get3A_1047, %get3A_1048] {strides = array<i32>} : memref<200x320xbf16, #tpu.memory_space<vmem>>, vector<1x32xbf16>,
        %get3A_1050 = vector.shape_cast %get3A_1049 : vector<1x32xbf16> to vector<32xbf16>
        %max3A_1051 = arith.maximumf %scan3A_988, %get3A_1050 : vector<32xbf16>
        %add3A_1052 = arith.constant 50 : i32
        %add3A_1053 = arith.addi %add3A_1052, %scan3A_979 : i32
        %get3A_1054 = arith.index_cast %add3A_1053 : i32 to index
        %get3A_1055 = arith.constant 288 : index
        %get3A_1056 = tpu.vector_load %arg7[%get3A_1054, %get3A_1055] {strides = array<i32>} : memref<200x320xbf16, #tpu.memory_space<vmem>>, vector<1x32xbf16>,
        %get3A_1057 = vector.shape_cast %get3A_1056 : vector<1x32xbf16> to vector<32xbf16>
        %max3A_1058 = arith.maximumf %scan3A_989, %get3A_1057 : vector<32xbf16>
        scf.yield %max3A, %max3A_1002, %max3A_1009, %max3A_1016, %max3A_1023, %max3A_1030, %max3A_1037, %max3A_1044, %max3A_1051, %max3A_1058 : vector<32xbf16>, vector<32xbf16>, vector<32xbf16>, vector<32xbf16>, vector<32xbf16>, vector<32xbf16>, vector<32xbf16>, vector<32xbf16>, vector<32xbf16>, vector<32xbf16>
      }
      %scan3A_676 = arith.constant 49 : i32
      %swap3A_677 = arith.constant 5 : i32
      %swap3A_678 = arith.index_cast %swap3A_677 : i32 to index
      %swap3A_679 = arith.constant 0 : index
      %swap3A_680 = tpu.vector_load %arg8[%swap3A_678, %swap3A_679] {strides = array<i32>} : memref<8x320xbf16, #tpu.memory_space<vmem>>, vector<1x32xbf16>,
      %swap3A_681 = vector.shape_cast %swap3A_680 : vector<1x32xbf16> to vector<32xbf16>
      %swap3A_682 = vector.shape_cast %scan3A_675#0 : vector<32xbf16> to vector<1x32xbf16>
      tpu.vector_store %arg8[%swap3A_678, %swap3A_679], %swap3A_682 {strides = array<i32>} : memref<8x320xbf16, #tpu.memory_space<vmem>>, vector<1x32xbf16>,
      %swap3A_683 = arith.constant 5 : i32
      %swap3A_684 = arith.index_cast %swap3A_683 : i32 to index
      %swap3A_685 = arith.constant 32 : index
      %swap3A_686 = tpu.vector_load %arg8[%swap3A_684, %swap3A_685] {strides = array<i32>} : memref<8x320xbf16, #tpu.memory_space<vmem>>, vector<1x32xbf16>,
      %swap3A_687 = vector.shape_cast %swap3A_686 : vector<1x32xbf16> to vector<32xbf16>
      %swap3A_688 = vector.shape_cast %scan3A_675#1 : vector<32xbf16> to vector<1x32xbf16>
      tpu.vector_store %arg8[%swap3A_684, %swap3A_685], %swap3A_688 {strides = array<i32>} : memref<8x320xbf16, #tpu.memory_space<vmem>>, vector<1x32xbf16>,
      %swap3A_689 = arith.constant 5 : i32
      %swap3A_690 = arith.index_cast %swap3A_689 : i32 to index
      %swap3A_691 = arith.constant 64 : index
      %swap3A_692 = tpu.vector_load %arg8[%swap3A_690, %swap3A_691] {strides = array<i32>} : memref<8x320xbf16, #tpu.memory_space<vmem>>, vector<1x32xbf16>,
      %swap3A_693 = vector.shape_cast %swap3A_692 : vector<1x32xbf16> to vector<32xbf16>
      %swap3A_694 = vector.shape_cast %scan3A_675#2 : vector<32xbf16> to vector<1x32xbf16>
      tpu.vector_store %arg8[%swap3A_690, %swap3A_691], %swap3A_694 {strides = array<i32>} : memref<8x320xbf16, #tpu.memory_space<vmem>>, vector<1x32xbf16>,
      %swap3A_695 = arith.constant 5 : i32
      %swap3A_696 = arith.index_cast %swap3A_695 : i32 to index
      %swap3A_697 = arith.constant 96 : index
      %swap3A_698 = tpu.vector_load %arg8[%swap3A_696, %swap3A_697] {strides = array<i32>} : memref<8x320xbf16, #tpu.memory_space<vmem>>, vector<1x32xbf16>,
      %swap3A_699 = vector.shape_cast %swap3A_698 : vector<1x32xbf16> to vector<32xbf16>
      %swap3A_700 = vector.shape_cast %scan3A_675#3 : vector<32xbf16> to vector<1x32xbf16>
      tpu.vector_store %arg8[%swap3A_696, %swap3A_697], %swap3A_700 {strides = array<i32>} : memref<8x320xbf16, #tpu.memory_space<vmem>>, vector<1x32xbf16>,
      %swap3A_701 = arith.constant 5 : i32
      %swap3A_702 = arith.index_cast %swap3A_701 : i32 to index
      %swap3A_703 = arith.constant 128 : index
      %swap3A_704 = tpu.vector_load %arg8[%swap3A_702, %swap3A_703] {strides = array<i32>} : memref<8x320xbf16, #tpu.memory_space<vmem>>, vector<1x32xbf16>,
      %swap3A_705 = vector.shape_cast %swap3A_704 : vector<1x32xbf16> to vector<32xbf16>
      %swap3A_706 = vector.shape_cast %scan3A_675#4 : vector<32xbf16> to vector<1x32xbf16>
      tpu.vector_store %arg8[%swap3A_702, %swap3A_703], %swap3A_706 {strides = array<i32>} : memref<8x320xbf16, #tpu.memory_space<vmem>>, vector<1x32xbf16>,
      %swap3A_707 = arith.constant 5 : i32
      %swap3A_708 = arith.index_cast %swap3A_707 : i32 to index
      %swap3A_709 = arith.constant 160 : index
      %swap3A_710 = tpu.vector_load %arg8[%swap3A_708, %swap3A_709] {strides = array<i32>} : memref<8x320xbf16, #tpu.memory_space<vmem>>, vector<1x32xbf16>,
      %swap3A_711 = vector.shape_cast %swap3A_710 : vector<1x32xbf16> to vector<32xbf16>
      %swap3A_712 = vector.shape_cast %scan3A_675#5 : vector<32xbf16> to vector<1x32xbf16>
      tpu.vector_store %arg8[%swap3A_708, %swap3A_709], %swap3A_712 {strides = array<i32>} : memref<8x320xbf16, #tpu.memory_space<vmem>>, vector<1x32xbf16>,
      %swap3A_713 = arith.constant 5 : i32
      %swap3A_714 = arith.index_cast %swap3A_713 : i32 to index
      %swap3A_715 = arith.constant 192 : index
      %swap3A_716 = tpu.vector_load %arg8[%swap3A_714, %swap3A_715] {strides = array<i32>} : memref<8x320xbf16, #tpu.memory_space<vmem>>, vector<1x32xbf16>,
      %swap3A_717 = vector.shape_cast %swap3A_716 : vector<1x32xbf16> to vector<32xbf16>
      %swap3A_718 = vector.shape_cast %scan3A_675#6 : vector<32xbf16> to vector<1x32xbf16>
      tpu.vector_store %arg8[%swap3A_714, %swap3A_715], %swap3A_718 {strides = array<i32>} : memref<8x320xbf16, #tpu.memory_space<vmem>>, vector<1x32xbf16>,
      %swap3A_719 = arith.constant 5 : i32
      %swap3A_720 = arith.index_cast %swap3A_719 : i32 to index
      %swap3A_721 = arith.constant 224 : index
      %swap3A_722 = tpu.vector_load %arg8[%swap3A_720, %swap3A_721] {strides = array<i32>} : memref<8x320xbf16, #tpu.memory_space<vmem>>, vector<1x32xbf16>,
      %swap3A_723 = vector.shape_cast %swap3A_722 : vector<1x32xbf16> to vector<32xbf16>
      %swap3A_724 = vector.shape_cast %scan3A_675#7 : vector<32xbf16> to vector<1x32xbf16>
      tpu.vector_store %arg8[%swap3A_720, %swap3A_721], %swap3A_724 {strides = array<i32>} : memref<8x320xbf16, #tpu.memory_space<vmem>>, vector<1x32xbf16>,
      %swap3A_725 = arith.constant 5 : i32
      %swap3A_726 = arith.index_cast %swap3A_725 : i32 to index
      %swap3A_727 = arith.constant 256 : index
      %swap3A_728 = tpu.vector_load %arg8[%swap3A_726, %swap3A_727] {strides = array<i32>} : memref<8x320xbf16, #tpu.memory_space<vmem>>, vector<1x32xbf16>,
      %swap3A_729 = vector.shape_cast %swap3A_728 : vector<1x32xbf16> to vector<32xbf16>
      %swap3A_730 = vector.shape_cast %scan3A_675#8 : vector<32xbf16> to vector<1x32xbf16>
      tpu.vector_store %arg8[%swap3A_726, %swap3A_727], %swap3A_730 {strides = array<i32>} : memref<8x320xbf16, #tpu.memory_space<vmem>>, vector<1x32xbf16>,
      %swap3A_731 = arith.constant 5 : i32
      %swap3A_732 = arith.index_cast %swap3A_731 : i32 to index
      %swap3A_733 = arith.constant 288 : index
      %swap3A_734 = tpu.vector_load %arg8[%swap3A_732, %swap3A_733] {strides = array<i32>} : memref<8x320xbf16, #tpu.memory_space<vmem>>, vector<1x32xbf16>,
      %swap3A_735 = vector.shape_cast %swap3A_734 : vector<1x32xbf16> to vector<32xbf16>
      %swap3A_736 = vector.shape_cast %scan3A_675#9 : vector<32xbf16> to vector<1x32xbf16>
      tpu.vector_store %arg8[%swap3A_732, %swap3A_733], %swap3A_736 {strides = array<i32>} : memref<8x320xbf16, #tpu.memory_space<vmem>>, vector<1x32xbf16>,
      %get3A_737 = arith.constant 100 : i32
      %get3A_738 = arith.index_cast %get3A_737 : i32 to index
      %get3A_739 = arith.constant 0 : index
      %get3A_740 = tpu.vector_load %arg7[%get3A_738, %get3A_739] {strides = array<i32>} : memref<200x320xbf16, #tpu.memory_space<vmem>>, vector<1x32xbf16>,
      %get3A_741 = vector.shape_cast %get3A_740 : vector<1x32xbf16> to vector<32xbf16>
      %get3A_742 = arith.constant 100 : i32
      %get3A_743 = arith.index_cast %get3A_742 : i32 to index
      %get3A_744 = arith.constant 32 : index
      %get3A_745 = tpu.vector_load %arg7[%get3A_743, %get3A_744] {strides = array<i32>} : memref<200x320xbf16, #tpu.memory_space<vmem>>, vector<1x32xbf16>,
      %get3A_746 = vector.shape_cast %get3A_745 : vector<1x32xbf16> to vector<32xbf16>
      %get3A_747 = arith.constant 100 : i32
      %get3A_748 = arith.index_cast %get3A_747 : i32 to index
      %get3A_749 = arith.constant 64 : index
      %get3A_750 = tpu.vector_load %arg7[%get3A_748, %get3A_749] {strides = array<i32>} : memref<200x320xbf16, #tpu.memory_space<vmem>>, vector<1x32xbf16>,
      %get3A_751 = vector.shape_cast %get3A_750 : vector<1x32xbf16> to vector<32xbf16>
      %get3A_752 = arith.constant 100 : i32
      %get3A_753 = arith.index_cast %get3A_752 : i32 to index
      %get3A_754 = arith.constant 96 : index
      %get3A_755 = tpu.vector_load %arg7[%get3A_753, %get3A_754] {strides = array<i32>} : memref<200x320xbf16, #tpu.memory_space<vmem>>, vector<1x32xbf16>,
      %get3A_756 = vector.shape_cast %get3A_755 : vector<1x32xbf16> to vector<32xbf16>
      %get3A_757 = arith.constant 100 : i32
      %get3A_758 = arith.index_cast %get3A_757 : i32 to index
      %get3A_759 = arith.constant 128 : index
      %get3A_760 = tpu.vector_load %arg7[%get3A_758, %get3A_759] {strides = array<i32>} : memref<200x320xbf16, #tpu.memory_space<vmem>>, vector<1x32xbf16>,
      %get3A_761 = vector.shape_cast %get3A_760 : vector<1x32xbf16> to vector<32xbf16>
      %get3A_762 = arith.constant 100 : i32
      %get3A_763 = arith.index_cast %get3A_762 : i32 to index
      %get3A_764 = arith.constant 160 : index
      %get3A_765 = tpu.vector_load %arg7[%get3A_763, %get3A_764] {strides = array<i32>} : memref<200x320xbf16, #tpu.memory_space<vmem>>, vector<1x32xbf16>,
      %get3A_766 = vector.shape_cast %get3A_765 : vector<1x32xbf16> to vector<32xbf16>
      %get3A_767 = arith.constant 100 : i32
      %get3A_768 = arith.index_cast %get3A_767 : i32 to index
      %get3A_769 = arith.constant 192 : index
      %get3A_770 = tpu.vector_load %arg7[%get3A_768, %get3A_769] {strides = array<i32>} : memref<200x320xbf16, #tpu.memory_space<vmem>>, vector<1x32xbf16>,
      %get3A_771 = vector.shape_cast %get3A_770 : vector<1x32xbf16> to vector<32xbf16>
      %get3A_772 = arith.constant 100 : i32
      %get3A_773 = arith.index_cast %get3A_772 : i32 to index
      %get3A_774 = arith.constant 224 : index
      %get3A_775 = tpu.vector_load %arg7[%get3A_773, %get3A_774] {strides = array<i32>} : memref<200x320xbf16, #tpu.memory_space<vmem>>, vector<1x32xbf16>,
      %get3A_776 = vector.shape_cast %get3A_775 : vector<1x32xbf16> to vector<32xbf16>
      %get3A_777 = arith.constant 100 : i32
      %get3A_778 = arith.index_cast %get3A_777 : i32 to index
      %get3A_779 = arith.constant 256 : index
      %get3A_780 = tpu.vector_load %arg7[%get3A_778, %get3A_779] {strides = array<i32>} : memref<200x320xbf16, #tpu.memory_space<vmem>>, vector<1x32xbf16>,
      %get3A_781 = vector.shape_cast %get3A_780 : vector<1x32xbf16> to vector<32xbf16>
      %get3A_782 = arith.constant 100 : i32
      %get3A_783 = arith.index_cast %get3A_782 : i32 to index
      %get3A_784 = arith.constant 288 : index
      %get3A_785 = tpu.vector_load %arg7[%get3A_783, %get3A_784] {strides = array<i32>} : memref<200x320xbf16, #tpu.memory_space<vmem>>, vector<1x32xbf16>,
      %get3A_786 = vector.shape_cast %get3A_785 : vector<1x32xbf16> to vector<32xbf16>
      %scan3A_787 = arith.constant 1 : i32
      %scan3A_788 = arith.constant 49 : i32
      %scan3A_789 = arith.addi %scan3A_787, %scan3A_788 : i32
      %scan3A_790 = arith.constant 1 : i32
      %scan3A_791:10 = scf.for %scan3A_979 = %scan3A_787 to %scan3A_789 step %scan3A_790 iter_args(%scan3A_980 = %get3A_741, %scan3A_981 = %get3A_746, %scan3A_982 = %get3A_751, %scan3A_983 = %get3A_756, %scan3A_984 = %get3A_761, %scan3A_985 = %get3A_766, %scan3A_986 = %get3A_771, %scan3A_987 = %get3A_776, %scan3A_988 = %get3A_781, %scan3A_989 = %get3A_786) -> (vector<32xbf16>, vector<32xbf16>, vector<32xbf16>, vector<32xbf16>, vector<32xbf16>, vector<32xbf16>, vector<32xbf16>, vector<32xbf16>, vector<32xbf16>, vector<32xbf16>)  : i32 {
        %add3A_990 = arith.constant 100 : i32
        %add3A_991 = arith.addi %add3A_990, %scan3A_979 : i32
        %get3A_992 = arith.index_cast %add3A_991 : i32 to index
        %get3A_993 = arith.constant 0 : index
        %get3A_994 = tpu.vector_load %arg7[%get3A_992, %get3A_993] {strides = array<i32>} : memref<200x320xbf16, #tpu.memory_space<vmem>>, vector<1x32xbf16>,
        %get3A_995 = vector.shape_cast %get3A_994 : vector<1x32xbf16> to vector<32xbf16>
        %max3A = arith.maximumf %scan3A_980, %get3A_995 : vector<32xbf16>
        %add3A_996 = arith.constant 100 : i32
        %add3A_997 = arith.addi %add3A_996, %scan3A_979 : i32
        %get3A_998 = arith.index_cast %add3A_997 : i32 to index
        %get3A_999 = arith.constant 32 : index
        %get3A_1000 = tpu.vector_load %arg7[%get3A_998, %get3A_999] {strides = array<i32>} : memref<200x320xbf16, #tpu.memory_space<vmem>>, vector<1x32xbf16>,
        %get3A_1001 = vector.shape_cast %get3A_1000 : vector<1x32xbf16> to vector<32xbf16>
        %max3A_1002 = arith.maximumf %scan3A_981, %get3A_1001 : vector<32xbf16>
        %add3A_1003 = arith.constant 100 : i32
        %add3A_1004 = arith.addi %add3A_1003, %scan3A_979 : i32
        %get3A_1005 = arith.index_cast %add3A_1004 : i32 to index
        %get3A_1006 = arith.constant 64 : index
        %get3A_1007 = tpu.vector_load %arg7[%get3A_1005, %get3A_1006] {strides = array<i32>} : memref<200x320xbf16, #tpu.memory_space<vmem>>, vector<1x32xbf16>,
        %get3A_1008 = vector.shape_cast %get3A_1007 : vector<1x32xbf16> to vector<32xbf16>
        %max3A_1009 = arith.maximumf %scan3A_982, %get3A_1008 : vector<32xbf16>
        %add3A_1010 = arith.constant 100 : i32
        %add3A_1011 = arith.addi %add3A_1010, %scan3A_979 : i32
        %get3A_1012 = arith.index_cast %add3A_1011 : i32 to index
        %get3A_1013 = arith.constant 96 : index
        %get3A_1014 = tpu.vector_load %arg7[%get3A_1012, %get3A_1013] {strides = array<i32>} : memref<200x320xbf16, #tpu.memory_space<vmem>>, vector<1x32xbf16>,
        %get3A_1015 = vector.shape_cast %get3A_1014 : vector<1x32xbf16> to vector<32xbf16>
        %max3A_1016 = arith.maximumf %scan3A_983, %get3A_1015 : vector<32xbf16>
        %add3A_1017 = arith.constant 100 : i32
        %add3A_1018 = arith.addi %add3A_1017, %scan3A_979 : i32
        %get3A_1019 = arith.index_cast %add3A_1018 : i32 to index
        %get3A_1020 = arith.constant 128 : index
        %get3A_1021 = tpu.vector_load %arg7[%get3A_1019, %get3A_1020] {strides = array<i32>} : memref<200x320xbf16, #tpu.memory_space<vmem>>, vector<1x32xbf16>,
        %get3A_1022 = vector.shape_cast %get3A_1021 : vector<1x32xbf16> to vector<32xbf16>
        %max3A_1023 = arith.maximumf %scan3A_984, %get3A_1022 : vector<32xbf16>
        %add3A_1024 = arith.constant 100 : i32
        %add3A_1025 = arith.addi %add3A_1024, %scan3A_979 : i32
        %get3A_1026 = arith.index_cast %add3A_1025 : i32 to index
        %get3A_1027 = arith.constant 160 : index
        %get3A_1028 = tpu.vector_load %arg7[%get3A_1026, %get3A_1027] {strides = array<i32>} : memref<200x320xbf16, #tpu.memory_space<vmem>>, vector<1x32xbf16>,
        %get3A_1029 = vector.shape_cast %get3A_1028 : vector<1x32xbf16> to vector<32xbf16>
        %max3A_1030 = arith.maximumf %scan3A_985, %get3A_1029 : vector<32xbf16>
        %add3A_1031 = arith.constant 100 : i32
        %add3A_1032 = arith.addi %add3A_1031, %scan3A_979 : i32
        %get3A_1033 = arith.index_cast %add3A_1032 : i32 to index
        %get3A_1034 = arith.constant 192 : index
        %get3A_1035 = tpu.vector_load %arg7[%get3A_1033, %get3A_1034] {strides = array<i32>} : memref<200x320xbf16, #tpu.memory_space<vmem>>, vector<1x32xbf16>,
        %get3A_1036 = vector.shape_cast %get3A_1035 : vector<1x32xbf16> to vector<32xbf16>
        %max3A_1037 = arith.maximumf %scan3A_986, %get3A_1036 : vector<32xbf16>
        %add3A_1038 = arith.constant 100 : i32
        %add3A_1039 = arith.addi %add3A_1038, %scan3A_979 : i32
        %get3A_1040 = arith.index_cast %add3A_1039 : i32 to index
        %get3A_1041 = arith.constant 224 : index
        %get3A_1042 = tpu.vector_load %arg7[%get3A_1040, %get3A_1041] {strides = array<i32>} : memref<200x320xbf16, #tpu.memory_space<vmem>>, vector<1x32xbf16>,
        %get3A_1043 = vector.shape_cast %get3A_1042 : vector<1x32xbf16> to vector<32xbf16>
        %max3A_1044 = arith.maximumf %scan3A_987, %get3A_1043 : vector<32xbf16>
        %add3A_1045 = arith.constant 100 : i32
        %add3A_1046 = arith.addi %add3A_1045, %scan3A_979 : i32
        %get3A_1047 = arith.index_cast %add3A_1046 : i32 to index
        %get3A_1048 = arith.constant 256 : index
        %get3A_1049 = tpu.vector_load %arg7[%get3A_1047, %get3A_1048] {strides = array<i32>} : memref<200x320xbf16, #tpu.memory_space<vmem>>, vector<1x32xbf16>,
        %get3A_1050 = vector.shape_cast %get3A_1049 : vector<1x32xbf16> to vector<32xbf16>
        %max3A_1051 = arith.maximumf %scan3A_988, %get3A_1050 : vector<32xbf16>
        %add3A_1052 = arith.constant 100 : i32
        %add3A_1053 = arith.addi %add3A_1052, %scan3A_979 : i32
        %get3A_1054 = arith.index_cast %add3A_1053 : i32 to index
        %get3A_1055 = arith.constant 288 : index
        %get3A_1056 = tpu.vector_load %arg7[%get3A_1054, %get3A_1055] {strides = array<i32>} : memref<200x320xbf16, #tpu.memory_space<vmem>>, vector<1x32xbf16>,
        %get3A_1057 = vector.shape_cast %get3A_1056 : vector<1x32xbf16> to vector<32xbf16>
        %max3A_1058 = arith.maximumf %scan3A_989, %get3A_1057 : vector<32xbf16>
        scf.yield %max3A, %max3A_1002, %max3A_1009, %max3A_1016, %max3A_1023, %max3A_1030, %max3A_1037, %max3A_1044, %max3A_1051, %max3A_1058 : vector<32xbf16>, vector<32xbf16>, vector<32xbf16>, vector<32xbf16>, vector<32xbf16>, vector<32xbf16>, vector<32xbf16>, vector<32xbf16>, vector<32xbf16>, vector<32xbf16>
      }
      %scan3A_792 = arith.constant 49 : i32
      %swap3A_793 = arith.constant 6 : i32
      %swap3A_794 = arith.index_cast %swap3A_793 : i32 to index
      %swap3A_795 = arith.constant 0 : index
      %swap3A_796 = tpu.vector_load %arg8[%swap3A_794, %swap3A_795] {strides = array<i32>} : memref<8x320xbf16, #tpu.memory_space<vmem>>, vector<1x32xbf16>,
      %swap3A_797 = vector.shape_cast %swap3A_796 : vector<1x32xbf16> to vector<32xbf16>
      %swap3A_798 = vector.shape_cast %scan3A_791#0 : vector<32xbf16> to vector<1x32xbf16>
      tpu.vector_store %arg8[%swap3A_794, %swap3A_795], %swap3A_798 {strides = array<i32>} : memref<8x320xbf16, #tpu.memory_space<vmem>>, vector<1x32xbf16>,
      %swap3A_799 = arith.constant 6 : i32
      %swap3A_800 = arith.index_cast %swap3A_799 : i32 to index
      %swap3A_801 = arith.constant 32 : index
      %swap3A_802 = tpu.vector_load %arg8[%swap3A_800, %swap3A_801] {strides = array<i32>} : memref<8x320xbf16, #tpu.memory_space<vmem>>, vector<1x32xbf16>,
      %swap3A_803 = vector.shape_cast %swap3A_802 : vector<1x32xbf16> to vector<32xbf16>
      %swap3A_804 = vector.shape_cast %scan3A_791#1 : vector<32xbf16> to vector<1x32xbf16>
      tpu.vector_store %arg8[%swap3A_800, %swap3A_801], %swap3A_804 {strides = array<i32>} : memref<8x320xbf16, #tpu.memory_space<vmem>>, vector<1x32xbf16>,
      %swap3A_805 = arith.constant 6 : i32
      %swap3A_806 = arith.index_cast %swap3A_805 : i32 to index
      %swap3A_807 = arith.constant 64 : index
      %swap3A_808 = tpu.vector_load %arg8[%swap3A_806, %swap3A_807] {strides = array<i32>} : memref<8x320xbf16, #tpu.memory_space<vmem>>, vector<1x32xbf16>,
      %swap3A_809 = vector.shape_cast %swap3A_808 : vector<1x32xbf16> to vector<32xbf16>
      %swap3A_810 = vector.shape_cast %scan3A_791#2 : vector<32xbf16> to vector<1x32xbf16>
      tpu.vector_store %arg8[%swap3A_806, %swap3A_807], %swap3A_810 {strides = array<i32>} : memref<8x320xbf16, #tpu.memory_space<vmem>>, vector<1x32xbf16>,
      %swap3A_811 = arith.constant 6 : i32
      %swap3A_812 = arith.index_cast %swap3A_811 : i32 to index
      %swap3A_813 = arith.constant 96 : index
      %swap3A_814 = tpu.vector_load %arg8[%swap3A_812, %swap3A_813] {strides = array<i32>} : memref<8x320xbf16, #tpu.memory_space<vmem>>, vector<1x32xbf16>,
      %swap3A_815 = vector.shape_cast %swap3A_814 : vector<1x32xbf16> to vector<32xbf16>
      %swap3A_816 = vector.shape_cast %scan3A_791#3 : vector<32xbf16> to vector<1x32xbf16>
      tpu.vector_store %arg8[%swap3A_812, %swap3A_813], %swap3A_816 {strides = array<i32>} : memref<8x320xbf16, #tpu.memory_space<vmem>>, vector<1x32xbf16>,
      %swap3A_817 = arith.constant 6 : i32
      %swap3A_818 = arith.index_cast %swap3A_817 : i32 to index
      %swap3A_819 = arith.constant 128 : index
      %swap3A_820 = tpu.vector_load %arg8[%swap3A_818, %swap3A_819] {strides = array<i32>} : memref<8x320xbf16, #tpu.memory_space<vmem>>, vector<1x32xbf16>,
      %swap3A_821 = vector.shape_cast %swap3A_820 : vector<1x32xbf16> to vector<32xbf16>
      %swap3A_822 = vector.shape_cast %scan3A_791#4 : vector<32xbf16> to vector<1x32xbf16>
      tpu.vector_store %arg8[%swap3A_818, %swap3A_819], %swap3A_822 {strides = array<i32>} : memref<8x320xbf16, #tpu.memory_space<vmem>>, vector<1x32xbf16>,
      %swap3A_823 = arith.constant 6 : i32
      %swap3A_824 = arith.index_cast %swap3A_823 : i32 to index
      %swap3A_825 = arith.constant 160 : index
      %swap3A_826 = tpu.vector_load %arg8[%swap3A_824, %swap3A_825] {strides = array<i32>} : memref<8x320xbf16, #tpu.memory_space<vmem>>, vector<1x32xbf16>,
      %swap3A_827 = vector.shape_cast %swap3A_826 : vector<1x32xbf16> to vector<32xbf16>
      %swap3A_828 = vector.shape_cast %scan3A_791#5 : vector<32xbf16> to vector<1x32xbf16>
      tpu.vector_store %arg8[%swap3A_824, %swap3A_825], %swap3A_828 {strides = array<i32>} : memref<8x320xbf16, #tpu.memory_space<vmem>>, vector<1x32xbf16>,
      %swap3A_829 = arith.constant 6 : i32
      %swap3A_830 = arith.index_cast %swap3A_829 : i32 to index
      %swap3A_831 = arith.constant 192 : index
      %swap3A_832 = tpu.vector_load %arg8[%swap3A_830, %swap3A_831] {strides = array<i32>} : memref<8x320xbf16, #tpu.memory_space<vmem>>, vector<1x32xbf16>,
      %swap3A_833 = vector.shape_cast %swap3A_832 : vector<1x32xbf16> to vector<32xbf16>
      %swap3A_834 = vector.shape_cast %scan3A_791#6 : vector<32xbf16> to vector<1x32xbf16>
      tpu.vector_store %arg8[%swap3A_830, %swap3A_831], %swap3A_834 {strides = array<i32>} : memref<8x320xbf16, #tpu.memory_space<vmem>>, vector<1x32xbf16>,
      %swap3A_835 = arith.constant 6 : i32
      %swap3A_836 = arith.index_cast %swap3A_835 : i32 to index
      %swap3A_837 = arith.constant 224 : index
      %swap3A_838 = tpu.vector_load %arg8[%swap3A_836, %swap3A_837] {strides = array<i32>} : memref<8x320xbf16, #tpu.memory_space<vmem>>, vector<1x32xbf16>,
      %swap3A_839 = vector.shape_cast %swap3A_838 : vector<1x32xbf16> to vector<32xbf16>
      %swap3A_840 = vector.shape_cast %scan3A_791#7 : vector<32xbf16> to vector<1x32xbf16>
      tpu.vector_store %arg8[%swap3A_836, %swap3A_837], %swap3A_840 {strides = array<i32>} : memref<8x320xbf16, #tpu.memory_space<vmem>>, vector<1x32xbf16>,
      %swap3A_841 = arith.constant 6 : i32
      %swap3A_842 = arith.index_cast %swap3A_841 : i32 to index
      %swap3A_843 = arith.constant 256 : index
      %swap3A_844 = tpu.vector_load %arg8[%swap3A_842, %swap3A_843] {strides = array<i32>} : memref<8x320xbf16, #tpu.memory_space<vmem>>, vector<1x32xbf16>,
      %swap3A_845 = vector.shape_cast %swap3A_844 : vector<1x32xbf16> to vector<32xbf16>
      %swap3A_846 = vector.shape_cast %scan3A_791#8 : vector<32xbf16> to vector<1x32xbf16>
      tpu.vector_store %arg8[%swap3A_842, %swap3A_843], %swap3A_846 {strides = array<i32>} : memref<8x320xbf16, #tpu.memory_space<vmem>>, vector<1x32xbf16>,
      %swap3A_847 = arith.constant 6 : i32
      %swap3A_848 = arith.index_cast %swap3A_847 : i32 to index
      %swap3A_849 = arith.constant 288 : index
      %swap3A_850 = tpu.vector_load %arg8[%swap3A_848, %swap3A_849] {strides = array<i32>} : memref<8x320xbf16, #tpu.memory_space<vmem>>, vector<1x32xbf16>,
      %swap3A_851 = vector.shape_cast %swap3A_850 : vector<1x32xbf16> to vector<32xbf16>
      %swap3A_852 = vector.shape_cast %scan3A_791#9 : vector<32xbf16> to vector<1x32xbf16>
      tpu.vector_store %arg8[%swap3A_848, %swap3A_849], %swap3A_852 {strides = array<i32>} : memref<8x320xbf16, #tpu.memory_space<vmem>>, vector<1x32xbf16>,
      %get3A_853 = arith.constant 150 : i32
      %get3A_854 = arith.index_cast %get3A_853 : i32 to index
      %get3A_855 = arith.constant 0 : index
      %get3A_856 = tpu.vector_load %arg7[%get3A_854, %get3A_855] {strides = array<i32>} : memref<200x320xbf16, #tpu.memory_space<vmem>>, vector<1x32xbf16>,
      %get3A_857 = vector.shape_cast %get3A_856 : vector<1x32xbf16> to vector<32xbf16>
      %get3A_858 = arith.constant 150 : i32
      %get3A_859 = arith.index_cast %get3A_858 : i32 to index
      %get3A_860 = arith.constant 32 : index
      %get3A_861 = tpu.vector_load %arg7[%get3A_859, %get3A_860] {strides = array<i32>} : memref<200x320xbf16, #tpu.memory_space<vmem>>, vector<1x32xbf16>,
      %get3A_862 = vector.shape_cast %get3A_861 : vector<1x32xbf16> to vector<32xbf16>
      %get3A_863 = arith.constant 150 : i32
      %get3A_864 = arith.index_cast %get3A_863 : i32 to index
      %get3A_865 = arith.constant 64 : index
      %get3A_866 = tpu.vector_load %arg7[%get3A_864, %get3A_865] {strides = array<i32>} : memref<200x320xbf16, #tpu.memory_space<vmem>>, vector<1x32xbf16>,
      %get3A_867 = vector.shape_cast %get3A_866 : vector<1x32xbf16> to vector<32xbf16>
      %get3A_868 = arith.constant 150 : i32
      %get3A_869 = arith.index_cast %get3A_868 : i32 to index
      %get3A_870 = arith.constant 96 : index
      %get3A_871 = tpu.vector_load %arg7[%get3A_869, %get3A_870] {strides = array<i32>} : memref<200x320xbf16, #tpu.memory_space<vmem>>, vector<1x32xbf16>,
      %get3A_872 = vector.shape_cast %get3A_871 : vector<1x32xbf16> to vector<32xbf16>
      %get3A_873 = arith.constant 150 : i32
      %get3A_874 = arith.index_cast %get3A_873 : i32 to index
      %get3A_875 = arith.constant 128 : index
      %get3A_876 = tpu.vector_load %arg7[%get3A_874, %get3A_875] {strides = array<i32>} : memref<200x320xbf16, #tpu.memory_space<vmem>>, vector<1x32xbf16>,
      %get3A_877 = vector.shape_cast %get3A_876 : vector<1x32xbf16> to vector<32xbf16>
      %get3A_878 = arith.constant 150 : i32
      %get3A_879 = arith.index_cast %get3A_878 : i32 to index
      %get3A_880 = arith.constant 160 : index
      %get3A_881 = tpu.vector_load %arg7[%get3A_879, %get3A_880] {strides = array<i32>} : memref<200x320xbf16, #tpu.memory_space<vmem>>, vector<1x32xbf16>,
      %get3A_882 = vector.shape_cast %get3A_881 : vector<1x32xbf16> to vector<32xbf16>
      %get3A_883 = arith.constant 150 : i32
      %get3A_884 = arith.index_cast %get3A_883 : i32 to index
      %get3A_885 = arith.constant 192 : index
      %get3A_886 = tpu.vector_load %arg7[%get3A_884, %get3A_885] {strides = array<i32>} : memref<200x320xbf16, #tpu.memory_space<vmem>>, vector<1x32xbf16>,
      %get3A_887 = vector.shape_cast %get3A_886 : vector<1x32xbf16> to vector<32xbf16>
      %get3A_888 = arith.constant 150 : i32
      %get3A_889 = arith.index_cast %get3A_888 : i32 to index
      %get3A_890 = arith.constant 224 : index
      %get3A_891 = tpu.vector_load %arg7[%get3A_889, %get3A_890] {strides = array<i32>} : memref<200x320xbf16, #tpu.memory_space<vmem>>, vector<1x32xbf16>,
      %get3A_892 = vector.shape_cast %get3A_891 : vector<1x32xbf16> to vector<32xbf16>
      %get3A_893 = arith.constant 150 : i32
      %get3A_894 = arith.index_cast %get3A_893 : i32 to index
      %get3A_895 = arith.constant 256 : index
      %get3A_896 = tpu.vector_load %arg7[%get3A_894, %get3A_895] {strides = array<i32>} : memref<200x320xbf16, #tpu.memory_space<vmem>>, vector<1x32xbf16>,
      %get3A_897 = vector.shape_cast %get3A_896 : vector<1x32xbf16> to vector<32xbf16>
      %get3A_898 = arith.constant 150 : i32
      %get3A_899 = arith.index_cast %get3A_898 : i32 to index
      %get3A_900 = arith.constant 288 : index
      %get3A_901 = tpu.vector_load %arg7[%get3A_899, %get3A_900] {strides = array<i32>} : memref<200x320xbf16, #tpu.memory_space<vmem>>, vector<1x32xbf16>,
      %get3A_902 = vector.shape_cast %get3A_901 : vector<1x32xbf16> to vector<32xbf16>
      %scan3A_903 = arith.constant 1 : i32
      %scan3A_904 = arith.constant 49 : i32
      %scan3A_905 = arith.addi %scan3A_903, %scan3A_904 : i32
      %scan3A_906 = arith.constant 1 : i32
      %scan3A_907:10 = scf.for %scan3A_979 = %scan3A_903 to %scan3A_905 step %scan3A_906 iter_args(%scan3A_980 = %get3A_857, %scan3A_981 = %get3A_862, %scan3A_982 = %get3A_867, %scan3A_983 = %get3A_872, %scan3A_984 = %get3A_877, %scan3A_985 = %get3A_882, %scan3A_986 = %get3A_887, %scan3A_987 = %get3A_892, %scan3A_988 = %get3A_897, %scan3A_989 = %get3A_902) -> (vector<32xbf16>, vector<32xbf16>, vector<32xbf16>, vector<32xbf16>, vector<32xbf16>, vector<32xbf16>, vector<32xbf16>, vector<32xbf16>, vector<32xbf16>, vector<32xbf16>)  : i32 {
        %add3A_990 = arith.constant 150 : i32
        %add3A_991 = arith.addi %add3A_990, %scan3A_979 : i32
        %get3A_992 = arith.index_cast %add3A_991 : i32 to index
        %get3A_993 = arith.constant 0 : index
        %get3A_994 = tpu.vector_load %arg7[%get3A_992, %get3A_993] {strides = array<i32>} : memref<200x320xbf16, #tpu.memory_space<vmem>>, vector<1x32xbf16>,
        %get3A_995 = vector.shape_cast %get3A_994 : vector<1x32xbf16> to vector<32xbf16>
        %max3A = arith.maximumf %scan3A_980, %get3A_995 : vector<32xbf16>
        %add3A_996 = arith.constant 150 : i32
        %add3A_997 = arith.addi %add3A_996, %scan3A_979 : i32
        %get3A_998 = arith.index_cast %add3A_997 : i32 to index
        %get3A_999 = arith.constant 32 : index
        %get3A_1000 = tpu.vector_load %arg7[%get3A_998, %get3A_999] {strides = array<i32>} : memref<200x320xbf16, #tpu.memory_space<vmem>>, vector<1x32xbf16>,
        %get3A_1001 = vector.shape_cast %get3A_1000 : vector<1x32xbf16> to vector<32xbf16>
        %max3A_1002 = arith.maximumf %scan3A_981, %get3A_1001 : vector<32xbf16>
        %add3A_1003 = arith.constant 150 : i32
        %add3A_1004 = arith.addi %add3A_1003, %scan3A_979 : i32
        %get3A_1005 = arith.index_cast %add3A_1004 : i32 to index
        %get3A_1006 = arith.constant 64 : index
        %get3A_1007 = tpu.vector_load %arg7[%get3A_1005, %get3A_1006] {strides = array<i32>} : memref<200x320xbf16, #tpu.memory_space<vmem>>, vector<1x32xbf16>,
        %get3A_1008 = vector.shape_cast %get3A_1007 : vector<1x32xbf16> to vector<32xbf16>
        %max3A_1009 = arith.maximumf %scan3A_982, %get3A_1008 : vector<32xbf16>
        %add3A_1010 = arith.constant 150 : i32
        %add3A_1011 = arith.addi %add3A_1010, %scan3A_979 : i32
        %get3A_1012 = arith.index_cast %add3A_1011 : i32 to index
        %get3A_1013 = arith.constant 96 : index
        %get3A_1014 = tpu.vector_load %arg7[%get3A_1012, %get3A_1013] {strides = array<i32>} : memref<200x320xbf16, #tpu.memory_space<vmem>>, vector<1x32xbf16>,
        %get3A_1015 = vector.shape_cast %get3A_1014 : vector<1x32xbf16> to vector<32xbf16>
        %max3A_1016 = arith.maximumf %scan3A_983, %get3A_1015 : vector<32xbf16>
        %add3A_1017 = arith.constant 150 : i32
        %add3A_1018 = arith.addi %add3A_1017, %scan3A_979 : i32
        %get3A_1019 = arith.index_cast %add3A_1018 : i32 to index
        %get3A_1020 = arith.constant 128 : index
        %get3A_1021 = tpu.vector_load %arg7[%get3A_1019, %get3A_1020] {strides = array<i32>} : memref<200x320xbf16, #tpu.memory_space<vmem>>, vector<1x32xbf16>,
        %get3A_1022 = vector.shape_cast %get3A_1021 : vector<1x32xbf16> to vector<32xbf16>
        %max3A_1023 = arith.maximumf %scan3A_984, %get3A_1022 : vector<32xbf16>
        %add3A_1024 = arith.constant 150 : i32
        %add3A_1025 = arith.addi %add3A_1024, %scan3A_979 : i32
        %get3A_1026 = arith.index_cast %add3A_1025 : i32 to index
        %get3A_1027 = arith.constant 160 : index
        %get3A_1028 = tpu.vector_load %arg7[%get3A_1026, %get3A_1027] {strides = array<i32>} : memref<200x320xbf16, #tpu.memory_space<vmem>>, vector<1x32xbf16>,
        %get3A_1029 = vector.shape_cast %get3A_1028 : vector<1x32xbf16> to vector<32xbf16>
        %max3A_1030 = arith.maximumf %scan3A_985, %get3A_1029 : vector<32xbf16>
        %add3A_1031 = arith.constant 150 : i32
        %add3A_1032 = arith.addi %add3A_1031, %scan3A_979 : i32
        %get3A_1033 = arith.index_cast %add3A_1032 : i32 to index
        %get3A_1034 = arith.constant 192 : index
        %get3A_1035 = tpu.vector_load %arg7[%get3A_1033, %get3A_1034] {strides = array<i32>} : memref<200x320xbf16, #tpu.memory_space<vmem>>, vector<1x32xbf16>,
        %get3A_1036 = vector.shape_cast %get3A_1035 : vector<1x32xbf16> to vector<32xbf16>
        %max3A_1037 = arith.maximumf %scan3A_986, %get3A_1036 : vector<32xbf16>
        %add3A_1038 = arith.constant 150 : i32
        %add3A_1039 = arith.addi %add3A_1038, %scan3A_979 : i32
        %get3A_1040 = arith.index_cast %add3A_1039 : i32 to index
        %get3A_1041 = arith.constant 224 : index
        %get3A_1042 = tpu.vector_load %arg7[%get3A_1040, %get3A_1041] {strides = array<i32>} : memref<200x320xbf16, #tpu.memory_space<vmem>>, vector<1x32xbf16>,
        %get3A_1043 = vector.shape_cast %get3A_1042 : vector<1x32xbf16> to vector<32xbf16>
        %max3A_1044 = arith.maximumf %scan3A_987, %get3A_1043 : vector<32xbf16>
        %add3A_1045 = arith.constant 150 : i32
        %add3A_1046 = arith.addi %add3A_1045, %scan3A_979 : i32
        %get3A_1047 = arith.index_cast %add3A_1046 : i32 to index
        %get3A_1048 = arith.constant 256 : index
        %get3A_1049 = tpu.vector_load %arg7[%get3A_1047, %get3A_1048] {strides = array<i32>} : memref<200x320xbf16, #tpu.memory_space<vmem>>, vector<1x32xbf16>,
        %get3A_1050 = vector.shape_cast %get3A_1049 : vector<1x32xbf16> to vector<32xbf16>
        %max3A_1051 = arith.maximumf %scan3A_988, %get3A_1050 : vector<32xbf16>
        %add3A_1052 = arith.constant 150 : i32
        %add3A_1053 = arith.addi %add3A_1052, %scan3A_979 : i32
        %get3A_1054 = arith.index_cast %add3A_1053 : i32 to index
        %get3A_1055 = arith.constant 288 : index
        %get3A_1056 = tpu.vector_load %arg7[%get3A_1054, %get3A_1055] {strides = array<i32>} : memref<200x320xbf16, #tpu.memory_space<vmem>>, vector<1x32xbf16>,
        %get3A_1057 = vector.shape_cast %get3A_1056 : vector<1x32xbf16> to vector<32xbf16>
        %max3A_1058 = arith.maximumf %scan3A_989, %get3A_1057 : vector<32xbf16>
        scf.yield %max3A, %max3A_1002, %max3A_1009, %max3A_1016, %max3A_1023, %max3A_1030, %max3A_1037, %max3A_1044, %max3A_1051, %max3A_1058 : vector<32xbf16>, vector<32xbf16>, vector<32xbf16>, vector<32xbf16>, vector<32xbf16>, vector<32xbf16>, vector<32xbf16>, vector<32xbf16>, vector<32xbf16>, vector<32xbf16>
      }
      %scan3A_908 = arith.constant 49 : i32
      %swap3A_909 = arith.constant 7 : i32
      %swap3A_910 = arith.index_cast %swap3A_909 : i32 to index
      %swap3A_911 = arith.constant 0 : index
      %swap3A_912 = tpu.vector_load %arg8[%swap3A_910, %swap3A_911] {strides = array<i32>} : memref<8x320xbf16, #tpu.memory_space<vmem>>, vector<1x32xbf16>,
      %swap3A_913 = vector.shape_cast %swap3A_912 : vector<1x32xbf16> to vector<32xbf16>
      %swap3A_914 = vector.shape_cast %scan3A_907#0 : vector<32xbf16> to vector<1x32xbf16>
      tpu.vector_store %arg8[%swap3A_910, %swap3A_911], %swap3A_914 {strides = array<i32>} : memref<8x320xbf16, #tpu.memory_space<vmem>>, vector<1x32xbf16>,
      %swap3A_915 = arith.constant 7 : i32
      %swap3A_916 = arith.index_cast %swap3A_915 : i32 to index
      %swap3A_917 = arith.constant 32 : index
      %swap3A_918 = tpu.vector_load %arg8[%swap3A_916, %swap3A_917] {strides = array<i32>} : memref<8x320xbf16, #tpu.memory_space<vmem>>, vector<1x32xbf16>,
      %swap3A_919 = vector.shape_cast %swap3A_918 : vector<1x32xbf16> to vector<32xbf16>
      %swap3A_920 = vector.shape_cast %scan3A_907#1 : vector<32xbf16> to vector<1x32xbf16>
      tpu.vector_store %arg8[%swap3A_916, %swap3A_917], %swap3A_920 {strides = array<i32>} : memref<8x320xbf16, #tpu.memory_space<vmem>>, vector<1x32xbf16>,
      %swap3A_921 = arith.constant 7 : i32
      %swap3A_922 = arith.index_cast %swap3A_921 : i32 to index
      %swap3A_923 = arith.constant 64 : index
      %swap3A_924 = tpu.vector_load %arg8[%swap3A_922, %swap3A_923] {strides = array<i32>} : memref<8x320xbf16, #tpu.memory_space<vmem>>, vector<1x32xbf16>,
      %swap3A_925 = vector.shape_cast %swap3A_924 : vector<1x32xbf16> to vector<32xbf16>
      %swap3A_926 = vector.shape_cast %scan3A_907#2 : vector<32xbf16> to vector<1x32xbf16>
      tpu.vector_store %arg8[%swap3A_922, %swap3A_923], %swap3A_926 {strides = array<i32>} : memref<8x320xbf16, #tpu.memory_space<vmem>>, vector<1x32xbf16>,
      %swap3A_927 = arith.constant 7 : i32
      %swap3A_928 = arith.index_cast %swap3A_927 : i32 to index
      %swap3A_929 = arith.constant 96 : index
      %swap3A_930 = tpu.vector_load %arg8[%swap3A_928, %swap3A_929] {strides = array<i32>} : memref<8x320xbf16, #tpu.memory_space<vmem>>, vector<1x32xbf16>,
      %swap3A_931 = vector.shape_cast %swap3A_930 : vector<1x32xbf16> to vector<32xbf16>
      %swap3A_932 = vector.shape_cast %scan3A_907#3 : vector<32xbf16> to vector<1x32xbf16>
      tpu.vector_store %arg8[%swap3A_928, %swap3A_929], %swap3A_932 {strides = array<i32>} : memref<8x320xbf16, #tpu.memory_space<vmem>>, vector<1x32xbf16>,
      %swap3A_933 = arith.constant 7 : i32
      %swap3A_934 = arith.index_cast %swap3A_933 : i32 to index
      %swap3A_935 = arith.constant 128 : index
      %swap3A_936 = tpu.vector_load %arg8[%swap3A_934, %swap3A_935] {strides = array<i32>} : memref<8x320xbf16, #tpu.memory_space<vmem>>, vector<1x32xbf16>,
      %swap3A_937 = vector.shape_cast %swap3A_936 : vector<1x32xbf16> to vector<32xbf16>
      %swap3A_938 = vector.shape_cast %scan3A_907#4 : vector<32xbf16> to vector<1x32xbf16>
      tpu.vector_store %arg8[%swap3A_934, %swap3A_935], %swap3A_938 {strides = array<i32>} : memref<8x320xbf16, #tpu.memory_space<vmem>>, vector<1x32xbf16>,
      %swap3A_939 = arith.constant 7 : i32
      %swap3A_940 = arith.index_cast %swap3A_939 : i32 to index
      %swap3A_941 = arith.constant 160 : index
      %swap3A_942 = tpu.vector_load %arg8[%swap3A_940, %swap3A_941] {strides = array<i32>} : memref<8x320xbf16, #tpu.memory_space<vmem>>, vector<1x32xbf16>,
      %swap3A_943 = vector.shape_cast %swap3A_942 : vector<1x32xbf16> to vector<32xbf16>
      %swap3A_944 = vector.shape_cast %scan3A_907#5 : vector<32xbf16> to vector<1x32xbf16>
      tpu.vector_store %arg8[%swap3A_940, %swap3A_941], %swap3A_944 {strides = array<i32>} : memref<8x320xbf16, #tpu.memory_space<vmem>>, vector<1x32xbf16>,
      %swap3A_945 = arith.constant 7 : i32
      %swap3A_946 = arith.index_cast %swap3A_945 : i32 to index
      %swap3A_947 = arith.constant 192 : index
      %swap3A_948 = tpu.vector_load %arg8[%swap3A_946, %swap3A_947] {strides = array<i32>} : memref<8x320xbf16, #tpu.memory_space<vmem>>, vector<1x32xbf16>,
      %swap3A_949 = vector.shape_cast %swap3A_948 : vector<1x32xbf16> to vector<32xbf16>
      %swap3A_950 = vector.shape_cast %scan3A_907#6 : vector<32xbf16> to vector<1x32xbf16>
      tpu.vector_store %arg8[%swap3A_946, %swap3A_947], %swap3A_950 {strides = array<i32>} : memref<8x320xbf16, #tpu.memory_space<vmem>>, vector<1x32xbf16>,
      %swap3A_951 = arith.constant 7 : i32
      %swap3A_952 = arith.index_cast %swap3A_951 : i32 to index
      %swap3A_953 = arith.constant 224 : index
      %swap3A_954 = tpu.vector_load %arg8[%swap3A_952, %swap3A_953] {strides = array<i32>} : memref<8x320xbf16, #tpu.memory_space<vmem>>, vector<1x32xbf16>,
      %swap3A_955 = vector.shape_cast %swap3A_954 : vector<1x32xbf16> to vector<32xbf16>
      %swap3A_956 = vector.shape_cast %scan3A_907#7 : vector<32xbf16> to vector<1x32xbf16>
      tpu.vector_store %arg8[%swap3A_952, %swap3A_953], %swap3A_956 {strides = array<i32>} : memref<8x320xbf16, #tpu.memory_space<vmem>>, vector<1x32xbf16>,
      %swap3A_957 = arith.constant 7 : i32
      %swap3A_958 = arith.index_cast %swap3A_957 : i32 to index
      %swap3A_959 = arith.constant 256 : index
      %swap3A_960 = tpu.vector_load %arg8[%swap3A_958, %swap3A_959] {strides = array<i32>} : memref<8x320xbf16, #tpu.memory_space<vmem>>, vector<1x32xbf16>,
      %swap3A_961 = vector.shape_cast %swap3A_960 : vector<1x32xbf16> to vector<32xbf16>
      %swap3A_962 = vector.shape_cast %scan3A_907#8 : vector<32xbf16> to vector<1x32xbf16>
      tpu.vector_store %arg8[%swap3A_958, %swap3A_959], %swap3A_962 {strides = array<i32>} : memref<8x320xbf16, #tpu.memory_space<vmem>>, vector<1x32xbf16>,
      %swap3A_963 = arith.constant 7 : i32
      %swap3A_964 = arith.index_cast %swap3A_963 : i32 to index
      %swap3A_965 = arith.constant 288 : index
      %swap3A_966 = tpu.vector_load %arg8[%swap3A_964, %swap3A_965] {strides = array<i32>} : memref<8x320xbf16, #tpu.memory_space<vmem>>, vector<1x32xbf16>,
      %swap3A_967 = vector.shape_cast %swap3A_966 : vector<1x32xbf16> to vector<32xbf16>
      %swap3A_968 = vector.shape_cast %scan3A_907#9 : vector<32xbf16> to vector<1x32xbf16>
      tpu.vector_store %arg8[%swap3A_964, %swap3A_965], %swap3A_968 {strides = array<i32>} : memref<8x320xbf16, #tpu.memory_space<vmem>>, vector<1x32xbf16>,
      %add3A_969 = arith.constant 2 : i32
      %add3A_970 = arith.addi %add3A_498, %add3A_969 : i32
      %lt3A_971 = arith.constant 128 : i32
      %lt3A_972 = arith.cmpi slt, %add3A_970, %lt3A_971 : i32
      %convert_element_type3A_973 = arith.extui %lt3A_972 : i1 to i32
      %cond3A_974 = arith.constant 0 : i32
      %cond3A_975 = arith.cmpi ne, %convert_element_type3A_973, %cond3A_974 : i32
      scf.if %cond3A_975 {
        %mul3A_979 = arith.constant 200 : i32
        %mul3A_980 = arith.muli %add3A_970, %mul3A_979 : i32
        %dma_start3A_981 = tpu.memref_slice %arg5[%mul3A_980] : memref<25600xi32, #tpu.memory_space<vmem>> -> memref<200xi32, #tpu.memory_space<vmem>>
        %dma_start3A_982 = arith.constant 0 : i32
        %dma_start3A_983 = arith.constant 0 : i32
        %dma_start3A_984 = tpu.memref_slice %arg3[%dma_start3A_982, %dma_start3A_983] : memref<400000x320xbf16, #tpu.memory_space<hbm>> -> memref<400000x320xbf16, #tpu.memory_space<hbm>>
        tpu.enqueue_indirect_dma source(%dma_start3A_984 : memref<400000x320xbf16, #tpu.memory_space<hbm>>) target(%arg7 : memref<200x320xbf16, #tpu.memory_space<vmem>>) offsets(%dma_start3A_981 : memref<200xi32, #tpu.memory_space<vmem>>) semaphore(%arg10 : memref<!tpu.dma_semaphore, #tpu.memory_space<semaphore_mem>>)
      } else {
      }
      %mul3A_976 = arith.constant 8 : i32
      %mul3A_977 = arith.muli %scan3A_19, %mul3A_976 : i32
      %add3A_978 = arith.addi %mul3A_2, %mul3A_977 : i32
      "tpu.region"() ({
        %run_scoped3A = tpu.sem_alloc : memref<!tpu.dma_semaphore, #tpu.memory_space<semaphore_mem>>
        %dma_start3A_979 = arith.constant 0 : i32
        %dma_start3A_980 = tpu.memref_slice %arg4[%add3A_978, %dma_start3A_979] : memref<16384x320xbf16, #tpu.memory_space<hbm>> -> memref<8x320xbf16, #tpu.memory_space<hbm>>
        %dma_start3A_981 = arith.constant 0 : i32
        %dma_start3A_982 = tpu.memref_slice %arg4[%add3A_978, %dma_start3A_981] : memref<16384x320xbf16, #tpu.memory_space<hbm>> -> memref<8x320xbf16, #tpu.memory_space<hbm>>
        tpu.enqueue_dma source(%arg8 : memref<8x320xbf16, #tpu.memory_space<vmem>>) target(%dma_start3A_982 : memref<8x320xbf16, #tpu.memory_space<hbm>>) target_semaphore(%run_scoped3A : memref<!tpu.dma_semaphore, #tpu.memory_space<semaphore_mem>>)
        %dma_wait3A_983 = arith.constant 0 : i32
        %dma_wait3A_984 = tpu.memref_slice %arg4[%add3A_978, %dma_wait3A_983] : memref<16384x320xbf16, #tpu.memory_space<hbm>> -> memref<8x320xbf16, #tpu.memory_space<hbm>>
        %dma_wait3A_985 = arith.constant 0 : i32
        %dma_wait3A_986 = tpu.memref_slice %arg4[%add3A_978, %dma_wait3A_985] : memref<16384x320xbf16, #tpu.memory_space<hbm>> -> memref<8x320xbf16, #tpu.memory_space<hbm>>
        tpu.wait_dma2 semaphore(%run_scoped3A : memref<!tpu.dma_semaphore, #tpu.memory_space<semaphore_mem>>) src(%arg8 : memref<8x320xbf16, #tpu.memory_space<vmem>>) dst(%dma_wait3A_986 : memref<8x320xbf16, #tpu.memory_space<hbm>>)
        tpu.yield
      }) : () -> ()
    }
    %scan3A_18 = arith.constant 64 : i32
    return
  }
}

module attributes {stable_mosaic.version = 14 : i64} {
  func.func @body(%arg0: memref<4096x300xbf16, #tpu.memory_space<vmem>>, %arg1: memref<4096x300xbf16, #tpu.memory_space<vmem>>, %arg2: memref<4096x300xbf16, #tpu.memory_space<vmem>>, %arg3: memref<4096x300xbf16, #tpu.memory_space<vmem>>, %arg4: memref<1x300xf32, #tpu.memory_space<vmem>>, %arg5: memref<1x300xf32, #tpu.memory_space<vmem>>, %arg6: memref<1x1xf32, #tpu.memory_space<vmem>>, %arg7: memref<4096x1xi32, #tpu.memory_space<vmem>>, %arg8: memref<1x1xf32, #tpu.memory_space<vmem>>, %arg9: memref<4096x2xf32, #tpu.memory_space<vmem>>) attributes {dimension_semantics = [], scalar_prefetch = 0 : i64, scratch_operands = 0 : i64, tpu.core_type = #tpu.core_type<tc>} {
    %get3A = arith.constant 0 : index
    %get3A_0 = arith.constant 0 : index
    %get3A_1 = vector.load %arg0[%get3A, %get3A_0] : memref<4096x300xbf16, #tpu.memory_space<vmem>>, vector<4096x300xbf16>
    %convert_element_type3A = arith.extf %get3A_1 : vector<4096x300xbf16> to vector<4096x300xf32>
    %get3A_2 = arith.constant 0 : index
    %get3A_3 = arith.constant 0 : index
    %get3A_4 = vector.load %arg1[%get3A_2, %get3A_3] : memref<4096x300xbf16, #tpu.memory_space<vmem>>, vector<4096x300xbf16>
    %convert_element_type3A_5 = arith.extf %get3A_4 : vector<4096x300xbf16> to vector<4096x300xf32>
    %max3A = arith.maximumf %convert_element_type3A, %convert_element_type3A_5 : vector<4096x300xf32>
    %convert_element_type3A_6 = arith.truncf %max3A : vector<4096x300xf32> to vector<4096x300xbf16>
    %convert_element_type3A_7 = arith.extf %convert_element_type3A_6 : vector<4096x300xbf16> to vector<4096x300xf32>
    %get3A_8 = arith.constant 0 : index
    %get3A_9 = arith.constant 0 : index
    %get3A_10 = vector.load %arg4[%get3A_8, %get3A_9] : memref<1x300xf32, #tpu.memory_space<vmem>>, vector<1x300xf32>
    %convert_element_type3A_11 = arith.truncf %get3A_10 : vector<1x300xf32> to vector<1x300xbf16>
    %convert_element_type3A_12 = arith.extf %convert_element_type3A_11 : vector<1x300xbf16> to vector<1x300xf32>
    %get3A_13 = arith.constant 0 : index
    %get3A_14 = arith.constant 0 : index
    %get3A_15 = vector.load %arg5[%get3A_13, %get3A_14] : memref<1x300xf32, #tpu.memory_space<vmem>>, vector<1x300xf32>
    %convert_element_type3A_16 = arith.truncf %get3A_15 : vector<1x300xf32> to vector<1x300xbf16>
    %convert_element_type3A_17 = arith.extf %convert_element_type3A_16 : vector<1x300xbf16> to vector<1x300xf32>
    %mul3A = vector.broadcast %convert_element_type3A_12 : vector<1x300xf32> to vector<4096x300xf32>
    %mul3A_18 = arith.mulf %convert_element_type3A_7, %mul3A : vector<4096x300xf32>
    %reduce_sum3A = arith.constant dense<0.000000e+00> : vector<4096xf32>
    %reduce_sum3A_19 = vector.multi_reduction <add>, %mul3A_18, %reduce_sum3A [1] : vector<4096x300xf32> to vector<4096xf32>
    %broadcast_in_dim3A = vector.shape_cast %reduce_sum3A_19 : vector<4096xf32> to vector<4096x1xf32>
    %get3A_20 = arith.constant 0 : index
    %get3A_21 = arith.constant 0 : index
    %get3A_22 = vector.load %arg2[%get3A_20, %get3A_21] : memref<4096x300xbf16, #tpu.memory_space<vmem>>, vector<4096x300xbf16>
    %convert_element_type3A_23 = arith.extf %get3A_22 : vector<4096x300xbf16> to vector<4096x300xf32>
    %convert_element_type3A_24 = arith.truncf %convert_element_type3A_23 : vector<4096x300xf32> to vector<4096x300xbf16>
    %convert_element_type3A_25 = arith.extf %convert_element_type3A_24 : vector<4096x300xbf16> to vector<4096x300xf32>
    %mul3A_26 = vector.broadcast %convert_element_type3A_17 : vector<1x300xf32> to vector<4096x300xf32>
    %mul3A_27 = arith.mulf %convert_element_type3A_25, %mul3A_26 : vector<4096x300xf32>
    %reduce_sum3A_28 = arith.constant dense<0.000000e+00> : vector<4096xf32>
    %reduce_sum3A_29 = vector.multi_reduction <add>, %mul3A_27, %reduce_sum3A_28 [1] : vector<4096x300xf32> to vector<4096xf32>
    %broadcast_in_dim3A_30 = vector.shape_cast %reduce_sum3A_29 : vector<4096xf32> to vector<4096x1xf32>
    %get3A_31 = arith.constant 0 : index
    %get3A_32 = arith.constant 0 : index
    %get3A_33 = vector.load %arg3[%get3A_31, %get3A_32] : memref<4096x300xbf16, #tpu.memory_space<vmem>>, vector<4096x300xbf16>
    %convert_element_type3A_34 = arith.extf %get3A_33 : vector<4096x300xbf16> to vector<4096x300xf32>
    %convert_element_type3A_35 = arith.truncf %convert_element_type3A_34 : vector<4096x300xf32> to vector<4096x300xbf16>
    %convert_element_type3A_36 = arith.extf %convert_element_type3A_35 : vector<4096x300xbf16> to vector<4096x300xf32>
    %mul3A_37 = vector.broadcast %convert_element_type3A_17 : vector<1x300xf32> to vector<4096x300xf32>
    %mul3A_38 = arith.mulf %convert_element_type3A_36, %mul3A_37 : vector<4096x300xf32>
    %reduce_sum3A_39 = arith.constant dense<0.000000e+00> : vector<4096xf32>
    %reduce_sum3A_40 = vector.multi_reduction <add>, %mul3A_38, %reduce_sum3A_39 [1] : vector<4096x300xf32> to vector<4096xf32>
    %broadcast_in_dim3A_41 = vector.shape_cast %reduce_sum3A_40 : vector<4096xf32> to vector<4096x1xf32>
    %get3A_42 = arith.constant 0 : index
    %get3A_43 = arith.constant 0 : index
    %get3A_44 = vector.load %arg6[%get3A_42, %get3A_43] : memref<1x1xf32, #tpu.memory_space<vmem>>, vector<1x1xf32>
    %get3A_45 = vector.extract %get3A_44[0, 0] : f32 from vector<1x1xf32>
    %add3A = arith.addf %broadcast_in_dim3A, %broadcast_in_dim3A_30 : vector<4096x1xf32>
    %add3A_46 = vector.broadcast %get3A_45 : f32 to vector<4096x1xf32>
    %add3A_47 = arith.addf %add3A, %add3A_46 : vector<4096x1xf32>
    %add3A_48 = arith.addf %broadcast_in_dim3A, %broadcast_in_dim3A_41 : vector<4096x1xf32>
    %add3A_49 = vector.broadcast %get3A_45 : f32 to vector<4096x1xf32>
    %add3A_50 = arith.addf %add3A_48, %add3A_49 : vector<4096x1xf32>
    %max3A_51 = arith.maximumf %add3A_47, %add3A_50 : vector<4096x1xf32>
    %sub3A = arith.subf %add3A_47, %max3A_51 : vector<4096x1xf32>
    %exp3A = math.exp %sub3A : vector<4096x1xf32>
    %sub3A_52 = arith.subf %add3A_50, %max3A_51 : vector<4096x1xf32>
    %exp3A_53 = math.exp %sub3A_52 : vector<4096x1xf32>
    %add3A_54 = arith.addf %exp3A, %exp3A_53 : vector<4096x1xf32>
    %log3A = math.log %add3A_54 : vector<4096x1xf32>
    %add3A_55 = arith.addf %max3A_51, %log3A : vector<4096x1xf32>
    %concatenate3A = tpu.concatenate %add3A_47, %add3A_50 in 1 : vector<4096x1xf32>, vector<4096x1xf32> -> vector<4096x2xf32>
    %swap3A = arith.constant 0 : index
    %swap3A_56 = arith.constant 0 : index
    %swap3A_57 = vector.load %arg9[%swap3A, %swap3A_56] : memref<4096x2xf32, #tpu.memory_space<vmem>>, vector<4096x2xf32>
    tpu.vector_store %arg9[%swap3A, %swap3A_56], %concatenate3A {strides = array<i32>} : memref<4096x2xf32, #tpu.memory_space<vmem>>, vector<4096x2xf32>,
    %get3A_58 = arith.constant 0 : index
    %get3A_59 = arith.constant 0 : index
    %get3A_60 = vector.load %arg7[%get3A_58, %get3A_59] : memref<4096x1xi32, #tpu.memory_space<vmem>>, vector<4096x1xi32>
    %eq3A = arith.constant 0 : i32
    %eq3A_61 = vector.broadcast %eq3A : i32 to vector<4096x1xi32>
    %eq3A_62 = arith.cmpi eq, %get3A_60, %eq3A_61 : vector<4096x1xi32>
    %select_n3A = arith.select %eq3A_62, %add3A_47, %add3A_50 : vector<4096x1xi1>, vector<4096x1xf32>
    %sub3A_63 = arith.subf %add3A_55, %select_n3A : vector<4096x1xf32>
    %reduce_sum3A_64 = vector.shape_cast %sub3A_63 : vector<4096x1xf32> to vector<1x4096x1xf32>
    %reduce_sum3A_65 = arith.constant dense<0.000000e+00> : vector<1xf32>
    %reduce_sum3A_66 = vector.multi_reduction <add>, %reduce_sum3A_64, %reduce_sum3A_65 [1, 2] : vector<1x4096x1xf32> to vector<1xf32>
    %reduce_sum3A_67 = vector.shape_cast %reduce_sum3A_66 : vector<1xf32> to vector<1x1x1xf32>
    %reduce_sum3A_68 = vector.extract %reduce_sum3A_67[0, 0, 0] : f32 from vector<1x1x1xf32>
    %div3A = arith.constant 4.096000e+03 : f32
    %div3A_69 = arith.divf %reduce_sum3A_68, %div3A : f32
    %reshape3A = vector.broadcast %div3A_69 : f32 to vector<1x1xf32>
    %swap3A_70 = arith.constant 0 : index
    %swap3A_71 = arith.constant 0 : index
    %swap3A_72 = vector.load %arg8[%swap3A_70, %swap3A_71] : memref<1x1xf32, #tpu.memory_space<vmem>>, vector<1x1xf32>
    tpu.vector_store %arg8[%swap3A_70, %swap3A_71], %reshape3A {strides = array<i32>} : memref<1x1xf32, #tpu.memory_space<vmem>>, vector<1x1xf32>,
    return
  }
}

</mosaic_0001>

<sc_bundles>
// kernel: kernel.4.cloned.1.call-start
scs
__scs_entry_jumppad:
0x0: {  	(pc) =	sbr.rel $0x88, $3  }
0x1: {  	(tag) =	ssettag $0x0;
	lr =	simm.s32 $0x1  }
0x2: {  	[smem:$0x3F99] =	sst lr;
	_ =	strace $0xD0000000  }
0x3: {  	_ = 	snop  }
0x4: {  	_ = 	snop  }
0x5: {  	_ = 	snop  }
0x6: {  	_ = 	snop  }
0x7: {  	_ = 	snop  }
__scs_overlays_trampoline_lowered:
0x8: {  	[smem:$0x3FA8] =	sst s0  }
0x9: {  	[smem:$0x3FA9] =	sst s1  }
0xa: {  	[smem:$0x3FAA] =	sst s2  }
0xb: {  	[smem:$0x3FAB] =	sst s3  }
0xc: {  	[smem:$0x3FAC] =	sst s4  }
0xd: {  	[smem:$0x3FAD] =	sst s5  }
0xe: {  	[smem:$0x3FAE] =	sst s6  }
0xf: {  	[smem:$0x3FAF] =	sst s7  }
0x10: {  	[smem:$0x3FB0] =	sst s8  }
0x11: {  	[smem:$0x3FB1] =	sst s9;
	s0 =	simm.s32 @!p0 $0x0  }
0x12: {  	s1 =	sld [smem:$0x3F97];
	s0 =	simm.s32 @p0 $0x1  }
0x13: {  	[smem:$0x3FB2] =	sst s0;
	s0 =	simm.s32 @!p1 $0x0  }
0x14: {  	s2 =	sld [smem:$0x3F96];
	s0 =	simm.s32 @p1 $0x1  }
0x15: {  	[smem:$0x3FB3] =	sst s0;
	s0 =	simm.s32 @!p2 $0x0  }
0x16: {  	s3 =	sld [smem:$0x3FDB];
	s0 =	simm.s32 @p2 $0x1  }
0x17: {  	s4 =	simm.s32 $0x1BF5;
	[smem:$0x3FB5] =	sst s0  }
0x18: {  	s0 =	sld [smem:$0x3F98];
	_ =	swait.ge [sflag:s4], $0x0  }
0x19: {  	s7 =	sld [smem:$0x3F99]  }
0x1a: {  	s8 =	sadd.s32 $0xFFFFE003, lr  }
0x1b: {  	s9 =	sadd.s32 $0xFFFFFEF7, lr;
	s5 =	simm.s32 $0xFFFFFFFF;
	p2 =	slt.u32 s8, $0xFFFFF086  }
0x1c: {  	p1 =	slt.u32 s9, $0xF7A;
	s5 =	simm.s32 @!p2 $0x0  }
0x1d: {  	s5 =	simm.s32 @p1 $0x1;
	p0 =	seq.s32 s7, s2  }
0x1e: {  	s7 =	smul.u32 @!p0 $0xF7A, s2;
	p2 =	seq.s32 @!p0 s5, $0x0  }
0x1f: {  	s9 =	smul.u32 $0xF7A, s1;
	s8 =	simm.s32 @!p0 $0x1BF5;
	p2 =	por !p2, p0  }
0x20: {  	[sflag:s8] =	ssyncset.s32 @!p0 $0xFFFFF086;
	s6 =	sadd.s32 @!p0 s3, s7;
	s7 =	simm.s32 @!p0 $0x108  }
0x21: {  	s3 =	sadd.s32 s3, s9;
	s6 =	sadd.s32 @!p0 $0x88, s6;
	s7 =	simm.s32 @p2 $0x1082  }
0x22: {  	[simem:s7], [sflag:s8] =	dma.local @!p0 [hbm:s6], $0xF7A  }
0x23: {  	s9 =	sor.u32 $0xD0000000, s2;
	s6 =	simm.s32 $0x108;
	_ =	swait.ge @!p0 [sflag:s8], $0x0  }
0x24: {  	s3 =	sadd.s32 $0x88, s3;
	s6 =	simm.s32 @!p1 $0x1082;
	[sflag:s4] =	ssyncset.s32 $0xFFFFF086  }
0x25: {  	[simem:s6], [sflag:s4] =	dma.local [hbm:s3], $0xF7A  }
0x26: {  	[smem:$0x3F99] =	sst s1;
	(tag) =	ssettag s2;
	_ =	strace s9  }
0x27: {  	s1 =	sld [smem:$0x3FA9]  }
0x28: {  	s2 =	sld [smem:$0x3FAA]  }
0x29: {  	s4 =	sld [smem:$0x3FAC]  }
0x2a: {  	p0 =	seq.s32 s5, $0x0;
	s5 =	sld [smem:$0x3FAD]  }
0x2b: {  	s6 =	sld [smem:$0x3FAE]  }
0x2c: {  	s7 =	sld [smem:$0x3FAF]  }
0x2d: {  	s3 =	simm.s32 $0x108;
	s8 =	sld [smem:$0x3FB0]  }
0x2e: {  	s3 =	simm.s32 @!p0 $0x1082;
	s9 =	sld [smem:$0x3FB1]  }
0x2f: {  	lr =	sadd.s32 s0, s3;
	s0 =	sld [smem:$0x3FA8]  }
0x30: {  	s3 =	sld [smem:$0x3FAB]  }
0x31: {  	[smem:$0x3FB4] =	sst s10  }
0x32: {  	s10 =	sld [smem:$0x3FB2];
	_ =	sdelay $0x3  }
0x33: {  	p0 =	seq.s32 s10, $0x1;
	s10 =	sld [smem:$0x3FB4];
	_ =	sdelay $0x3  }
0x34: {  	[smem:$0x3FB4] =	sst s10  }
0x35: {  	s10 =	sld [smem:$0x3FB3];
	_ =	sdelay $0x3  }
0x36: {  	p1 =	seq.s32 s10, $0x1;
	s10 =	sld [smem:$0x3FB4];
	_ =	sdelay $0x3  }
0x37: {  	[smem:$0x3FB4] =	sst s10  }
0x38: {  	s10 =	sld [smem:$0x3FB5]  }
0x39: {  	_ = 	snop;
	(pc) =	sbr.ind lr, $3  }
0x3a: {  	_ = 	snop  }
0x3b: {  	_ = 	snop  }
0x3c: {  	p2 =	seq.s32 s10, $0x1;
	s10 =	sld [smem:$0x3FB4]  }
0x3d: {  	_ =	shalt  }
0x3e: {  	_ =	shalt  }
0x3f: {  	_ =	shalt  }
0x40: {  	_ =	shalt  }
0x41: {  	_ =	shalt  }
0x42: {  	_ =	shalt  }
0x43: {  	_ =	shalt  }
0x44: {  	_ =	shalt  }
0x45: {  	_ =	shalt  }
0x46: {  	_ =	shalt  }
0x47: {  	_ =	shalt  }
0x48: {  	_ =	shalt  }
0x49: {  	_ =	shalt  }
0x4a: {  	_ =	shalt  }
0x4b: {  	_ =	shalt  }
0x4c: {  	_ =	shalt  }
0x4d: {  	_ =	shalt  }
0x4e: {  	_ =	shalt  }
0x4f: {  	_ =	shalt  }
0x50: {  	_ =	shalt  }
0x51: {  	_ =	shalt  }
0x52: {  	_ =	shalt  }
0x53: {  	_ =	shalt  }
0x54: {  	_ =	shalt  }
0x55: {  	_ =	shalt  }
0x56: {  	_ =	shalt  }
0x57: {  	_ =	shalt  }
0x58: {  	_ =	shalt  }
0x59: {  	_ =	shalt  }
0x5a: {  	_ =	shalt  }
0x5b: {  	_ =	shalt  }
0x5c: {  	_ =	shalt  }
0x5d: {  	_ =	shalt  }
0x5e: {  	_ =	shalt  }
0x5f: {  	_ =	shalt  }
0x60: {  	_ =	shalt  }
0x61: {  	_ =	shalt  }
0x62: {  	_ =	shalt  }
0x63: {  	_ =	shalt  }
0x64: {  	_ =	shalt  }
0x65: {  	_ =	shalt  }
0x66: {  	_ =	shalt  }
0x67: {  	_ =	shalt  }
0x68: {  	_ =	shalt  }
0x69: {  	_ =	shalt  }
0x6a: {  	_ =	shalt  }
0x6b: {  	_ =	shalt  }
0x6c: {  	_ =	shalt  }
0x6d: {  	_ =	shalt  }
0x6e: {  	_ =	shalt  }
0x6f: {  	_ =	shalt  }
0x70: {  	_ =	shalt  }
0x71: {  	_ =	shalt  }
0x72: {  	_ =	shalt  }
0x73: {  	_ =	shalt  }
0x74: {  	_ =	shalt  }
0x75: {  	_ =	shalt  }
0x76: {  	_ =	shalt  }
0x77: {  	_ =	shalt  }
0x78: {  	_ =	shalt  }
0x79: {  	_ =	shalt  }
0x7a: {  	_ =	shalt  }
0x7b: {  	_ =	shalt  }
0x7c: {  	_ =	shalt  }
0x7d: {  	_ =	shalt  }
0x7e: {  	_ =	shalt  }
0x7f: {  	_ =	shalt  }
0x80: {  	_ =	shalt  }
0x81: {  	_ =	shalt  }
0x82: {  	_ =	shalt  }
0x83: {  	_ =	shalt  }
0x84: {  	_ =	shalt  }
0x85: {  	_ =	shalt  }
0x86: {  	_ =	shalt  }
0x87: {  	_ =	shalt  }
.Lfunc_end0:
.L_simem_size_0:
called_computation.2_lowered:
.L_overlay_start_0:
0x88: {  	s2 =	sld [smem:$0x3FD9]  }
0x89: {  	s3 =	sld [smem:$0x3FFE];
	_ =	sdelay $0x1  }
0x8a: {  	s1 =	srdreg.scid  }
0x8b: {  	s0 =	sand.u32 $0x1, s1  }
0x8c: {  	s16 =	sshll.u32 s0, $0xA;
	s2 =	sadd.s32 s3, s2  }
0x8d: {  	s2 =	sadd.s32 s2, s16  }
0x8e: {  	[smem:$0x3FC0] =	sst s2  }
0x8f: {  	_ = 	snop  }
0x90: {  	(tm) =	ssettm $0x1  }
0x91: {  	s17 =	sld [smem:$0x3FFB];
	_ =	sdelay $0x3  }
0x92: {  	_ =	strace s17  }
0x93: {  	s2 =	sld [smem:$0x3FFC];
	_ =	sdelay $0x3  }
0x94: {  	_ =	strace s2  }
0x95: {  	s2 =	sld [smem:$0x3FFD];
	_ =	sdelay $0x3  }
0x96: {  	_ =	strace s2  }
0x97: {  	_ =	strace $0x8FFFFFFF  }
0x98: {  	s18 =	sld [smem:$0x3FDB];
	_ =	sdelay $0x1  }
0x99: {  	s19 =	simm.s32 $_scs_section_size  }
0x9a: {  	s4 =	simm.s32 $_size__tile_overlayer_lowered;
	s5 =	simm.s32 $_tile_overlayer_lowered  }
0x9b: {  	s22 =	simm.s32 $0x1BFF;
	s21 =	sshll.u32 s5, $0x1;
	s2 =	sadd.s32 s19, s18  }
0x9c: {  	s6 =	simm.s32 $0x0;
	s20 =	sshll.u32 s4, $0x1;
	s4 =	sadd.s32 s21, s2  }
0x9d: {  	[timem:s6], [sflag:s22] =	dma.local [hbm:s4], s20  }
0x9e: {  	_ =	swait.ge [sflag:s22], s20  }
0x9f: {  	s3 =	ssub.s32 $0x0, s20;
	[sflag:s22] =	ssyncset.done $0x0  }
0xa0: {  	[sflag:s22] =	ssyncadd.s32 s3;
	_ =	sdelay $0x1  }
0xa1: {  	s23 =	simm.s32 $0x1B8B  }
0xa2: {  	_ =	swait.ge [sflag:s23], $0x1  }
0xa3: {  	[sflag:s23] =	ssyncset.done $0x0  }
0xa4: {  	s25 =	simm.s32 $0x1B8E;
	s24 =	sld [smem:$0x3FFE];
	[sflag:s23] =	ssyncadd.s32 $0xFFFFFFFF  }
0xa5: {  	s26 =	simm.s32 $execute0_lowered;
	[smem:$0x3FD2] =	sst s25  }
0xa6: {  	s4 =	sshll.u32 s26, $0x1;
	_ =	strace $0x8000004C;
	[dreg:$0x1] =	wrdreg $0xFFFFFFFF  }
0xa7: {  	s28 =	simm.s32 $_size_execute0_lowered;
	s2 =	sadd.s32 s2, s4;
	[dreg:$0x0] =	wrdreg $0x0  }
0xa8: {  	s4 =	sshll.u32 s28, $0x1;
	[dreg:$0x2] =	wrdreg s2  }
0xa9: {  	[dreg:$0x3] =	wrdreg s4  }
0xaa: {  	[dreg:$0x4] =	wrdreg $0xC0  }
0xab: {  	_ =	task [dreg:s6], $0x5FFFF  }
0xac: {  	[dreg:$0x1] =	wrdreg $0xFFFFFFFF  }
0xad: {  	[dreg:$0x0] =	wrdreg $0x60  }
0xae: {  	[dreg:$0x2] =	wrdreg s24  }
0xaf: {  	[dreg:$0x3] =	wrdreg $0x9  }
0xb0: {  	_ =	task.clear_ibuf [dreg:s6], $0x4FFFF;
	_ =	strace $0x9000004C  }
0xb1: {  	s29 =	simm.s32 $0x9;
	_ =	strace $0x8000004E  }
0xb2: {  	_ =	swait.ge [sflag:s29], $0x1  }
0xb3: {  	[sflag:s29] =	ssyncadd.s32 $0xFFFFFFFF  }
0xb4: {  	_ =	strace $0x9000004E  }
0xb5: {  	_ =	sfence  }
0xb6: {  	s30 =	sld [smem:$0x0];
	_ =	sdelay $0x2  }
0xb7: {  	s31 =	sshll.u32 s1, $0xD;
	s1 =	sshrl.u32 s1, $0x2  }
0xb8: {  	s3 =	sand.u32 $0x4000, s31;
	s1 =	sadd.s32 s1, s30  }
0xb9: {  	s0 =	sor.u32 s3, s0;
	s1 =	sshll.u32 s1, $0x11  }
0xba: {  	s0 =	sor.u32 s1, s0  }
0xbb: {  	s0 =	sadd.s32 $0x8F2B, s0  }
0xbc: {  	[sflag:s0] =	ssyncadd.remote.s32 $0x1  }
0xbd: {  	_ =	sfence.sel $0xFFFF  }
0xbe: {  	[dreg:$0x0] =	wrdreg $0xFFFFFFFF;
	(pc) =	sbr.abs _section_cstart, $3  }
0xbf: {  	[dreg:$0x1] =	wrdreg $0xFFFFFFFF  }
0xc0: {  	_ =	task.clear_ibuf [dreg:s6], $0x2FFFF;
	_ =	strace $0x9FFFFFFF  }
0xc1: {  	(tm) =	ssettm $0x7FFFFFFF  }
tec
execute0_lowered:
.L_overlay_start_1:
0x0: {  	(tag) =	ssettag $0x1  }
0x1: {  	s1 =	srdreg.scid  }
0x2: {  	s0 =	stileid.u32;
	s4 =	rddreg [dreg:$0x0];
	s2 =	simm.s32 $0x0  }
0x3: {  	s9 =	simm.s32 $0xC8;
	s10 =	simm.s32 $0x6400;
	s11 =	simm.s32 $0xE100  }
0x4: {  	s12 =	simm.s32 $0x1;
	s13 =	simm.s32 $0x2;
	s14 =	simm.s32 $0x15E00  }
0x5: {  	s3 =	sand.u32 $0x1, s1;
	s31 =	sshll.u32 s0, $0x1;
	s1 =	rddreg [dreg:$0x1]  }
0x6: {  	s15 =	simm.s32 $0x0;
	[smem:$0x7FF] =	sst s2;
	s5 =	sor.u32 s3, s31  }
0x7: {  	_ =	strace $0x8000004D;
	s7 =	ssub.s32 $0x2, s3;
	s6 =	smul.u32 $0xC80, s5  }
0x8: {  	s3 =	sadd.s32 $0x1E00, s4;
	s8 =	sshrl.u32 s7, $0x1;
	s5 =	sshll.u32 s5, $0x9  }
0x9: {  	s7 =	ssub.s32 s7, s8;
	s8 =	simm.s32 $0x3;
	s6 =	sadd.s32 s6, s4  }
0xa: {  	s4 =	sadd.s32 $0x7A3000, s4;
	s7 =	smax.u32 s7, $0x1;
	s6 =	sadd.s32 $0xF44200, s6  }
.LBB2_1:
0xb: {  	[tilespmem:s2], [sflag:$0x3] =	stream.linear.gather [hbm4b:s6+s2], $0x6400, $0x38;
	[tilespmem:$0x16300] =	vst v63  }
0xc: {  	_ =	swait.ge [sflag:s8], $0x6400  }
0xd: {  	[sflag:s8] =	ssyncset.done $0x0  }
0xe: {  	[sflag:s8] =	ssyncadd.s32 $0xFFFF9C00  }
0xf: {  	[tilespmem:s10], [sflag:$0x1] =	stream.indirect.gather [hbm4b:s3+s9], $0xA0, s2, s9, $0xb8;
	[tilespmem:$0x16300] =	vst v63  }
0x10: {  	s16 =	simm.s32 $0x0  }
0x11: {  	[tilespmem:s11], [sflag:$0x2] =	stream.indirect.gather [hbm4b:s3+s9], $0xA0, s9, s9, $0xb8;
	[tilespmem:$0x16300] =	vst v63  }
.LBB2_2:
0x12: {  	_ =	swait.ge [sflag:s12], $0x7D00  }
0x13: {  	[sflag:s12] =	ssyncset.done $0x0  }
0x14: {  	[sflag:s12] =	ssyncadd.s32 $0xFFFF8300  }
0x15: {  	v6 =	vld [tilespmem:$0x6400]  }
0x16: {  	v8 =	vld [tilespmem:$0x6410]  }
0x17: {  	v9 =	vld [tilespmem:$0x6420]  }
0x18: {  	v15 =	vld [tilespmem:$0x6430]  }
0x19: {  	v4 =	vld [tilespmem:$0x6440]  }
0x1a: {  	v3 =	vld [tilespmem:$0x6450]  }
0x1b: {  	v2 =	vld [tilespmem:$0x6460]  }
0x1c: {  	v1 =	vld [tilespmem:$0x6470]  }
0x1d: {  	v0 =	vld [tilespmem:$0x6480]  }
0x1e: {  	s19 =	simm.s32 $0x130;
	v5 =	vld [tilespmem:$0x6490]  }
0x1f: {  	v10 =	vld [tilespmem:s19+$0x6400]  }
0x20: {  	v12 =	vld [tilespmem:s19+$0x6370]  }
0x21: {  	v13 =	vld [tilespmem:s19+$0x6380]  }
0x22: {  	v16 =	vld [tilespmem:s19+$0x6390]  }
0x23: {  	v17 =	vld [tilespmem:s19+$0x63A0]  }
0x24: {  	v14 =	vld [tilespmem:s19+$0x63B0]  }
0x25: {  	v11 =	vld [tilespmem:s19+$0x63C0]  }
0x26: {  	v7 =	vld [tilespmem:s19+$0x63D0]  }
0x27: {  	v5 =	vmax.bf16 v5, v10;
	v12 =	vmax.bf16 v6, v12;
	v6 =	vld [tilespmem:s19+$0x63E0]  }
0x28: {  	s17 =	simm.s32 $0x1D0;
	s18 =	simm.s32 $0x9C0;
	v13 =	vmax.bf16 v8, v13;
	v10 =	vmax.bf16 v9, v16;
	v8 =	vmax.bf16 v15, v17;
	v9 =	vld [tilespmem:s19+$0x63F0]  }
.LBB2_3:
0x29: {  	p0 =	sne.s32 s18, $0x7CC0;
	v15 =	vld [tilespmem:s17+$0x6400];
	v4 =	vmax.bf16 v4, v14  }
0x2a: {  	v16 =	vld [tilespmem:s17+$0x6370];
	v3 =	vmax.bf16 v3, v11  }
0x2b: {  	v17 =	vld [tilespmem:s17+$0x6380];
	v2 =	vmax.bf16 v2, v7  }
0x2c: {  	v18 =	vld [tilespmem:s17+$0x6390];
	v1 =	vmax.bf16 v1, v6  }
0x2d: {  	v19 =	vld [tilespmem:s17+$0x63A0];
	v0 =	vmax.bf16 v0, v9  }
.Ltmp0:
0x2e: {  	v14 =	vld [tilespmem:s17+$0x63B0];
	v5 =	vmax.bf16 v5, v15;
	(pc) =	sbr.rel @p0 .LBB2_3-.Ltmp0, $4  }
0x2f: {  	v12 =	vmax.bf16 v12, v16;
	v11 =	vld [tilespmem:s17+$0x63C0]  }
0x30: {  	v13 =	vmax.bf16 v13, v17;
	v7 =	vld [tilespmem:s17+$0x63D0]  }
0x31: {  	v10 =	vmax.bf16 v10, v18;
	v6 =	vld [tilespmem:s17+$0x63E0]  }
0x32: {  	v8 =	vmax.bf16 v8, v19;
	v9 =	vld [tilespmem:s17+$0x63F0];
	s17 =	sshra.s32 s18, $0x2;
	s18 =	sadd.s32 $0x280, s18  }
0x33: {  	v15 =	vld [tilespmem:s17+$0x6400]  }
0x34: {  	v16 =	vld [tilespmem:s17+$0x6370]  }
0x35: {  	v17 =	vld [tilespmem:s17+$0x6380]  }
0x36: {  	v18 =	vld [tilespmem:s17+$0x6390]  }
0x37: {  	v19 =	vld [tilespmem:s17+$0x63A0]  }
0x38: {  	v20 =	vld [tilespmem:s17+$0x63B0]  }
0x39: {  	v21 =	vld [tilespmem:s17+$0x63C0]  }
0x3a: {  	v22 =	vld [tilespmem:s17+$0x63D0]  }
0x3b: {  	v23 =	vld [tilespmem:s17+$0x63E0]  }
0x3c: {  	v61 =	vld [tilespmem:s17+$0x63F0];
	v12 =	vmax.bf16 v12, v16  }
0x3d: {  	v7 =	vmax.bf16 v2, v7;
	v2 =	vld [tilespmem:$0x8380];
	v13 =	vmax.bf16 v13, v17;
	[tilespmem:$0x15E00] =	vst v12  }
0x3e: {  	v10 =	vmax.bf16 v10, v18;
	v12 =	vld [tilespmem:$0x8340];
	[tilespmem:$0x15E10] =	vst v13  }
0x3f: {  	v4 =	vmax.bf16 v4, v14;
	v8 =	vmax.bf16 v8, v19;
	v13 =	vld [tilespmem:$0x8350];
	[tilespmem:$0x15E20] =	vst v10  }
0x40: {  	v3 =	vmax.bf16 v3, v11;
	v4 =	vmax.bf16 v4, v20;
	v10 =	vld [tilespmem:$0x8360];
	[tilespmem:$0x15E30] =	vst v8  }
0x41: {  	v1 =	vmax.bf16 v1, v6;
	v3 =	vmax.bf16 v3, v21;
	v8 =	vld [tilespmem:$0x8370];
	[tilespmem:$0x15E40] =	vst v4  }
0x42: {  	v0 =	vmax.bf16 v0, v9;
	v1 =	vmax.bf16 v1, v23;
	[tilespmem:$0x15E50] =	vst v3;
	v3 =	vld [tilespmem:$0x8390]  }
0x43: {  	v0 =	vmax.bf16 v0, v61;
	[tilespmem:$0x15E70] =	vst v1;
	v1 =	vld [tilespmem:$0x83B0]  }
0x44: {  	v5 =	vmax.bf16 v5, v15;
	[tilespmem:$0x15E80] =	vst v0;
	v0 =	vld [tilespmem:$0x83C0]  }
0x45: {  	v4 =	vmax.bf16 v7, v22;
	[tilespmem:$0x15E90] =	vst v5;
	v5 =	vld [tilespmem:$0x83D0]  }
0x46: {  	s19 =	simm.s32 $0x0;
	[tilespmem:$0x15E60] =	vst v4;
	v4 =	vld [tilespmem:$0x83A0]  }
0x47: {  	v6 =	vld [tilespmem:s19+$0x8470]  }
0x48: {  	v9 =	vld [tilespmem:s19+$0x83E0]  }
0x49: {  	v15 =	vld [tilespmem:s19+$0x83F0]  }
0x4a: {  	v62 =	vld [tilespmem:s19+$0x8400]  }
0x4b: {  	v63 =	vld [tilespmem:s19+$0x8410]  }
0x4c: {  	v14 =	vld [tilespmem:s19+$0x8420]  }
0x4d: {  	v11 =	vld [tilespmem:s19+$0x8430]  }
0x4e: {  	v7 =	vld [tilespmem:s19+$0x8440]  }
0x4f: {  	v5 =	vmax.bf16 v5, v6;
	v12 =	vmax.bf16 v12, v9;
	v6 =	vld [tilespmem:s19+$0x8450]  }
0x50: {  	s17 =	simm.s32 $0xA0;
	s18 =	simm.s32 $0x500;
	v13 =	vmax.bf16 v13, v15;
	v10 =	vmax.bf16 v10, v62;
	v8 =	vmax.bf16 v8, v63;
	v9 =	vld [tilespmem:s19+$0x8460]  }
.LBB2_5:
0x51: {  	p0 =	sne.s32 s18, $0x7800;
	v15 =	vld [tilespmem:s17+$0x8470];
	v2 =	vmax.bf16 v2, v14  }
0x52: {  	v16 =	vld [tilespmem:s17+$0x83E0];
	v3 =	vmax.bf16 v3, v11  }
0x53: {  	v17 =	vld [tilespmem:s17+$0x83F0];
	v4 =	vmax.bf16 v4, v7  }
0x54: {  	v18 =	vld [tilespmem:s17+$0x8400];
	v1 =	vmax.bf16 v1, v6  }
0x55: {  	v19 =	vld [tilespmem:s17+$0x8410];
	v0 =	vmax.bf16 v0, v9  }
.Ltmp1:
0x56: {  	v14 =	vld [tilespmem:s17+$0x8420];
	v5 =	vmax.bf16 v5, v15;
	(pc) =	sbr.rel @p0 .LBB2_5-.Ltmp1, $4  }
0x57: {  	v12 =	vmax.bf16 v12, v16;
	v11 =	vld [tilespmem:s17+$0x8430]  }
0x58: {  	v13 =	vmax.bf16 v13, v17;
	v7 =	vld [tilespmem:s17+$0x8440]  }
0x59: {  	v10 =	vmax.bf16 v10, v18;
	v6 =	vld [tilespmem:s17+$0x8450]  }
0x5a: {  	v8 =	vmax.bf16 v8, v19;
	v9 =	vld [tilespmem:s17+$0x8460];
	s17 =	sshra.s32 s18, $0x2;
	s18 =	sadd.s32 $0x280, s18  }
0x5b: {  	v15 =	vld [tilespmem:s17+$0x8470]  }
0x5c: {  	v16 =	vld [tilespmem:s17+$0x83E0]  }
0x5d: {  	v17 =	vld [tilespmem:s17+$0x83F0]  }
0x5e: {  	v18 =	vld [tilespmem:s17+$0x8400]  }
0x5f: {  	v19 =	vld [tilespmem:s17+$0x8410]  }
0x60: {  	v20 =	vld [tilespmem:s17+$0x8420]  }
0x61: {  	v21 =	vld [tilespmem:s17+$0x8430]  }
0x62: {  	v22 =	vld [tilespmem:s17+$0x8440]  }
0x63: {  	v23 =	vld [tilespmem:s17+$0x8450]  }
0x64: {  	v61 =	vld [tilespmem:s17+$0x8460];
	v12 =	vmax.bf16 v12, v16  }
0x65: {  	v13 =	vmax.bf16 v13, v17;
	[tilespmem:$0x15EA0] =	vst v12;
	v12 =	vld [tilespmem:$0xA280]  }
0x66: {  	v10 =	vmax.bf16 v10, v18;
	[tilespmem:$0x15EB0] =	vst v13;
	v13 =	vld [tilespmem:$0xA290]  }
0x67: {  	v2 =	vmax.bf16 v2, v14;
	v8 =	vmax.bf16 v8, v19;
	[tilespmem:$0x15EC0] =	vst v10;
	v10 =	vld [tilespmem:$0xA2A0]  }
0x68: {  	v3 =	vmax.bf16 v3, v11;
	v2 =	vmax.bf16 v2, v20;
	[tilespmem:$0x15ED0] =	vst v8;
	v8 =	vld [tilespmem:$0xA2B0]  }
0x69: {  	v4 =	vmax.bf16 v4, v7;
	v3 =	vmax.bf16 v3, v21;
	[tilespmem:$0x15EE0] =	vst v2;
	v2 =	vld [tilespmem:$0xA2C0]  }
0x6a: {  	v1 =	vmax.bf16 v1, v6;
	v4 =	vmax.bf16 v4, v22;
	[tilespmem:$0x15EF0] =	vst v3;
	v3 =	vld [tilespmem:$0xA2D0]  }
0x6b: {  	v0 =	vmax.bf16 v0, v9;
	v1 =	vmax.bf16 v1, v23;
	[tilespmem:$0x15F00] =	vst v4;
	v4 =	vld [tilespmem:$0xA2E0]  }
0x6c: {  	v0 =	vmax.bf16 v0, v61;
	[tilespmem:$0x15F10] =	vst v1;
	v1 =	vld [tilespmem:$0xA2F0]  }
0x6d: {  	v5 =	vmax.bf16 v5, v15;
	[tilespmem:$0x15F20] =	vst v0;
	v0 =	vld [tilespmem:$0xA300]  }
0x6e: {  	s19 =	simm.s32 $0x0;
	[tilespmem:$0x15F30] =	vst v5;
	v5 =	vld [tilespmem:$0xA310]  }
0x6f: {  	v6 =	vld [tilespmem:s19+$0xA3B0]  }
0x70: {  	v9 =	vld [tilespmem:s19+$0xA320]  }
0x71: {  	v15 =	vld [tilespmem:s19+$0xA330]  }
0x72: {  	v62 =	vld [tilespmem:s19+$0xA340]  }
0x73: {  	v63 =	vld [tilespmem:s19+$0xA350]  }
0x74: {  	v14 =	vld [tilespmem:s19+$0xA360]  }
0x75: {  	v11 =	vld [tilespmem:s19+$0xA370]  }
0x76: {  	v7 =	vld [tilespmem:s19+$0xA380]  }
0x77: {  	v5 =	vmax.bf16 v5, v6;
	v12 =	vmax.bf16 v12, v9;
	v6 =	vld [tilespmem:s19+$0xA390]  }
0x78: {  	s17 =	simm.s32 $0xA0;
	s18 =	simm.s32 $0x500;
	v13 =	vmax.bf16 v13, v15;
	v10 =	vmax.bf16 v10, v62;
	v8 =	vmax.bf16 v8, v63;
	v9 =	vld [tilespmem:s19+$0xA3A0]  }
.LBB2_7:
0x79: {  	p0 =	sne.s32 s18, $0x7800;
	v15 =	vld [tilespmem:s17+$0xA3B0];
	v2 =	vmax.bf16 v2, v14  }
0x7a: {  	v16 =	vld [tilespmem:s17+$0xA320];
	v3 =	vmax.bf16 v3, v11  }
0x7b: {  	v17 =	vld [tilespmem:s17+$0xA330];
	v4 =	vmax.bf16 v4, v7  }
0x7c: {  	v18 =	vld [tilespmem:s17+$0xA340];
	v1 =	vmax.bf16 v1, v6  }
0x7d: {  	v19 =	vld [tilespmem:s17+$0xA350];
	v0 =	vmax.bf16 v0, v9  }
.Ltmp2:
0x7e: {  	v14 =	vld [tilespmem:s17+$0xA360];
	v5 =	vmax.bf16 v5, v15;
	(pc) =	sbr.rel @p0 .LBB2_7-.Ltmp2, $4  }
0x7f: {  	v12 =	vmax.bf16 v12, v16;
	v11 =	vld [tilespmem:s17+$0xA370]  }
0x80: {  	v13 =	vmax.bf16 v13, v17;
	v7 =	vld [tilespmem:s17+$0xA380]  }
0x81: {  	v10 =	vmax.bf16 v10, v18;
	v6 =	vld [tilespmem:s17+$0xA390]  }
0x82: {  	v8 =	vmax.bf16 v8, v19;
	v9 =	vld [tilespmem:s17+$0xA3A0];
	s17 =	sshra.s32 s18, $0x2;
	s18 =	sadd.s32 $0x280, s18  }
0x83: {  	v15 =	vld [tilespmem:s17+$0xA3B0]  }
0x84: {  	v16 =	vld [tilespmem:s17+$0xA320]  }
0x85: {  	v17 =	vld [tilespmem:s17+$0xA330]  }
0x86: {  	v18 =	vld [tilespmem:s17+$0xA340]  }
0x87: {  	v19 =	vld [tilespmem:s17+$0xA350]  }
0x88: {  	v20 =	vld [tilespmem:s17+$0xA360]  }
0x89: {  	v21 =	vld [tilespmem:s17+$0xA370]  }
0x8a: {  	v22 =	vld [tilespmem:s17+$0xA380]  }
0x8b: {  	v23 =	vld [tilespmem:s17+$0xA390]  }
0x8c: {  	v59 =	vld [tilespmem:s17+$0xA3A0];
	v12 =	vmax.bf16 v12, v16  }
0x8d: {  	v60 =	vld [tilespmem:$0xC1C0];
	v13 =	vmax.bf16 v13, v17;
	[tilespmem:$0x15F40] =	vst v12  }
0x8e: {  	v61 =	vld [tilespmem:$0xC1E0];
	v10 =	vmax.bf16 v10, v18;
	[tilespmem:$0x15F50] =	vst v13  }
0x8f: {  	v2 =	vmax.bf16 v2, v14;
	v62 =	vld [tilespmem:$0xC1F0];
	v8 =	vmax.bf16 v8, v19;
	[tilespmem:$0x15F60] =	vst v10  }
0x90: {  	v3 =	vmax.bf16 v3, v11;
	v6 =	vmax.bf16 v1, v6;
	v1 =	vld [tilespmem:$0xC210];
	v2 =	vmax.bf16 v2, v20;
	[tilespmem:$0x15F70] =	vst v8  }
0x91: {  	v4 =	vmax.bf16 v4, v7;
	v3 =	vmax.bf16 v3, v21;
	v13 =	vld [tilespmem:$0xC1D0];
	[tilespmem:$0x15F80] =	vst v2  }
0x92: {  	v4 =	vmax.bf16 v4, v22;
	v2 =	vld [tilespmem:$0xC200];
	[tilespmem:$0x15F90] =	vst v3  }
0x93: {  	v0 =	vmax.bf16 v0, v9;
	v6 =	vmax.bf16 v6, v23;
	[tilespmem:$0x15FA0] =	vst v4;
	v3 =	vld [tilespmem:$0xC220]  }
0x94: {  	v0 =	vmax.bf16 v0, v59;
	[tilespmem:$0x15FB0] =	vst v6;
	v4 =	vld [tilespmem:$0xC230]  }
0x95: {  	v5 =	vmax.bf16 v5, v15;
	[tilespmem:$0x15FC0] =	vst v0;
	v0 =	vld [tilespmem:$0xC240]  }
0x96: {  	s19 =	simm.s32 $0x0;
	[tilespmem:$0x15FD0] =	vst v5;
	v5 =	vld [tilespmem:$0xC250]  }
0x97: {  	v6 =	vld [tilespmem:s19+$0xC2F0]  }
0x98: {  	v7 =	vld [tilespmem:s19+$0xC260]  }
0x99: {  	v9 =	vld [tilespmem:s19+$0xC270]  }
0x9a: {  	v15 =	vld [tilespmem:s19+$0xC280]  }
0x9b: {  	v63 =	vld [tilespmem:s19+$0xC290]  }
0x9c: {  	v14 =	vld [tilespmem:s19+$0xC2A0]  }
0x9d: {  	v12 =	vld [tilespmem:s19+$0xC2B0]  }
0x9e: {  	v10 =	vld [tilespmem:s19+$0xC2C0]  }
0x9f: {  	v11 =	vld [tilespmem:s19+$0xC2D0];
	v5 =	vmax.bf16 v5, v6;
	v8 =	vmax.bf16 v60, v7  }
0xa0: {  	s17 =	simm.s32 $0xA0;
	s18 =	simm.s32 $0x500;
	v9 =	vmax.bf16 v13, v9;
	v6 =	vmax.bf16 v61, v15;
	v7 =	vmax.bf16 v62, v63;
	v13 =	vld [tilespmem:s19+$0xC2E0]  }
.LBB2_9:
0xa1: {  	p0 =	sne.s32 s18, $0x7800;
	v15 =	vld [tilespmem:s17+$0xC2F0];
	v2 =	vmax.bf16 v2, v14  }
0xa2: {  	v16 =	vld [tilespmem:s17+$0xC260];
	v1 =	vmax.bf16 v1, v12  }
0xa3: {  	v17 =	vld [tilespmem:s17+$0xC270];
	v3 =	vmax.bf16 v3, v10  }
0xa4: {  	v18 =	vld [tilespmem:s17+$0xC280];
	v4 =	vmax.bf16 v4, v11  }
0xa5: {  	v19 =	vld [tilespmem:s17+$0xC290];
	v0 =	vmax.bf16 v0, v13  }
.Ltmp3:
0xa6: {  	v14 =	vld [tilespmem:s17+$0xC2A0];
	v5 =	vmax.bf16 v5, v15;
	(pc) =	sbr.rel @p0 .LBB2_9-.Ltmp3, $4  }
0xa7: {  	v8 =	vmax.bf16 v8, v16;
	v12 =	vld [tilespmem:s17+$0xC2B0]  }
0xa8: {  	v9 =	vmax.bf16 v9, v17;
	v10 =	vld [tilespmem:s17+$0xC2C0]  }
0xa9: {  	v6 =	vmax.bf16 v6, v18;
	v11 =	vld [tilespmem:s17+$0xC2D0]  }
0xaa: {  	v7 =	vmax.bf16 v7, v19;
	v13 =	vld [tilespmem:s17+$0xC2E0];
	s17 =	sshra.s32 s18, $0x2;
	s18 =	sadd.s32 $0x280, s18  }
0xab: {  	v15 =	vld [tilespmem:s17+$0xC2F0]  }
0xac: {  	v16 =	vld [tilespmem:s17+$0xC260]  }
0xad: {  	v17 =	vld [tilespmem:s17+$0xC270]  }
0xae: {  	v18 =	vld [tilespmem:s17+$0xC280]  }
0xaf: {  	v19 =	vld [tilespmem:s17+$0xC290]  }
0xb0: {  	v20 =	vld [tilespmem:s17+$0xC2A0]  }
0xb1: {  	v21 =	vld [tilespmem:s17+$0xC2B0]  }
0xb2: {  	v22 =	vld [tilespmem:s17+$0xC2C0]  }
0xb3: {  	v23 =	vld [tilespmem:s17+$0xC2D0];
	v8 =	vmax.bf16 v8, v16  }
0xb4: {  	v61 =	vld [tilespmem:s17+$0xC2E0];
	v9 =	vmax.bf16 v9, v17;
	[tilespmem:$0x15FE0] =	vst v8  }
0xb5: {  	v6 =	vmax.bf16 v6, v18;
	[tilespmem:$0x15FF0] =	vst v9  }
0xb6: {  	v2 =	vmax.bf16 v2, v14;
	v7 =	vmax.bf16 v7, v19;
	[tilespmem:$0x16000] =	vst v6  }
0xb7: {  	v1 =	vmax.bf16 v1, v12;
	v2 =	vmax.bf16 v2, v20;
	[tilespmem:$0x16010] =	vst v7  }
0xb8: {  	v3 =	vmax.bf16 v3, v10;
	v1 =	vmax.bf16 v1, v21;
	[tilespmem:$0x16020] =	vst v2  }
0xb9: {  	p0 =	seq.s32 s16, $0x3F;
	v0 =	vmax.bf16 v0, v13;
	v3 =	vmax.bf16 v3, v22;
	[tilespmem:$0x16030] =	vst v1  }
0xba: {  	s17 =	smul.u32 @!p0 $0x640, s16;
	v0 =	vmax.bf16 v0, v61;
	v2 =	vmax.bf16 v4, v11;
	[tilespmem:$0x16040] =	vst v3  }
0xbb: {  	[tilespmem:$0x16060] =	vst v0;
	v1 =	vmax.bf16 v2, v23  }
0xbc: {  	s17 =	sshra.s32 @!p0 s17, $0x2;
	[tilespmem:$0x16050] =	vst v1;
	v1 =	vmax.bf16 v5, v15  }
0xbd: {  	s19 =	simm.s32 @!p0 $0xC8;
	s20 =	simm.s32 @!p0 $0x6400;
	s18 =	sadd.s32 @!p0 $0x190, s17;
	[tilespmem:$0x16070] =	vst v1  }
0xbe: {  	[tilespmem:s20], [sflag:$0x1] =	stream.indirect.gather @!p0 [hbm4b:s3+s19], $0xA0, s18, s19, $0xb8;
	[tilespmem:$0x16300] =	vst v63  }
0xbf: {  	_ =	swait.ge [sflag:s13], $0x7D00  }
0xc0: {  	[sflag:s13] =	ssyncset.done $0x0  }
0xc1: {  	[sflag:s13] =	ssyncadd.s32 $0xFFFF8300  }
0xc2: {  	v6 =	vld [tilespmem:$0xE100]  }
0xc3: {  	v8 =	vld [tilespmem:$0xE110]  }
0xc4: {  	v9 =	vld [tilespmem:$0xE120]  }
0xc5: {  	v15 =	vld [tilespmem:$0xE130]  }
0xc6: {  	v4 =	vld [tilespmem:$0xE140]  }
0xc7: {  	v3 =	vld [tilespmem:$0xE150]  }
0xc8: {  	v2 =	vld [tilespmem:$0xE160]  }
0xc9: {  	v1 =	vld [tilespmem:$0xE170]  }
0xca: {  	v0 =	vld [tilespmem:$0xE180]  }
0xcb: {  	s31 =	simm.s32 $0x130;
	v5 =	vld [tilespmem:$0xE190]  }
0xcc: {  	v10 =	vld [tilespmem:s31+$0xE100]  }
0xcd: {  	v12 =	vld [tilespmem:s31+$0xE070]  }
0xce: {  	v13 =	vld [tilespmem:s31+$0xE080]  }
0xcf: {  	v62 =	vld [tilespmem:s31+$0xE090]  }
0xd0: {  	v63 =	vld [tilespmem:s31+$0xE0A0]  }
0xd1: {  	v14 =	vld [tilespmem:s31+$0xE0B0]  }
0xd2: {  	v11 =	vld [tilespmem:s31+$0xE0C0]  }
0xd3: {  	v7 =	vld [tilespmem:s31+$0xE0D0]  }
0xd4: {  	v5 =	vmax.bf16 v5, v10;
	v12 =	vmax.bf16 v6, v12;
	v6 =	vld [tilespmem:s31+$0xE0E0]  }
0xd5: {  	s18 =	simm.s32 $0x1D0;
	s19 =	simm.s32 $0x9C0;
	v13 =	vmax.bf16 v8, v13;
	v10 =	vmax.bf16 v9, v62;
	v8 =	vmax.bf16 v15, v63;
	v9 =	vld [tilespmem:s31+$0xE0F0]  }
.LBB2_11:
0xd6: {  	p1 =	sne.s32 s19, $0x7CC0;
	v15 =	vld [tilespmem:s18+$0xE100];
	v4 =	vmax.bf16 v4, v14  }
0xd7: {  	v16 =	vld [tilespmem:s18+$0xE070];
	v3 =	vmax.bf16 v3, v11  }
0xd8: {  	v17 =	vld [tilespmem:s18+$0xE080];
	v2 =	vmax.bf16 v2, v7  }
0xd9: {  	v18 =	vld [tilespmem:s18+$0xE090];
	v1 =	vmax.bf16 v1, v6  }
0xda: {  	v19 =	vld [tilespmem:s18+$0xE0A0];
	v0 =	vmax.bf16 v0, v9  }
.Ltmp4:
0xdb: {  	v14 =	vld [tilespmem:s18+$0xE0B0];
	v5 =	vmax.bf16 v5, v15;
	(pc) =	sbr.rel @p1 .LBB2_11-.Ltmp4, $4  }
0xdc: {  	v12 =	vmax.bf16 v12, v16;
	v11 =	vld [tilespmem:s18+$0xE0C0]  }
0xdd: {  	v13 =	vmax.bf16 v13, v17;
	v7 =	vld [tilespmem:s18+$0xE0D0]  }
0xde: {  	v10 =	vmax.bf16 v10, v18;
	v6 =	vld [tilespmem:s18+$0xE0E0]  }
0xdf: {  	v8 =	vmax.bf16 v8, v19;
	v9 =	vld [tilespmem:s18+$0xE0F0];
	s18 =	sshra.s32 s19, $0x2;
	s19 =	sadd.s32 $0x280, s19  }
0xe0: {  	v15 =	vld [tilespmem:s18+$0xE100]  }
0xe1: {  	v16 =	vld [tilespmem:s18+$0xE070]  }
0xe2: {  	v17 =	vld [tilespmem:s18+$0xE080]  }
0xe3: {  	v18 =	vld [tilespmem:s18+$0xE090]  }
0xe4: {  	v19 =	vld [tilespmem:s18+$0xE0A0]  }
0xe5: {  	v20 =	vld [tilespmem:s18+$0xE0B0]  }
0xe6: {  	v21 =	vld [tilespmem:s18+$0xE0C0]  }
0xe7: {  	v22 =	vld [tilespmem:s18+$0xE0D0]  }
0xe8: {  	v23 =	vld [tilespmem:s18+$0xE0E0]  }
0xe9: {  	v61 =	vld [tilespmem:s18+$0xE0F0];
	v12 =	vmax.bf16 v12, v16  }
0xea: {  	v7 =	vmax.bf16 v2, v7;
	v2 =	vld [tilespmem:$0x10080];
	v13 =	vmax.bf16 v13, v17;
	[tilespmem:$0x16080] =	vst v12  }
0xeb: {  	v10 =	vmax.bf16 v10, v18;
	v12 =	vld [tilespmem:$0x10040];
	[tilespmem:$0x16090] =	vst v13  }
0xec: {  	v4 =	vmax.bf16 v4, v14;
	v8 =	vmax.bf16 v8, v19;
	v13 =	vld [tilespmem:$0x10050];
	[tilespmem:$0x160A0] =	vst v10  }
0xed: {  	v3 =	vmax.bf16 v3, v11;
	v4 =	vmax.bf16 v4, v20;
	v10 =	vld [tilespmem:$0x10060];
	[tilespmem:$0x160B0] =	vst v8  }
0xee: {  	v1 =	vmax.bf16 v1, v6;
	v3 =	vmax.bf16 v3, v21;
	v8 =	vld [tilespmem:$0x10070];
	[tilespmem:$0x160C0] =	vst v4  }
0xef: {  	v0 =	vmax.bf16 v0, v9;
	v1 =	vmax.bf16 v1, v23;
	[tilespmem:$0x160D0] =	vst v3;
	v3 =	vld [tilespmem:$0x10090]  }
0xf0: {  	v0 =	vmax.bf16 v0, v61;
	[tilespmem:$0x160F0] =	vst v1;
	v1 =	vld [tilespmem:$0x100B0]  }
0xf1: {  	v5 =	vmax.bf16 v5, v15;
	[tilespmem:$0x16100] =	vst v0;
	v0 =	vld [tilespmem:$0x100C0]  }
0xf2: {  	v4 =	vmax.bf16 v7, v22;
	[tilespmem:$0x16110] =	vst v5;
	v5 =	vld [tilespmem:$0x100D0]  }
0xf3: {  	s20 =	simm.s32 $0x0;
	[tilespmem:$0x160E0] =	vst v4;
	v4 =	vld [tilespmem:$0x100A0]  }
0xf4: {  	v6 =	vld [tilespmem:s20+$0x10170]  }
0xf5: {  	v9 =	vld [tilespmem:s20+$0x100E0]  }
0xf6: {  	v15 =	vld [tilespmem:s20+$0x100F0]  }
0xf7: {  	v62 =	vld [tilespmem:s20+$0x10100]  }
0xf8: {  	v63 =	vld [tilespmem:s20+$0x10110]  }
0xf9: {  	v14 =	vld [tilespmem:s20+$0x10120]  }
0xfa: {  	v11 =	vld [tilespmem:s20+$0x10130]  }
0xfb: {  	v7 =	vld [tilespmem:s20+$0x10140]  }
0xfc: {  	v5 =	vmax.bf16 v5, v6;
	v12 =	vmax.bf16 v12, v9;
	v6 =	vld [tilespmem:s20+$0x10150]  }
0xfd: {  	s18 =	simm.s32 $0xA0;
	s19 =	simm.s32 $0x500;
	v13 =	vmax.bf16 v13, v15;
	v10 =	vmax.bf16 v10, v62;
	v8 =	vmax.bf16 v8, v63;
	v9 =	vld [tilespmem:s20+$0x10160]  }
.LBB2_13:
0xfe: {  	p1 =	sne.s32 s19, $0x7800;
	v15 =	vld [tilespmem:s18+$0x10170];
	v2 =	vmax.bf16 v2, v14  }
0xff: {  	v16 =	vld [tilespmem:s18+$0x100E0];
	v3 =	vmax.bf16 v3, v11  }
0x100: {  	v17 =	vld [tilespmem:s18+$0x100F0];
	v4 =	vmax.bf16 v4, v7  }
0x101: {  	v18 =	vld [tilespmem:s18+$0x10100];
	v1 =	vmax.bf16 v1, v6  }
0x102: {  	v19 =	vld [tilespmem:s18+$0x10110];
	v0 =	vmax.bf16 v0, v9  }
.Ltmp5:
0x103: {  	v14 =	vld [tilespmem:s18+$0x10120];
	v5 =	vmax.bf16 v5, v15;
	(pc) =	sbr.rel @p1 .LBB2_13-.Ltmp5, $4  }
0x104: {  	v12 =	vmax.bf16 v12, v16;
	v11 =	vld [tilespmem:s18+$0x10130]  }
0x105: {  	v13 =	vmax.bf16 v13, v17;
	v7 =	vld [tilespmem:s18+$0x10140]  }
0x106: {  	v10 =	vmax.bf16 v10, v18;
	v6 =	vld [tilespmem:s18+$0x10150]  }
0x107: {  	v8 =	vmax.bf16 v8, v19;
	v9 =	vld [tilespmem:s18+$0x10160];
	s18 =	sshra.s32 s19, $0x2;
	s19 =	sadd.s32 $0x280, s19  }
0x108: {  	v15 =	vld [tilespmem:s18+$0x10170]  }
0x109: {  	v16 =	vld [tilespmem:s18+$0x100E0]  }
0x10a: {  	v17 =	vld [tilespmem:s18+$0x100F0]  }
0x10b: {  	v18 =	vld [tilespmem:s18+$0x10100]  }
0x10c: {  	v19 =	vld [tilespmem:s18+$0x10110]  }
0x10d: {  	v20 =	vld [tilespmem:s18+$0x10120]  }
0x10e: {  	v21 =	vld [tilespmem:s18+$0x10130]  }
0x10f: {  	v22 =	vld [tilespmem:s18+$0x10140]  }
0x110: {  	v23 =	vld [tilespmem:s18+$0x10150]  }
0x111: {  	v61 =	vld [tilespmem:s18+$0x10160];
	v12 =	vmax.bf16 v12, v16  }
0x112: {  	v13 =	vmax.bf16 v13, v17;
	[tilespmem:$0x16120] =	vst v12;
	v12 =	vld [tilespmem:$0x11F80]  }
0x113: {  	v10 =	vmax.bf16 v10, v18;
	[tilespmem:$0x16130] =	vst v13;
	v13 =	vld [tilespmem:$0x11F90]  }
0x114: {  	v2 =	vmax.bf16 v2, v14;
	v8 =	vmax.bf16 v8, v19;
	[tilespmem:$0x16140] =	vst v10;
	v10 =	vld [tilespmem:$0x11FA0]  }
0x115: {  	v3 =	vmax.bf16 v3, v11;
	v2 =	vmax.bf16 v2, v20;
	[tilespmem:$0x16150] =	vst v8;
	v8 =	vld [tilespmem:$0x11FB0]  }
0x116: {  	v4 =	vmax.bf16 v4, v7;
	v3 =	vmax.bf16 v3, v21;
	[tilespmem:$0x16160] =	vst v2;
	v2 =	vld [tilespmem:$0x11FC0]  }
0x117: {  	v1 =	vmax.bf16 v1, v6;
	v4 =	vmax.bf16 v4, v22;
	[tilespmem:$0x16170] =	vst v3;
	v3 =	vld [tilespmem:$0x11FD0]  }
0x118: {  	v0 =	vmax.bf16 v0, v9;
	v1 =	vmax.bf16 v1, v23;
	[tilespmem:$0x16180] =	vst v4;
	v4 =	vld [tilespmem:$0x11FE0]  }
0x119: {  	v0 =	vmax.bf16 v0, v61;
	[tilespmem:$0x16190] =	vst v1;
	v1 =	vld [tilespmem:$0x11FF0]  }
0x11a: {  	v5 =	vmax.bf16 v5, v15;
	[tilespmem:$0x161A0] =	vst v0;
	v0 =	vld [tilespmem:$0x12000]  }
0x11b: {  	s20 =	simm.s32 $0x0;
	[tilespmem:$0x161B0] =	vst v5;
	v5 =	vld [tilespmem:$0x12010]  }
0x11c: {  	v6 =	vld [tilespmem:s20+$0x120B0]  }
0x11d: {  	v9 =	vld [tilespmem:s20+$0x12020]  }
0x11e: {  	v15 =	vld [tilespmem:s20+$0x12030]  }
0x11f: {  	v62 =	vld [tilespmem:s20+$0x12040]  }
0x120: {  	v63 =	vld [tilespmem:s20+$0x12050]  }
0x121: {  	v14 =	vld [tilespmem:s20+$0x12060]  }
0x122: {  	v11 =	vld [tilespmem:s20+$0x12070]  }
0x123: {  	v7 =	vld [tilespmem:s20+$0x12080]  }
0x124: {  	v5 =	vmax.bf16 v5, v6;
	v12 =	vmax.bf16 v12, v9;
	v6 =	vld [tilespmem:s20+$0x12090]  }
0x125: {  	s18 =	simm.s32 $0xA0;
	s19 =	simm.s32 $0x500;
	v13 =	vmax.bf16 v13, v15;
	v10 =	vmax.bf16 v10, v62;
	v8 =	vmax.bf16 v8, v63;
	v9 =	vld [tilespmem:s20+$0x120A0]  }
.LBB2_15:
0x126: {  	p1 =	sne.s32 s19, $0x7800;
	v15 =	vld [tilespmem:s18+$0x120B0];
	v2 =	vmax.bf16 v2, v14  }
0x127: {  	v16 =	vld [tilespmem:s18+$0x12020];
	v3 =	vmax.bf16 v3, v11  }
0x128: {  	v17 =	vld [tilespmem:s18+$0x12030];
	v4 =	vmax.bf16 v4, v7  }
0x129: {  	v18 =	vld [tilespmem:s18+$0x12040];
	v1 =	vmax.bf16 v1, v6  }
0x12a: {  	v19 =	vld [tilespmem:s18+$0x12050];
	v0 =	vmax.bf16 v0, v9  }
.Ltmp6:
0x12b: {  	v14 =	vld [tilespmem:s18+$0x12060];
	v5 =	vmax.bf16 v5, v15;
	(pc) =	sbr.rel @p1 .LBB2_15-.Ltmp6, $4  }
0x12c: {  	v12 =	vmax.bf16 v12, v16;
	v11 =	vld [tilespmem:s18+$0x12070]  }
0x12d: {  	v13 =	vmax.bf16 v13, v17;
	v7 =	vld [tilespmem:s18+$0x12080]  }
0x12e: {  	v10 =	vmax.bf16 v10, v18;
	v6 =	vld [tilespmem:s18+$0x12090]  }
0x12f: {  	v8 =	vmax.bf16 v8, v19;
	v9 =	vld [tilespmem:s18+$0x120A0];
	s18 =	sshra.s32 s19, $0x2;
	s19 =	sadd.s32 $0x280, s19  }
0x130: {  	v15 =	vld [tilespmem:s18+$0x120B0]  }
0x131: {  	v16 =	vld [tilespmem:s18+$0x12020]  }
0x132: {  	v17 =	vld [tilespmem:s18+$0x12030]  }
0x133: {  	v18 =	vld [tilespmem:s18+$0x12040]  }
0x134: {  	v19 =	vld [tilespmem:s18+$0x12050]  }
0x135: {  	v20 =	vld [tilespmem:s18+$0x12060]  }
0x136: {  	v21 =	vld [tilespmem:s18+$0x12070]  }
0x137: {  	v22 =	vld [tilespmem:s18+$0x12080]  }
0x138: {  	v23 =	vld [tilespmem:s18+$0x12090]  }
0x139: {  	v59 =	vld [tilespmem:s18+$0x120A0];
	v12 =	vmax.bf16 v12, v16  }
0x13a: {  	v60 =	vld [tilespmem:$0x13EC0];
	v13 =	vmax.bf16 v13, v17;
	[tilespmem:$0x161C0] =	vst v12  }
0x13b: {  	v61 =	vld [tilespmem:$0x13ED0];
	v10 =	vmax.bf16 v10, v18;
	[tilespmem:$0x161D0] =	vst v13  }
0x13c: {  	v2 =	vmax.bf16 v2, v14;
	v14 =	vld [tilespmem:$0x13EE0];
	v8 =	vmax.bf16 v8, v19;
	[tilespmem:$0x161E0] =	vst v10  }
0x13d: {  	v62 =	vld [tilespmem:$0x13EF0];
	v3 =	vmax.bf16 v3, v11;
	v2 =	vmax.bf16 v2, v20;
	[tilespmem:$0x161F0] =	vst v8  }
0x13e: {  	v4 =	vmax.bf16 v4, v7;
	v6 =	vmax.bf16 v1, v6;
	v1 =	vld [tilespmem:$0x13F10];
	v3 =	vmax.bf16 v3, v21;
	[tilespmem:$0x16200] =	vst v2  }
0x13f: {  	v4 =	vmax.bf16 v4, v22;
	v2 =	vld [tilespmem:$0x13F00];
	[tilespmem:$0x16210] =	vst v3  }
0x140: {  	v5 =	vmax.bf16 v5, v15;
	v3 =	vmax.bf16 v0, v9;
	[tilespmem:$0x16220] =	vst v4;
	v0 =	vld [tilespmem:$0x13F20]  }
0x141: {  	v6 =	vmax.bf16 v6, v23;
	[tilespmem:$0x16250] =	vst v5;
	v5 =	vld [tilespmem:$0x13F50]  }
0x142: {  	[tilespmem:$0x16230] =	vst v6;
	v4 =	vmax.bf16 v3, v59;
	v3 =	vld [tilespmem:$0x13F30]  }
0x143: {  	s20 =	simm.s32 $0x0;
	[tilespmem:$0x16240] =	vst v4;
	v4 =	vld [tilespmem:$0x13F40]  }
0x144: {  	v6 =	vld [tilespmem:s20+$0x13FF0]  }
0x145: {  	v7 =	vld [tilespmem:s20+$0x13F60]  }
0x146: {  	v9 =	vld [tilespmem:s20+$0x13F70]  }
0x147: {  	v15 =	vld [tilespmem:s20+$0x13F80]  }
0x148: {  	v63 =	vld [tilespmem:s20+$0x13F90]  }
0x149: {  	v13 =	vld [tilespmem:s20+$0x13FA0]  }
0x14a: {  	v12 =	vld [tilespmem:s20+$0x13FB0]  }
0x14b: {  	v10 =	vld [tilespmem:s20+$0x13FC0]  }
0x14c: {  	v11 =	vld [tilespmem:s20+$0x13FD0];
	v5 =	vmax.bf16 v5, v6;
	v8 =	vmax.bf16 v60, v7  }
0x14d: {  	s18 =	simm.s32 $0xA0;
	s19 =	simm.s32 $0x500;
	v9 =	vmax.bf16 v61, v9;
	v6 =	vmax.bf16 v14, v15;
	v7 =	vmax.bf16 v62, v63;
	v14 =	vld [tilespmem:s20+$0x13FE0]  }
.LBB2_17:
0x14e: {  	p1 =	sne.s32 s19, $0x7800;
	v15 =	vld [tilespmem:s18+$0x13FF0];
	v2 =	vmax.bf16 v2, v13  }
0x14f: {  	v16 =	vld [tilespmem:s18+$0x13F60];
	v1 =	vmax.bf16 v1, v12  }
0x150: {  	v17 =	vld [tilespmem:s18+$0x13F70];
	v0 =	vmax.bf16 v0, v10  }
0x151: {  	v18 =	vld [tilespmem:s18+$0x13F80];
	v3 =	vmax.bf16 v3, v11  }
0x152: {  	v19 =	vld [tilespmem:s18+$0x13F90];
	v4 =	vmax.bf16 v4, v14  }
.Ltmp7:
0x153: {  	v13 =	vld [tilespmem:s18+$0x13FA0];
	v5 =	vmax.bf16 v5, v15;
	(pc) =	sbr.rel @p1 .LBB2_17-.Ltmp7, $4  }
0x154: {  	v8 =	vmax.bf16 v8, v16;
	v12 =	vld [tilespmem:s18+$0x13FB0]  }
0x155: {  	v9 =	vmax.bf16 v9, v17;
	v10 =	vld [tilespmem:s18+$0x13FC0]  }
0x156: {  	v6 =	vmax.bf16 v6, v18;
	v11 =	vld [tilespmem:s18+$0x13FD0]  }
0x157: {  	v7 =	vmax.bf16 v7, v19;
	v14 =	vld [tilespmem:s18+$0x13FE0];
	s18 =	sshra.s32 s19, $0x2;
	s19 =	sadd.s32 $0x280, s19  }
0x158: {  	v15 =	vld [tilespmem:s18+$0x13FF0]  }
0x159: {  	v16 =	vld [tilespmem:s18+$0x13F60]  }
0x15a: {  	v17 =	vld [tilespmem:s18+$0x13F70]  }
0x15b: {  	v18 =	vld [tilespmem:s18+$0x13F80]  }
0x15c: {  	v19 =	vld [tilespmem:s18+$0x13F90]  }
0x15d: {  	v20 =	vld [tilespmem:s18+$0x13FA0]  }
0x15e: {  	v21 =	vld [tilespmem:s18+$0x13FB0]  }
0x15f: {  	v22 =	vld [tilespmem:s18+$0x13FC0]  }
0x160: {  	v23 =	vld [tilespmem:s18+$0x13FD0];
	v8 =	vmax.bf16 v8, v16  }
0x161: {  	v59 =	vld [tilespmem:s18+$0x13FE0];
	v9 =	vmax.bf16 v9, v17;
	[tilespmem:$0x16260] =	vst v8  }
0x162: {  	v6 =	vmax.bf16 v6, v18;
	[tilespmem:$0x16270] =	vst v9  }
0x163: {  	v2 =	vmax.bf16 v2, v13;
	v7 =	vmax.bf16 v7, v19;
	[tilespmem:$0x16280] =	vst v6  }
0x164: {  	v1 =	vmax.bf16 v1, v12;
	v2 =	vmax.bf16 v2, v20;
	[tilespmem:$0x16290] =	vst v7  }
0x165: {  	v0 =	vmax.bf16 v0, v10;
	v1 =	vmax.bf16 v1, v21;
	[tilespmem:$0x162A0] =	vst v2  }
0x166: {  	v61 =	vmax.bf16 v4, v14;
	v0 =	vmax.bf16 v0, v22;
	[tilespmem:$0x162B0] =	vst v1  }
0x167: {  	v62 =	vmax.bf16 v61, v59;
	[tilespmem:$0x162C0] =	vst v0  }
0x168: {  	s30 =	sshll.u32 s16, $0x3;
	v60 =	vmax.bf16 v3, v11;
	v63 =	vmax.bf16 v5, v15;
	[tilespmem:$0x162E0] =	vst v62  }
0x169: {  	s17 =	sadd.s32 @!p0 $0x258, s17;
	s19 =	simm.s32 @!p0 $0xC8;
	s18 =	sadd.s32 s5, s30;
	v2 =	vmax.bf16 v60, v23;
	[tilespmem:$0x162F0] =	vst v63  }
0x16a: {  	s20 =	simm.s32 @!p0 $0xE100;
	s16 =	sadd.s32 $0x1, s16;
	s18 =	smul.u32 $0x14, s18;
	[tilespmem:$0x162D0] =	vst v2  }
0x16b: {  	[tilespmem:s20], [sflag:$0x2] =	stream.indirect.gather @!p0 [hbm4b:s3+s19], $0xA0, s17, s19, $0xb8;
	[tilespmem:$0x16300] =	vst v63  }
0x16c: {  	p0 =	sne.s32 s16, $0x40  }
.Ltmp8:
0x16d: {  	s31 =	sadd.s32 s4, s18;
	(pc) =	sbr.rel @p0 .LBB2_2-.Ltmp8, $4  }
0x16e: {  	[hbm4b:s31+s2] =	stream.linear.scatter [tilespmem:s14], [sflag:$0x3], $0x500, $0x38;
	[tilespmem:$0x16300] =	vst v63  }
0x16f: {  	_ =	swait.ge [sflag:s8], $0x500  }
0x170: {  	[sflag:s8] =	ssyncset.done $0x0  }
0x171: {  	[sflag:s8] =	ssyncadd.s32 $0xFFFFFB00  }
0x172: {  	s15 =	sadd.s32 $0x1, s15  }
0x173: {  	p0 =	sne.s32 s15, s7  }
.Ltmp9:
0x174: {  	_ = 	snop;
	(pc) =	sbr.rel @p0 .LBB2_1-.Ltmp9, $1  }
0x175: {  	_ =	sdelay $0x3  }
0x176: {  	_ =	sfence.sel $0x180000  }
0x177: {  	[bflag:$0x0] =	sbarrier.arrive $0xFFFF  }
0x178: {  	p0 =	sne.s32 s0, $0x0;
	_ =	strace $0x9000004D  }
0x179: {  	s0 =	sadd.s32 @!p0 $0x100000, s1;
	[bflag:$0x2] =	sbarrier.arrive $0xFFFF  }
0x17a: {  	[sflag:s0] =	ssyncadd.tile.s32 @!p0 $0x1;
	_ =	shalt  }
.Lfunc_end2:
_tile_overlayer_lowered:
.L_overlay_start_2:
0x17b: {  	(tag) =	ssettag $0x2  }
0x17c: {  	s0 =	rddreg [dreg:$0x0];
	s2 =	stileid.u32  }
0x17d: {  	s1 =	rddreg [dreg:$0x1];
	p0 =	sne.s32 s2, $0x0  }
0x17e: {  	s3 =	rddreg [dreg:$0x2];
	[bflag:$0x3] =	sbarrier.arrive $0xFFFF;
	s2 =	simm.s32 @!p0 $0x1C03  }
0x17f: {  	[timem:s3], [sflag:s2] =	dma.local @!p0 [hbm:s0], s1  }
0x180: {  	s0 =	simm.s32 @!p0 $0x3  }
0x181: {  	_ =	swait.ge @!p0 [sflag:s0], s1  }
0x182: {  	s1 =	ssub.s32 @!p0 $0x0, s1;
	[sflag:s0] =	ssyncset.done @!p0 $0x0  }
0x183: {  	[sflag:s0] =	ssyncadd.s32 @!p0 s1  }
0x184: {  	[bflag:$0x3] =	sbarrier.arrive $0xFFFF  }
0x185: {  	_ =	shalt  }

// kernel: sparse-core-data-format-call.1.cloned.1.call-start
scs
called_computation.1_lowered:
.L_overlay_start_0:
0x0: {  	s1 =	sld [smem:$0x3FD9]  }
0x1: {  	s2 =	sld [smem:$0x3FFE];
	_ =	sdelay $0x1  }
0x2: {  	s3 =	srdreg.scid  }
0x3: {  	s0 =	sand.u32 $0x1, s3  }
0x4: {  	s17 =	sshll.u32 s0, $0xA;
	s1 =	sadd.s32 s2, s1  }
0x5: {  	s1 =	sadd.s32 s1, s17  }
0x6: {  	[smem:$0x3FC0] =	sst s1  }
0x7: {  	_ = 	snop  }
0x8: {  	(tm) =	ssettm $0x1  }
0x9: {  	s18 =	sld [smem:$0x3FFB];
	_ =	sdelay $0x3  }
0xa: {  	_ =	strace s18  }
0xb: {  	s1 =	sld [smem:$0x3FFC];
	_ =	sdelay $0x3  }
0xc: {  	_ =	strace s1  }
0xd: {  	s1 =	sld [smem:$0x3FFD];
	_ =	sdelay $0x3  }
0xe: {  	_ =	strace s1  }
0xf: {  	_ =	strace $0x8FFFFFFF  }
0x10: {  	s19 =	sld [smem:$0x3FDB];
	_ =	sdelay $0x1  }
0x11: {  	s20 =	simm.s32 $_scs_section_size  }
0x12: {  	s4 =	simm.s32 $_size__tile_overlayer_lowered;
	s5 =	simm.s32 $_tile_overlayer_lowered  }
0x13: {  	s23 =	simm.s32 $0x1BFF;
	s22 =	sshll.u32 s5, $0x1;
	s1 =	sadd.s32 s20, s19  }
0x14: {  	s6 =	simm.s32 $0x0;
	s21 =	sshll.u32 s4, $0x1;
	s4 =	sadd.s32 s22, s1  }
0x15: {  	[timem:s6], [sflag:s23] =	dma.local [hbm:s4], s21  }
0x16: {  	_ =	swait.ge [sflag:s23], s21  }
0x17: {  	s2 =	ssub.s32 $0x0, s21;
	[sflag:s23] =	ssyncset.done $0x0  }
0x18: {  	[sflag:s23] =	ssyncadd.s32 s2;
	_ =	sdelay $0x1  }
0x19: {  	s24 =	simm.s32 $0x1B8B  }
0x1a: {  	_ =	swait.ge [sflag:s24], $0x1  }
0x1b: {  	[sflag:s24] =	ssyncset.done $0x0  }
0x1c: {  	s26 =	simm.s32 $0x1B8E;
	s25 =	sld [smem:$0x3FFE];
	[sflag:s24] =	ssyncadd.s32 $0xFFFFFFFF  }
0x1d: {  	s27 =	simm.s32 $execute0_lowered;
	[smem:$0x3FD2] =	sst s26  }
0x1e: {  	s4 =	sshll.u32 s27, $0x1;
	_ =	strace $0x80000046;
	[dreg:$0x1] =	wrdreg $0xFFFFFFFF  }
0x1f: {  	s28 =	simm.s32 $_size_execute0_lowered;
	s1 =	sadd.s32 s1, s4;
	[dreg:$0x0] =	wrdreg $0x0  }
0x20: {  	s4 =	sshll.u32 s28, $0x1;
	[dreg:$0x2] =	wrdreg s1  }
0x21: {  	[dreg:$0x3] =	wrdreg s4  }
0x22: {  	[dreg:$0x4] =	wrdreg $0xC0  }
0x23: {  	_ =	task [dreg:s6], $0x5FFFF  }
0x24: {  	[dreg:$0x1] =	wrdreg $0xFFFFFFFF  }
0x25: {  	[dreg:$0x0] =	wrdreg $0x60  }
0x26: {  	[dreg:$0x2] =	wrdreg s25  }
0x27: {  	[dreg:$0x3] =	wrdreg $0x9  }
0x28: {  	_ =	task.clear_ibuf [dreg:s6], $0x4FFFF;
	_ =	strace $0x90000046  }
0x29: {  	s29 =	simm.s32 $0x9;
	_ =	strace $0x80000048  }
0x2a: {  	_ =	swait.ge [sflag:s29], $0x1  }
0x2b: {  	[sflag:s29] =	ssyncadd.s32 $0xFFFFFFFF  }
0x2c: {  	_ =	strace $0x90000048  }
0x2d: {  	_ =	sfence  }
0x2e: {  	s30 =	sld [smem:$0x0];
	_ =	sdelay $0x2  }
0x2f: {  	s31 =	sshll.u32 s3, $0xD;
	s3 =	sshrl.u32 s3, $0x2  }
0x30: {  	s2 =	sand.u32 $0x4000, s31;
	s1 =	sadd.s32 s3, s30  }
0x31: {  	s0 =	sor.u32 s2, s0;
	s1 =	sshll.u32 s1, $0x11  }
0x32: {  	s0 =	sor.u32 s1, s0  }
0x33: {  	s0 =	sadd.s32 $0x8F2B, s0  }
0x34: {  	[sflag:s0] =	ssyncadd.remote.s32 $0x1  }
0x35: {  	_ =	sfence.sel $0xFFFF  }
0x36: {  	[dreg:$0x0] =	wrdreg $0xFFFFFFFF;
	(pc) =	sbr.abs _section_cstart, $3  }
0x37: {  	[dreg:$0x1] =	wrdreg $0xFFFFFFFF  }
0x38: {  	_ =	task.clear_ibuf [dreg:s6], $0x2FFFF;
	_ =	strace $0x9FFFFFFF  }
0x39: {  	(tm) =	ssettm $0x7FFFFFFF  }
tec
execute0_lowered:
.L_overlay_start_1:
0x0: {  	(tag) =	ssettag $0x1  }
0x1: {  	s0 =	srdreg.scid  }
0x2: {  	s1 =	sshll.u32 s0, $0x4  }
0x3: {  	s0 =	stileid.u32;
	s1 =	sand.u32 $0x10, s1  }
0x4: {  	s1 =	sor.u32 s0, s1  }
0x5: {  	s6 =	rddreg [dreg:$0x0];
	s7 =	simm.s32 $0x2;
	s2 =	sshll.u32 s1, $0x7  }
0x6: {  	s12 =	simm.s32 $0x0;
	s8 =	simm.s32 $0xC00;
	s1 =	ssub.s32 $0x61A80, s2  }
0x7: {  	s13 =	simm.s32 $0x0;
	s10 =	simm.s32 $0x0;
	s3 =	sand.u32 $0xF80, s1  }
0x8: {  	s11 =	simm.s32 $0x0;
	p0 =	sne.s32 s3, $0x0;
	s3 =	simm.s32 $0x1  }
.Ltmp0:
0x9: {  	s4 =	sshrl.u32 s1, $0xC;
	s3 =	simm.s32 @!p0 $0x0;
	(pc) =	sbr.rel .LBB1_1-.Ltmp0, $4  }
0xa: {  	s5 =	sadd.s32 $0x1E00, s6;
	s1 =	rddreg [dreg:$0x1];
	s4 =	sadd.s32 s3, s4  }
0xb: {  	_ =	strace $0x80000047;
	s3 =	simm.s32 $0x1;
	s4 =	smul.u32 $0x3, s4  }
0xc: {  	s6 =	sadd.s32 $0x741600, s6;
	s9 =	smov.u32 s2;
	[sflag:s3] =	ssyncpa.u1 $0x0  }
0xd: {  	p0 =	por $0x0, $0x0;
	[sflag:s7] =	ssyncpa.u1 $0x0;
	s7 =	sadd.s32 $0x1, s4  }
.LBB1_4:
0xe: {  	s16 =	sshrl.u32 s12, $0x4  }
0xf: {  	s17 =	sshll.u32 s13, $0x4;
	s16 =	smul.u32 $0x1800, s16  }
0x10: {  	s18 =	sshll.u32 s12, $0x7;
	s17 =	sand.u32 $0xFFFFF800, s17  }
0x11: {  	s23 =	sshll.u32 s13, $0x1;
	s22 =	sand.u32 $0x700, s18;
	s16 =	sadd.s32 s17, s16  }
0x12: {  	s13 =	sand.u32 $0xFE, s23;
	s16 =	sor.u32 s22, s16  }
0x13: {  	s13 =	sor.u32 s13, s16  }
0x14: {  	s24 =	sand.u32 $0x1, s12;
	v7 =	vperm.xlane.i2c.b16 v7;
	v0 =	vcombine.high v4, v0;
	s16 =	smulhi.u32 $0xAAAAAAAB, s13  }
0x15: {  	s25 =	sadd.s32 s20, s14;
	[tilespmem:s15+$0x1021 ss:$0x81] =	vst.msk $0xffff, v10;
	v56 =	vcombine.low v9, v8;
	v6 =	vperm.xlane.i2c.b16 v6;
	s12 =	sor.u32 s24, s13  }
0x16: {  	s26 =	sshrl.u32 s19, $0x1;
	[tilespmem:s15+$0x0 ss:$0x81] =	vst.msk $0xffff, v11;
	v1 =	vperm.xlane.i2c.b16 v1;
	v59 =	vperm.xlane.i2c.b16 v5;
	s27 =	smulhi.u32 $0xAAAAAAAB, s12;
	s16 =	sshrl.u32 s16, $0x8  }
0x17: {  	v3 =	vperm.xlane.i2c.b16 v3;
	[tilespmem:s15+$0x1 ss:$0x81] =	vst.msk $0xffff, v0;
	v58 =	vcombine.low v7, v6;
	s13 =	sadd.s32 s26, s25;
	s28 =	smulhi.u32 $0x14F8B59, s16  }
0x18: {  	v61 =	vcombine.low v1, v59;
	[tilespmem:s13+$0x1830 ss:$0x81] =	vst.msk $0xffff, v56;
	s29 =	sshrl.u32 s27, $0x8  }
0x19: {  	v62 =	vcombine.low v3, v2;
	[tilespmem:s13+$0x810 ss:$0x81] =	vst.msk $0xffff, v58;
	s17 =	smul.u32 $0x180, s29;
	s15 =	sshrl.u32 s28, $0xB  }
0x1a: {  	v57 =	vcombine.high v9, v8;
	[tilespmem:s13+$0x1020 ss:$0x81] =	vst.msk $0xffff, v61;
	s15 =	smul.u32 $0x61A80, s15  }
0x1b: {  	v60 =	vcombine.high v7, v6;
	[tilespmem:s13+$0x0 ss:$0x81] =	vst.msk $0xffff, v62  }
0x1c: {  	v1 =	vcombine.high v1, v59;
	[tilespmem:s13+$0x1831 ss:$0x81] =	vst.msk $0xffff, v57;
	s12 =	ssub.s32 s12, s17;
	s15 =	ssub.s32 s16, s15  }
0x1d: {  	v63 =	vcombine.high v3, v2;
	[tilespmem:s13+$0x811 ss:$0x81] =	vst.msk $0xffff, v60;
	s30 =	sshrl.u32 s12, $0x4;
	s12 =	sshll.u32 s12, $0x11;
	s15 =	smul.u32 $0x18, s15  }
0x1e: {  	[tilespmem:s13+$0x1021 ss:$0x81] =	vst.msk $0xffff, v1;
	s16 =	sadd.s32 s6, s30;
	s12 =	sand.u32 $0x1C0000, s12  }
0x1f: {  	[tilespmem:s13+$0x1 ss:$0x81] =	vst.msk $0xffff, v63;
	s12 =	sor.u32 $0x400, s12;
	s31 =	sadd.s32 s15, s16  }
0x20: {  	[hbm4b:s31+s12] =	stream.strided.scatter [tilespmem:s14], [sflag:$0x2], $0x2000, s8, s12, $0x20;
	[tilespmem:$0x8080] =	vst v63  }
.LBB1_5:
0x21: {  	s14 =	sadd.s32 $0x1000, s9  }
0x22: {  	s12 =	sadd.s32 $0x80, s10;
	s16 =	smov.u32 s10;
	p2 =	sgt.s32 s14, $0x61A7F  }
0x23: {  	s16 =	smov.u32 @p2 s12  }
0x24: {  	s14 =	smov.u32 @p2 s2;
	p2 =	sgt.s32 s16, $0x12B  }
0x25: {  	s16 =	simm.s32 @p2 $0x0;
	p2 =	sne.s32 s11, s7  }
.Ltmp1:
0x26: {  	p1 =	slt.u32 s11, $0x2;
	(pc) =	sbr.rel @!p2 .LBB1_6-.Ltmp1, $4  }
0x27: {  	s15 =	simm.s32 @!p1 $0x2  }
0x28: {  	s13 =	smov.u32 s10;
	p0 =	por !p0, !p0;
	_ =	swait.ge @!p1 [sflag:s15], $0x2000  }
0x29: {  	s12 =	smov.u32 s9;
	[sflag:s15] =	ssyncset.done @!p1 $0x0;
	s9 =	smov.u32 s14  }
0x2a: {  	s11 =	sadd.s32 $0x1, s11;
	[sflag:s15] =	ssyncadd.s32 @!p1 $0xFFFFE000;
	s10 =	smov.u32 s16  }
.LBB1_1:
0x2b: {  	p1 =	sge.u32 s11, s4  }
0x2c: {  	s31 =	sadd.s32 $0xFFFFFFFF, s11;
	s14 =	sshrl.u32 @!p1 s10, $0x3  }
0x2d: {  	s15 =	sshll.u32 @!p1 s9, $0x3;
	s16 =	sshll.u32 @!p1 s10, $0x7;
	p2 =	sgt.s32 @!p1 s10, $0xB0  }
0x2e: {  	s17 =	sshra.s32 @!p1 s10, $0x1F;
	s18 =	sshra.s32 @!p1 s9, $0x1F;
	s14 =	smul.u32 @!p1 $0x30D400, s14  }
0x2f: {  	s15 =	sand.u32 @!p1 $0xFFFFFC00, s15;
	p2 =	por !p2, p1;
	s17 =	sand.u32 @!p1 s17, s10  }
0x30: {  	s14 =	sadd.s32 @!p1 s14, s15;
	s15 =	sand.u32 @!p1 $0x300, s16;
	s16 =	sshll.u32 @!p1 s9, $0x1  }
0x31: {  	s14 =	sor.u32 @!p1 s15, s14;
	s15 =	sand.u32 @!p1 $0xFE, s16;
	s16 =	smov.u32 s10  }
0x32: {  	s18 =	sand.u32 @!p1 s18, s9;
	s14 =	sor.u32 @!p1 s15, s14;
	s16 =	simm.s32 @p2 $0xB0  }
0x33: {  	p2 =	sgt.s32 @!p1 s9, $0x61A00;
	s15 =	sshrl.u32 @!p1 s14, $0x7;
	s16 =	ssub.s32 @!p1 s16, s17  }
0x34: {  	p2 =	por !p2, p1;
	s17 =	smov.u32 s9;
	s15 =	smulhi.u32 @!p1 $0x14F8B59, s15  }
0x35: {  	s19 =	sadd.s32 @!p1 $0xFFFFFF50, s16;
	s17 =	simm.s32 @p2 $0x61A00;
	s16 =	ssub.s32 @!p1 $0x130, s16  }
0x36: {  	p2 =	sgt.s32 @!p1 s19, $0x7F;
	s17 =	ssub.s32 @!p1 s17, s18;
	s15 =	sshrl.u32 @!p1 s15, $0x4  }
0x37: {  	p2 =	por !p2, p1;
	s18 =	sadd.s32 @!p1 $0xFFF9E600, s17;
	s20 =	smul.u32 @!p1 $0x6BCB, s15  }
0x38: {  	s17 =	ssub.s32 @!p1 $0x61A80, s17;
	s16 =	simm.s32 @!p2 $0x0;
	p2 =	sgt.s32 @!p1 s18, $0x7F  }
0x39: {  	p2 =	por !p2, p1;
	s19 =	sshrl.u32 @!p1 s20, $0x17;
	s20 =	smul.u32 @!p1 $0x61A80, s15  }
0x3a: {  	s17 =	simm.s32 @!p2 $0x0;
	s18 =	smul.u32 @!p1 $0x130, s19;
	s19 =	sand.u32 @!p1 $0x1, s10  }
0x3b: {  	s16 =	smul.u32 @!p1 s16, s17;
	s17 =	sxor.u32 @!p1 $0xFFFFFFFF, s11;
	s14 =	sor.u32 @!p1 s19, s14  }
0x3c: {  	s17 =	sshll.u32 @!p1 s17, $0xD;
	s15 =	ssub.s32 @!p1 s15, s18;
	s14 =	ssub.s32 @!p1 s14, s20  }
0x3d: {  	s16 =	sshrl.u32 @!p1 s16, $0x1;
	s17 =	sand.u32 @!p1 $0x2000, s17;
	s15 =	sand.u32 @!p1 $0xFFFF, s15  }
0x3e: {  	s18 =	sshrl.u32 @!p1 s14, $0x4;
	s14 =	sshll.u32 @!p1 s14, $0x11;
	s15 =	smul.u32 @!p1 $0x61A8, s15  }
0x3f: {  	s16 =	sand.u32 @!p1 $0x3FFFFFFF, s16;
	s18 =	sadd.s32 @!p1 s5, s18;
	s14 =	sand.u32 @!p1 $0x1C0000, s14  }
0x40: {  	s14 =	sor.u32 @!p1 $0x200, s14;
	s15 =	sadd.s32 @!p1 s15, s18;
	s18 =	simm.s32 @!p1 $0x186A00  }
0x41: {  	[tilespmem:s17], [sflag:$0x1] =	stream.strided.gather @!p1 [hbm4b:s15+s14], s16, s18, s14, $0x38;
	[tilespmem:$0x8080] =	vst v63  }
0x42: {  	p1 =	sge.u32 s31, s4  }
.Ltmp2:
0x43: {  	_ = 	snop;
	(pc) =	sbr.rel @p1 .LBB1_5-.Ltmp2, $1  }
0x44: {  	_ =	sdelay $0x3  }
0x45: {  	p1 =	sgt.s32 s13, $0xB0  }
0x46: {  	s14 =	smov.u32 s13;
	s15 =	sshra.s32 s13, $0x1F;
	s16 =	smov.u32 s12  }
0x47: {  	s17 =	sshra.s32 s12, $0x1F;
	s14 =	simm.s32 @!p1 $0xB0;
	p1 =	sgt.s32 s12, $0x61A00  }
0x48: {  	s15 =	sand.u32 s15, s13;
	s25 =	sand.u32 s17, s12;
	s16 =	simm.s32 @!p1 $0x61A00  }
0x49: {  	s14 =	ssub.s32 s14, s15;
	s15 =	ssub.s32 s16, s25  }
0x4a: {  	s26 =	sadd.s32 $0xFFFFFF50, s14;
	s14 =	ssub.s32 $0x130, s14;
	s16 =	sadd.s32 $0xFFF9E600, s15  }
0x4b: {  	p1 =	sgt.s32 s26, $0x7F;
	s15 =	ssub.s32 $0x61A80, s15;
	p2 =	sgt.s32 s16, $0x7F  }
0x4c: {  	s14 =	simm.s32 @p1 $0x0;
	s15 =	simm.s32 @p2 $0x0  }
0x4d: {  	s14 =	smul.u32 s14, s15;
	_ =	sdelay $0x1  }
0x4e: {  	s14 =	sshrl.u32 s14, $0x1  }
0x4f: {  	s15 =	simm.s32 $0x1;
	s14 =	sand.u32 $0x3FFFFFFF, s14  }
0x50: {  	s15 =	simm.s32 @!p0 $0x0;
	_ =	swait.ge [sflag:s3], s14  }
0x51: {  	s15 =	sshll.u32 s15, $0xD;
	s14 =	ssub.s32 $0x0, s14;
	[sflag:s3] =	ssyncset.done $0x0  }
0x52: {  	s15 =	sor.u32 $0x40, s15;
	[sflag:s3] =	ssyncadd.s32 s14  }
0x53: {  	v0 =	vld [tilespmem:s15+$0x20]  }
0x54: {  	v1 =	vld [tilespmem:s15+$0x30]  }
0x55: {  	v2 =	vld [tilespmem:s15+$0xFFFFFFD0]  }
0x56: {  	v5 =	vld [tilespmem:s15+$0x0]  }
0x57: {  	v6 =	vld [tilespmem:s15+$0x10]  }
0x58: {  	s27 =	sand.u32 $0x1, s11;
	v3 =	vld [tilespmem:s15+$0xFFFFFFE0]  }
0x59: {  	s14 =	smul.u32 $0x8100, s27;
	v4 =	vld [tilespmem:s15+$0xFFFFFFF0]  }
0x5a: {  	s28 =	simm.s32 $0x0;
	v1 =	vperm.xlane.i2c.b16 v1  }
0x5b: {  	s29 =	sand.u32 $0x7C, s28;
	s18 =	sadd.s32 $0x80, s15;
	v8 =	vld [tilespmem:s15+$0xFFFFFFC0];
	s14 =	sshrl.u32 s14, $0x2;
	v7 =	vperm.xlane.i2c.b16 v0;
	v0 =	vperm.xlane.i2c.b16 v2  }
0x5c: {  	s30 =	sand.u32 $0x80, s28;
	s31 =	sshrl.u32 s29, $0x1;
	v11 =	vld [tilespmem:s18+$0x30];
	s14 =	sor.u32 $0x4000, s14;
	v5 =	vperm.xlane.i2c.b16 v5;
	v13 =	vperm.xlane.i2c.b16 v6  }
0x5d: {  	s15 =	sshrl.u32 s30, $0x1;
	s16 =	sadd.s32 s31, s14;
	v2 =	vld [tilespmem:s18+$0x20];
	v3 =	vperm.xlane.i2c.b16 v3;
	v9 =	vcombine.low v7, v1  }
0x5e: {  	v12 =	vld [tilespmem:s18+$0xFFFFFFD0];
	s15 =	sadd.s32 s15, s16;
	v10 =	vperm.xlane.i2c.b16 v4;
	v14 =	vcombine.low v5, v13  }
0x5f: {  	v1 =	vcombine.high v7, v1;
	v7 =	vld [tilespmem:s18+$0xFFFFFFE0];
	[tilespmem:s15+$0x1830 ss:$0x81] =	vst.msk $0xffff, v9  }
0x60: {  	v6 =	vld [tilespmem:s18+$0xFFFFFFF0];
	v4 =	vperm.xlane.i2c.b16 v8;
	v9 =	vcombine.low v3, v10;
	[tilespmem:s15+$0x1020 ss:$0x81] =	vst.msk $0xffff, v14  }
0x61: {  	s16 =	simm.s32 $0x4;
	v8 =	vperm.xlane.i2c.b16 v11;
	v3 =	vcombine.high v3, v10;
	[tilespmem:s15+$0x1831 ss:$0x81] =	vst.msk $0xffff, v1;
	v1 =	vld [tilespmem:s18+$0x0]  }
0x62: {  	s17 =	simm.s32 $0x2;
	s20 =	sand.u32 $0x7C, s16;
	v10 =	vcombine.high v5, v13;
	v5 =	vld [tilespmem:s18+$0x10];
	[tilespmem:s15+$0x810 ss:$0x81] =	vst.msk $0xffff, v9;
	v9 =	vperm.xlane.i2c.b16 v2  }
0x63: {  	s19 =	sand.u32 $0x80, s16;
	s20 =	sshrl.u32 s20, $0x1;
	v11 =	vcombine.low v4, v0;
	v2 =	vperm.xlane.i2c.b16 v12;
	[tilespmem:s15+$0x811 ss:$0x81] =	vst.msk $0xffff, v3;
	v3 =	vld [tilespmem:s18+$0xFFFFFFC0];
	s18 =	sadd.s32 $0x80, s18  }
.LBB1_3:
0x64: {  	v12 =	vld [tilespmem:s18+$0x20];
	s20 =	sadd.s32 s20, s14;
	s19 =	sshrl.u32 s19, $0x1;
	v13 =	vperm.xlane.i2c.b16 v7;
	v7 =	vcombine.low v9, v8;
	[tilespmem:s15+$0x1021 ss:$0x81] =	vst.msk $0xffff, v10  }
0x65: {  	v10 =	vperm.xlane.i2c.b16 v6;
	v6 =	vcombine.high v9, v8;
	s17 =	sadd.s32 $0x2, s17;
	v14 =	vld [tilespmem:s18+$0x30];
	s19 =	sadd.s32 s19, s20;
	[tilespmem:s15+$0x0 ss:$0x81] =	vst.msk $0xffff, v11  }
0x66: {  	v8 =	vperm.xlane.i2c.b16 v1;
	v1 =	vcombine.high v4, v0;
	v0 =	vmov v2;
	p1 =	slt.u32 s17, $0x7E;
	v11 =	vld [tilespmem:s18+$0xFFFFFFD0];
	[tilespmem:s19+$0x1830 ss:$0x81] =	vst.msk $0xffff, v7  }
.Ltmp3:
0x67: {  	v5 =	vperm.xlane.i2c.b16 v5;
	v2 =	vcombine.low v13, v10;
	v7 =	vld [tilespmem:s18+$0xFFFFFFE0];
	[tilespmem:s19+$0x1831 ss:$0x81] =	vst.msk $0xffff, v6;
	(pc) =	sbr.rel @p1 .LBB1_3-.Ltmp3, $4  }
0x68: {  	v4 =	vperm.xlane.i2c.b16 v3;
	v3 =	vcombine.high v13, v10;
	v6 =	vld [tilespmem:s18+$0xFFFFFFF0];
	[tilespmem:s15+$0x1 ss:$0x81] =	vst.msk $0xffff, v1;
	s15 =	smov.u32 s19  }
0x69: {  	s16 =	sadd.s32 $0x4, s16;
	v13 =	vcombine.low v8, v5;
	v10 =	vcombine.high v8, v5;
	v1 =	vld [tilespmem:s18+$0x0];
	[tilespmem:s15+$0x810 ss:$0x81] =	vst.msk $0xffff, v2  }
0x6a: {  	s20 =	sand.u32 $0x7C, s16;
	v9 =	vperm.xlane.i2c.b16 v12;
	v5 =	vld [tilespmem:s18+$0x10];
	v8 =	vperm.xlane.i2c.b16 v14;
	[tilespmem:s15+$0x811 ss:$0x81] =	vst.msk $0xffff, v3  }
0x6b: {  	s20 =	sshrl.u32 s20, $0x1;
	s19 =	sand.u32 $0x80, s16;
	v3 =	vld [tilespmem:s18+$0xFFFFFFC0];
	v2 =	vperm.xlane.i2c.b16 v11;
	s18 =	sadd.s32 $0x80, s18;
	v11 =	vcombine.low v4, v0;
	[tilespmem:s15+$0x1020 ss:$0x81] =	vst.msk $0xffff, v13  }
.Ltmp4:
0x6c: {  	_ = 	snop;
	(pc) =	sbr.rel .LBB1_4-.Ltmp4, $1  }
0x6d: {  	_ =	sdelay $0x3  }
.LBB1_6:
0x6e: {  	_ =	sfence.sel $0x180000  }
0x6f: {  	s2 =	simm.s32 $0x1;
	[bflag:$0x0] =	sbarrier.arrive $0xFFFF  }
0x70: {  	s31 =	simm.s32 $0x2;
	[sflag:s2] =	ssyncpa.u1 $0x1  }
0x71: {  	[sflag:s31] =	ssyncpa.u1 $0x1  }
0x72: {  	p0 =	sne.s32 s0, $0x0;
	_ =	strace $0x90000047  }
0x73: {  	s0 =	sadd.s32 @!p0 $0x100000, s1;
	[bflag:$0x2] =	sbarrier.arrive $0xFFFF  }
0x74: {  	[sflag:s0] =	ssyncadd.tile.s32 @!p0 $0x1;
	_ =	shalt  }
.Lfunc_end1:
_tile_overlayer_lowered:
.L_overlay_start_2:
0x75: {  	(tag) =	ssettag $0x2  }
0x76: {  	s0 =	rddreg [dreg:$0x0];
	s2 =	stileid.u32  }
0x77: {  	s1 =	rddreg [dreg:$0x1];
	p0 =	sne.s32 s2, $0x0  }
0x78: {  	s3 =	rddreg [dreg:$0x2];
	[bflag:$0x3] =	sbarrier.arrive $0xFFFF;
	s2 =	simm.s32 @!p0 $0x1C01  }
0x79: {  	[timem:s3], [sflag:s2] =	dma.local @!p0 [hbm:s0], s1  }
0x7a: {  	s0 =	simm.s32 @!p0 $0x1  }
0x7b: {  	_ =	swait.ge @!p0 [sflag:s0], s1  }
0x7c: {  	s1 =	ssub.s32 @!p0 $0x0, s1;
	[sflag:s0] =	ssyncset.done @!p0 $0x0  }
0x7d: {  	[sflag:s0] =	ssyncadd.s32 @!p0 s1  }
0x7e: {  	[bflag:$0x3] =	sbarrier.arrive $0xFFFF  }
0x7f: {  	_ =	shalt  }

// kernel: sparse-core-data-format-call.cloned.1.call-start
scs
called_computation_lowered:
.L_overlay_start_0:
0x0: {  	s1 =	sld [smem:$0x3FD9]  }
0x1: {  	s2 =	sld [smem:$0x3FFE];
	_ =	sdelay $0x1  }
0x2: {  	s3 =	srdreg.scid  }
0x3: {  	s0 =	sand.u32 $0x1, s3  }
0x4: {  	s17 =	sshll.u32 s0, $0xA;
	s1 =	sadd.s32 s2, s1  }
0x5: {  	s1 =	sadd.s32 s1, s17  }
0x6: {  	[smem:$0x3FC0] =	sst s1  }
0x7: {  	_ = 	snop  }
0x8: {  	(tm) =	ssettm $0x1  }
0x9: {  	s18 =	sld [smem:$0x3FFB];
	_ =	sdelay $0x3  }
0xa: {  	_ =	strace s18  }
0xb: {  	s1 =	sld [smem:$0x3FFC];
	_ =	sdelay $0x3  }
0xc: {  	_ =	strace s1  }
0xd: {  	s1 =	sld [smem:$0x3FFD];
	_ =	sdelay $0x3  }
0xe: {  	_ =	strace s1  }
0xf: {  	_ =	strace $0x8FFFFFFF  }
0x10: {  	s19 =	sld [smem:$0x3FDB];
	_ =	sdelay $0x1  }
0x11: {  	s20 =	simm.s32 $_scs_section_size  }
0x12: {  	s4 =	simm.s32 $_size__tile_overlayer_lowered;
	s5 =	simm.s32 $_tile_overlayer_lowered  }
0x13: {  	s23 =	simm.s32 $0x1BFF;
	s22 =	sshll.u32 s5, $0x1;
	s1 =	sadd.s32 s20, s19  }
0x14: {  	s6 =	simm.s32 $0x0;
	s21 =	sshll.u32 s4, $0x1;
	s4 =	sadd.s32 s22, s1  }
0x15: {  	[timem:s6], [sflag:s23] =	dma.local [hbm:s4], s21  }
0x16: {  	_ =	swait.ge [sflag:s23], s21  }
0x17: {  	s2 =	ssub.s32 $0x0, s21;
	[sflag:s23] =	ssyncset.done $0x0  }
0x18: {  	[sflag:s23] =	ssyncadd.s32 s2;
	_ =	sdelay $0x1  }
0x19: {  	s24 =	simm.s32 $0x1B8B  }
0x1a: {  	_ =	swait.ge [sflag:s24], $0x1  }
0x1b: {  	[sflag:s24] =	ssyncset.done $0x0  }
0x1c: {  	s26 =	simm.s32 $0x1B8E;
	s25 =	sld [smem:$0x3FFE];
	[sflag:s24] =	ssyncadd.s32 $0xFFFFFFFF  }
0x1d: {  	s27 =	simm.s32 $execute0_lowered;
	[smem:$0x3FD2] =	sst s26  }
0x1e: {  	s4 =	sshll.u32 s27, $0x1;
	_ =	strace $0x80000049;
	[dreg:$0x1] =	wrdreg $0xFFFFFFFF  }
0x1f: {  	s28 =	simm.s32 $_size_execute0_lowered;
	s1 =	sadd.s32 s1, s4;
	[dreg:$0x0] =	wrdreg $0x0  }
0x20: {  	s4 =	sshll.u32 s28, $0x1;
	[dreg:$0x2] =	wrdreg s1  }
0x21: {  	[dreg:$0x3] =	wrdreg s4  }
0x22: {  	[dreg:$0x4] =	wrdreg $0xC0  }
0x23: {  	_ =	task [dreg:s6], $0x5FFFF  }
0x24: {  	[dreg:$0x1] =	wrdreg $0xFFFFFFFF  }
0x25: {  	[dreg:$0x0] =	wrdreg $0x60  }
0x26: {  	[dreg:$0x2] =	wrdreg s25  }
0x27: {  	[dreg:$0x3] =	wrdreg $0x9  }
0x28: {  	_ =	task.clear_ibuf [dreg:s6], $0x4FFFF;
	_ =	strace $0x90000049  }
0x29: {  	s29 =	simm.s32 $0x9;
	_ =	strace $0x8000004B  }
0x2a: {  	_ =	swait.ge [sflag:s29], $0x1  }
0x2b: {  	[sflag:s29] =	ssyncadd.s32 $0xFFFFFFFF  }
0x2c: {  	_ =	strace $0x9000004B  }
0x2d: {  	_ =	sfence  }
0x2e: {  	s30 =	sld [smem:$0x0];
	_ =	sdelay $0x2  }
0x2f: {  	s31 =	sshll.u32 s3, $0xD;
	s3 =	sshrl.u32 s3, $0x2  }
0x30: {  	s2 =	sand.u32 $0x4000, s31;
	s1 =	sadd.s32 s3, s30  }
0x31: {  	s0 =	sor.u32 s2, s0;
	s1 =	sshll.u32 s1, $0x11  }
0x32: {  	s0 =	sor.u32 s1, s0  }
0x33: {  	s0 =	sadd.s32 $0x8F2B, s0  }
0x34: {  	[sflag:s0] =	ssyncadd.remote.s32 $0x1  }
0x35: {  	_ =	sfence.sel $0xFFFF  }
0x36: {  	[dreg:$0x0] =	wrdreg $0xFFFFFFFF;
	(pc) =	sbr.abs _section_cstart, $3  }
0x37: {  	[dreg:$0x1] =	wrdreg $0xFFFFFFFF  }
0x38: {  	_ =	task.clear_ibuf [dreg:s6], $0x2FFFF;
	_ =	strace $0x9FFFFFFF  }
0x39: {  	(tm) =	ssettm $0x7FFFFFFF  }
tec
execute0_lowered:
.L_overlay_start_1:
0x0: {  	(tag) =	ssettag $0x1  }
0x1: {  	s0 =	srdreg.scid  }
0x2: {  	s5 =	rddreg [dreg:$0x0];
	s1 =	stileid.u32;
	s4 =	simm.s32 $0x1  }
0x3: {  	s6 =	simm.s32 $0x2;
	s8 =	simm.s32 $0x0;
	s2 =	sshll.u32 s0, $0x4  }
0x4: {  	s9 =	simm.s32 $0x0;
	s13 =	simm.s32 $0x0;
	s2 =	sand.u32 $0x10, s2  }
.Ltmp0:
0x5: {  	s10 =	simm.s32 $0x0;
	s3 =	sor.u32 s1, s2;
	(pc) =	sbr.rel .LBB1_1-.Ltmp0, $4  }
0x6: {  	s0 =	rddreg [dreg:$0x1];
	_ =	strace $0x8000004A;
	s3 =	sshll.u32 s3, $0x4  }
0x7: {  	s12 =	simm.s32 $0x0;
	[sflag:s4] =	ssyncpa.u1 $0x0;
	s7 =	ssub.s32 $0xF420, s3  }
0x8: {  	s2 =	sadd.s32 $0x7A3000, s5;
	[sflag:s6] =	ssyncpa.u1 $0x0;
	s6 =	sshrl.u32 s7, $0x9  }
0x9: {  	s5 =	sadd.s32 $0x1E00, s5;
	s11 =	smov.u32 s3;
	s7 =	sadd.s32 $0x2, s6  }
.LBB1_7:
0xa: {  	s15 =	sshll.u32 s12, $0xF  }
0xb: {  	s15 =	sand.u32 $0x8000, s15  }
0xc: {  	s16 =	sshll.u32 s10, $0x7;
	s15 =	sshrl.u32 s15, $0x1  }
0xd: {  	s16 =	sadd.s32 s5, s16;
	s15 =	sor.u32 $0x8000, s15  }
0xe: {  	[hbm4b:s16+s8] =	stream.linear.scatter [tilespmem:s15], [sflag:$0x2], s14, $0x38;
	[tilespmem:$0x10000] =	vst v63  }
.LBB1_8:
0xf: {  	p0 =	slt.u32 s12, $0x2  }
0x10: {  	p1 =	sgt.s32 @!p0 s13, $0xF414  }
0x11: {  	s14 =	smov.u32 s13;
	s15 =	sshra.s32 @!p0 s13, $0x1F;
	p1 =	por !p1, p0  }
0x12: {  	s13 =	sand.u32 @!p0 s15, s13;
	s14 =	simm.s32 @p1 $0xF414  }
0x13: {  	s13 =	ssub.s32 @!p0 s14, s13  }
0x14: {  	s13 =	sadd.s32 @!p0 $0xFFFF0BEC, s13  }
0x15: {  	s14 =	sshll.u32 @!p0 s13, $0xC  }
0x16: {  	p1 =	sgt.s32 @!p0 s13, $0xF;
	s13 =	ssub.s32 @!p0 $0x10000, s14  }
0x17: {  	s15 =	sadd.s32 $0x200, s11;
	p1 =	por !p1, p0;
	s13 =	sshrl.u32 @!p0 s13, $0x2  }
0x18: {  	s13 =	simm.s32 @!p1 $0x0;
	p1 =	sgt.s32 s15, $0xF423  }
0x19: {  	s15 =	smov.u32 @p1 s3;
	p1 =	sne.s32 s12, s7  }
.Ltmp1:
0x1a: {  	_ = 	snop;
	(pc) =	sbr.rel @!p1 .LBB1_9-.Ltmp1, $4  }
0x1b: {  	s14 =	simm.s32 @!p0 $0x2  }
0x1c: {  	s9 =	sadd.s32 $0x8000, s9;
	_ =	swait.ge @!p0 [sflag:s14], s13;
	s16 =	ssub.s32 @!p0 $0x0, s13  }
0x1d: {  	s13 =	smov.u32 s10;
	s12 =	sadd.s32 $0x1, s12;
	[sflag:s14] =	ssyncset.done @!p0 $0x0  }
0x1e: {  	s10 =	smov.u32 s11;
	s11 =	smov.u32 s15;
	[sflag:s14] =	ssyncadd.s32 @!p0 s16  }
.LBB1_1:
0x1f: {  	p0 =	sgt.u32 s12, s6  }
0x20: {  	p1 =	sgt.s32 @!p0 s11, $0xF414  }
0x21: {  	s14 =	smov.u32 s11;
	s15 =	sshra.s32 @!p0 s11, $0x1F;
	p1 =	por !p1, p0  }
0x22: {  	s15 =	sand.u32 @!p0 s15, s11;
	s14 =	simm.s32 @p1 $0xF414  }
0x23: {  	s14 =	ssub.s32 @!p0 s14, s15  }
0x24: {  	s14 =	sadd.s32 @!p0 $0xFFFF0BEC, s14  }
0x25: {  	s16 =	sshll.u32 @!p0 s11, $0x7;
	s17 =	simm.s32 @!p0 $0x0;
	s15 =	sshll.u32 @!p0 s14, $0xC  }
0x26: {  	p1 =	sgt.s32 @!p0 s14, $0xF;
	s14 =	ssub.s32 @!p0 $0x10000, s15;
	s15 =	sxor.u32 @!p0 $0xFFFFFFFF, s12  }
0x27: {  	p1 =	por !p1, p0;
	s14 =	sshrl.u32 @!p0 s14, $0x2;
	s15 =	sshll.u32 @!p0 s15, $0xE  }
0x28: {  	s16 =	sadd.s32 @!p0 s2, s16;
	s14 =	simm.s32 @!p1 $0x0;
	s15 =	sand.u32 @!p0 $0x4000, s15  }
0x29: {  	[tilespmem:s15], [sflag:$0x1] =	stream.linear.gather @!p0 [hbm4b:s16+s17], s14, $0x38;
	[tilespmem:$0x10000] =	vst v63  }
0x2a: {  	p0 =	seq.s32 s12, $0x0  }
0x2b: {  	p1 =	sge.u32 @!p0 s12, s7  }
0x2c: {  	p0 =	por p0, p1  }
.Ltmp2:
0x2d: {  	_ = 	snop;
	(pc) =	sbr.rel @p0 .LBB1_8-.Ltmp2, $1  }
0x2e: {  	_ =	sdelay $0x3  }
0x2f: {  	p0 =	sgt.s32 s10, $0xF414;
	s14 =	smov.u32 s10;
	s15 =	sshra.s32 s10, $0x1F  }
0x30: {  	s14 =	simm.s32 @!p0 $0xF414;
	s15 =	sand.u32 s15, s10  }
0x31: {  	s14 =	ssub.s32 s14, s15  }
0x32: {  	s16 =	sadd.s32 $0x10, s10;
	s14 =	sadd.s32 $0xFFFF0BEC, s14  }
0x33: {  	p1 =	slt.s32 s16, $0xF424;
	s30 =	sshll.u32 s14, $0xC  }
0x34: {  	s16 =	simm.s32 @!p1 $0xF424;
	s15 =	ssub.s32 $0x10000, s30  }
0x35: {  	p0 =	sgt.s32 s14, $0xF;
	s14 =	sshrl.u32 s15, $0x2;
	s15 =	ssub.s32 s16, s10  }
0x36: {  	s14 =	simm.s32 @p0 $0x0;
	p0 =	slt.s32 s15, $0x1  }
.Ltmp3:
0x37: {  	_ = 	snop;
	(pc) =	sbr.rel @p0 .LBB1_7-.Ltmp3, $4  }
0x38: {  	_ = 	snop  }
0x39: {  	_ =	swait.ge [sflag:s4], s14  }
0x3a: {  	s31 =	ssub.s32 $0x0, s14;
	[sflag:s4] =	ssyncset.done $0x0  }
0x3b: {  	[sflag:s4] =	ssyncadd.s32 s31  }
0x3c: {  	s16 =	sshrl.u32 s9, $0x1  }
0x3d: {  	s17 =	sand.u32 $0x4000, s16  }
0x3e: {  	s18 =	simm.s32 $0x0;
	s16 =	sor.u32 $0x200, s17;
	s17 =	sor.u32 $0x8080, s17  }
.LBB1_4:
0x3f: {  	v0 =	vld [tilespmem:s16+$0xFFFFFE70]  }
0x40: {  	v1 =	vld [tilespmem:s16+$0x70]  }
0x41: {  	v2 =	vld [tilespmem:s16+$0x0]  }
0x42: {  	v3 =	vld [tilespmem:s16+$0xFFFFFE10]  }
0x43: {  	v4 =	vld [tilespmem:s16+$0x10]  }
0x44: {  	v5 =	vld [tilespmem:s16+$0xFFFFFE20]  }
0x45: {  	v7 =	vld [tilespmem:s16+$0x20]  }
0x46: {  	v11 =	vld [tilespmem:s16+$0x30];
	v6 =	vunpack.i.l.s16.s32 v0;
	v8 =	vunpack.i.u.s16.s32 v0;
	v9 =	vunpack.i.u.s16.s32 v1  }
0x47: {  	v10 =	vunpack.i.l.s16.s32 v1;
	v0 =	vunpack.i.u.s16.s32 v2;
	v1 =	vunpack.i.l.s16.s32 v2;
	v2 =	vld [tilespmem:s16+$0xFFFFFE30]  }
0x48: {  	v8 =	vpack.i.b32.b16 v9, v8;
	v9 =	vunpack.i.u.s16.s32 v3;
	v3 =	vunpack.i.l.s16.s32 v3  }
0x49: {  	v12 =	vld [tilespmem:s16+$0xFFFFFE40];
	v6 =	vpack.i.b32.b16 v10, v6;
	[tilespmem:s17+$0x70] =	vst v8;
	v8 =	vunpack.i.u.s16.s32 v4;
	v4 =	vunpack.i.l.s16.s32 v4  }
0x4a: {  	v13 =	vld [tilespmem:s16+$0x40];
	v10 =	vunpack.i.u.s16.s32 v5;
	v5 =	vunpack.i.l.s16.s32 v5;
	[tilespmem:s17+$0xFFFFFFF0] =	vst v6;
	v3 =	vpack.i.b32.b16 v4, v3  }
0x4b: {  	v6 =	vunpack.i.l.s16.s32 v7;
	v4 =	vld [tilespmem:s16+$0xFFFFFE50];
	[tilespmem:s17+$0xFFFFFF90] =	vst v3;
	v3 =	vpack.i.b32.b16 v8, v9;
	v8 =	vunpack.i.u.s16.s32 v7  }
0x4c: {  	v7 =	vunpack.i.l.s16.s32 v11;
	[tilespmem:s17+$0x10] =	vst v3;
	v3 =	vpack.i.b32.b16 v6, v5;
	v9 =	vunpack.i.u.s16.s32 v2;
	v6 =	vld [tilespmem:s16+$0x50]  }
0x4d: {  	v5 =	vunpack.i.l.s16.s32 v2;
	v2 =	vld [tilespmem:s16+$0xFFFFFE60];
	[tilespmem:s17+$0xFFFFFFA0] =	vst v3;
	v3 =	vpack.i.b32.b16 v8, v10;
	v10 =	vunpack.i.u.s16.s32 v11  }
0x4e: {  	s21 =	simm.s32 $0x0;
	v11 =	vpack.i.b32.b16 v7, v5;
	v7 =	vunpack.i.u.s16.s32 v12;
	v8 =	vunpack.i.l.s16.s32 v12;
	[tilespmem:s17+$0x20] =	vst v3;
	v3 =	vld [tilespmem:s16+$0x60]  }
0x4f: {  	s22 =	sadd.s32 $0x80, s16;
	s20 =	smov.u32 s17;
	s19 =	smov.u32 s17;
	v5 =	vld [tilespmem:s16+$0xFFFFFE00];
	[tilespmem:s17+$0xFFFFFFB0] =	vst v11;
	v10 =	vpack.i.b32.b16 v10, v9;
	v9 =	vunpack.i.u.s16.s32 v13;
	v11 =	vunpack.i.l.s16.s32 v13  }
.LBB1_5:
0x50: {  	v12 =	vld [tilespmem:s22+$0xFFFFFE70];
	[tilespmem:s20+$0x30] =	vst v10;
	v8 =	vpack.i.b32.b16 v11, v8;
	v10 =	vunpack.i.u.s16.s32 v4;
	v4 =	vunpack.i.l.s16.s32 v4  }
0x51: {  	s21 =	sadd.s32 $0x2, s21;
	v7 =	vpack.i.b32.b16 v9, v7;
	v11 =	vld [tilespmem:s22+$0x70];
	[tilespmem:s20+$0xFFFFFFC0] =	vst v8;
	v8 =	vunpack.i.u.s16.s32 v6;
	v6 =	vunpack.i.l.s16.s32 v6  }
0x52: {  	p0 =	slt.u32 s21, $0x6;
	v9 =	vld [tilespmem:s22+$0x0];
	[tilespmem:s20+$0x40] =	vst v7;
	v4 =	vpack.i.b32.b16 v6, v4;
	v6 =	vunpack.i.u.s16.s32 v2;
	v2 =	vunpack.i.l.s16.s32 v2  }
0x53: {  	v7 =	vld [tilespmem:s22+$0xFFFFFE10];
	[tilespmem:s20+$0xFFFFFFD0] =	vst v4;
	v4 =	vpack.i.b32.b16 v8, v10;
	v8 =	vunpack.i.u.s16.s32 v3;
	v3 =	vunpack.i.l.s16.s32 v3  }
0x54: {  	v10 =	vld [tilespmem:s22+$0x10];
	v13 =	vunpack.i.u.s16.s32 v5;
	v5 =	vunpack.i.l.s16.s32 v5;
	[tilespmem:s20+$0x50] =	vst v4;
	v2 =	vpack.i.b32.b16 v3, v2  }
0x55: {  	v3 =	vld [tilespmem:s22+$0xFFFFFE20];
	v4 =	vunpack.i.l.s16.s32 v12;
	v1 =	vpack.i.b32.b16 v1, v5;
	v5 =	vpack.i.b32.b16 v0, v13;
	[tilespmem:s20+$0xFFFFFFE0] =	vst v2  }
0x56: {  	v12 =	vunpack.i.u.s16.s32 v12;
	v2 =	vld [tilespmem:s22+$0x20];
	v13 =	vunpack.i.u.s16.s32 v11;
	v11 =	vunpack.i.l.s16.s32 v11;
	[tilespmem:s20+$0xFFFFFF80] =	vst v1  }
0x57: {  	s20 =	sadd.s32 $0x100, s20;
	v0 =	vunpack.i.u.s16.s32 v9;
	v1 =	vunpack.i.l.s16.s32 v9;
	v9 =	vld [tilespmem:s22+$0xFFFFFE30];
	v12 =	vpack.i.b32.b16 v13, v12;
	[tilespmem:s19+$0x0] =	vst v5  }
0x58: {  	v6 =	vpack.i.b32.b16 v8, v6;
	v5 =	vunpack.i.u.s16.s32 v7;
	v7 =	vunpack.i.l.s16.s32 v7;
	v13 =	vld [tilespmem:s22+$0x30];
	[tilespmem:s20+$0x70] =	vst v12  }
0x59: {  	v4 =	vpack.i.b32.b16 v11, v4;
	v8 =	vunpack.i.u.s16.s32 v10;
	v10 =	vunpack.i.l.s16.s32 v10;
	v12 =	vld [tilespmem:s22+$0xFFFFFE40];
	[tilespmem:s19+$0x60] =	vst v6;
	s19 =	smov.u32 s20  }
0x5a: {  	v6 =	vpack.i.b32.b16 v10, v7;
	v7 =	vunpack.i.u.s16.s32 v3;
	v3 =	vunpack.i.l.s16.s32 v3;
	v11 =	vld [tilespmem:s22+$0x40];
	[tilespmem:s20+$0xFFFFFFF0] =	vst v4  }
.Ltmp4:
0x5b: {  	v5 =	vpack.i.b32.b16 v8, v5;
	[tilespmem:s20+$0xFFFFFF90] =	vst v6;
	v8 =	vunpack.i.u.s16.s32 v2;
	v2 =	vunpack.i.l.s16.s32 v2;
	v4 =	vld [tilespmem:s22+$0xFFFFFE50];
	(pc) =	sbr.rel @p0 .LBB1_5-.Ltmp4, $4  }
0x5c: {  	[tilespmem:s20+$0x10] =	vst v5;
	v2 =	vpack.i.b32.b16 v2, v3;
	v10 =	vunpack.i.u.s16.s32 v9;
	v3 =	vunpack.i.l.s16.s32 v9;
	v6 =	vld [tilespmem:s22+$0x50]  }
0x5d: {  	v5 =	vpack.i.b32.b16 v8, v7;
	[tilespmem:s20+$0xFFFFFFA0] =	vst v2;
	v9 =	vunpack.i.u.s16.s32 v13;
	v7 =	vunpack.i.l.s16.s32 v13;
	v2 =	vld [tilespmem:s22+$0xFFFFFE60]  }
0x5e: {  	[tilespmem:s20+$0x20] =	vst v5;
	v13 =	vpack.i.b32.b16 v7, v3;
	v7 =	vunpack.i.u.s16.s32 v12;
	v8 =	vunpack.i.l.s16.s32 v12;
	v3 =	vld [tilespmem:s22+$0x60]  }
0x5f: {  	v10 =	vpack.i.b32.b16 v9, v10;
	v5 =	vld [tilespmem:s22+$0xFFFFFE00];
	[tilespmem:s20+$0xFFFFFFB0] =	vst v13;
	v9 =	vunpack.i.u.s16.s32 v11;
	v11 =	vunpack.i.l.s16.s32 v11;
	s22 =	sadd.s32 $0x80, s22  }
0x60: {  	[tilespmem:s20+$0x30] =	vst v10;
	v8 =	vpack.i.b32.b16 v11, v8  }
0x61: {  	v51 =	vunpack.i.l.s16.s32 v4;
	v7 =	vpack.i.b32.b16 v9, v7;
	[tilespmem:s20+$0xFFFFFFC0] =	vst v8;
	v52 =	vunpack.i.l.s16.s32 v6  }
0x62: {  	v53 =	vunpack.i.u.s16.s32 v4;
	s18 =	sadd.s32 $0x1, s18;
	v54 =	vunpack.i.u.s16.s32 v6;
	[tilespmem:s20+$0x40] =	vst v7;
	v55 =	vpack.i.b32.b16 v52, v51  }
0x63: {  	p0 =	sne.s32 s18, s15;
	v56 =	vunpack.i.l.s16.s32 v2;
	v4 =	vpack.i.b32.b16 v54, v53;
	[tilespmem:s20+$0xFFFFFFD0] =	vst v55;
	v57 =	vunpack.i.l.s16.s32 v3  }
.Ltmp5:
0x64: {  	[tilespmem:s20+$0x50] =	vst v4;
	v58 =	vunpack.i.l.s16.s32 v5;
	v59 =	vpack.i.b32.b16 v57, v56;
	(pc) =	sbr.rel @p0 .LBB1_4-.Ltmp5, $4  }
.Ltmp6:
0x65: {  	v61 =	vunpack.i.u.s16.s32 v2;
	v62 =	vunpack.i.u.s16.s32 v3;
	v1 =	vpack.i.b32.b16 v1, v58;
	[tilespmem:s20+$0xFFFFFFE0] =	vst v59;
	(pc) =	sbr.rel @!p0 .LBB1_7-.Ltmp6, $4  }
0x66: {  	v60 =	vunpack.i.u.s16.s32 v5;
	v63 =	vpack.i.b32.b16 v62, v61;
	[tilespmem:s20+$0xFFFFFF80] =	vst v1  }
0x67: {  	v0 =	vpack.i.b32.b16 v0, v60;
	[tilespmem:s19+$0x60] =	vst v63  }
0x68: {  	s16 =	sadd.s32 $0x400, s16;
	s17 =	sadd.s32 $0x400, s17;
	[tilespmem:s19+$0x0] =	vst v0  }
0x69: {  	_ = 	snop  }
.LBB1_9:
0x6a: {  	_ =	sfence.sel $0x180000  }
0x6b: {  	s2 =	simm.s32 $0x1;
	[bflag:$0x0] =	sbarrier.arrive $0xFFFF  }
0x6c: {  	s31 =	simm.s32 $0x2;
	[sflag:s2] =	ssyncpa.u1 $0x1  }
0x6d: {  	[sflag:s31] =	ssyncpa.u1 $0x1  }
0x6e: {  	p0 =	sne.s32 s1, $0x0;
	_ =	strace $0x9000004A  }
0x6f: {  	s0 =	sadd.s32 @!p0 $0x100000, s0;
	[bflag:$0x2] =	sbarrier.arrive $0xFFFF  }
0x70: {  	[sflag:s0] =	ssyncadd.tile.s32 @!p0 $0x1;
	_ =	shalt  }
.Lfunc_end1:
_tile_overlayer_lowered:
.L_overlay_start_2:
0x71: {  	(tag) =	ssettag $0x2  }
0x72: {  	s0 =	rddreg [dreg:$0x0];
	s2 =	stileid.u32  }
0x73: {  	s1 =	rddreg [dreg:$0x1];
	p0 =	sne.s32 s2, $0x0  }
0x74: {  	s3 =	rddreg [dreg:$0x2];
	[bflag:$0x3] =	sbarrier.arrive $0xFFFF;
	s2 =	simm.s32 @!p0 $0x1C01  }
0x75: {  	[timem:s3], [sflag:s2] =	dma.local @!p0 [hbm:s0], s1  }
0x76: {  	s0 =	simm.s32 @!p0 $0x1  }
0x77: {  	_ =	swait.ge @!p0 [sflag:s0], s1  }
0x78: {  	s1 =	ssub.s32 @!p0 $0x0, s1;
	[sflag:s0] =	ssyncset.done @!p0 $0x0  }
0x79: {  	[sflag:s0] =	ssyncadd.s32 @!p0 s1  }
0x7a: {  	[bflag:$0x3] =	sbarrier.arrive $0xFFFF  }
0x7b: {  	_ =	shalt  }

</sc_bundles>
